<compile_context>
chip_gen: v7x
topology: tpu7x:2x2x1
jax: 0.10.2.dev20260603
libtpu: 0.0.44.dev20260713+nightly
codegen_flags: <defaults>
</compile_context>

<pallas_src>
import functools

import jax
import jax.numpy as jnp
from jax import lax
from jax.experimental import pallas as pl
from jax.experimental.pallas import tpu as pltpu
from jax.experimental.pallas import tpu_sc as plsc

DIM = 64
LANES = 16
IDX_CHUNK = 4096


def _encoder_call(B, V):
    info = plsc.get_sparse_core_info()
    nw = info.num_cores * info.num_subcores
    f_per_w = DIM // nw
    n_chunks = B // IDX_CHUNK
    mesh = plsc.VectorSubcoreMesh(core_axis_name="c", subcore_axis_name="s")

    @functools.partial(
        pl.kernel,
        mesh=mesh,
        out_type=jax.ShapeDtypeStruct((DIM, B), jnp.float32),
        compiler_params=pltpu.CompilerParams(use_tc_tiling_on_sc=True,
                                             needs_layout_passes=False),
        scratch_types=[
            pltpu.VMEM((V,), jnp.float32),
            pltpu.VMEM((B,), jnp.float32),
            pltpu.VMEM((2, IDX_CHUNK), jnp.int32),
            pltpu.SemaphoreType.DMA,
            pltpu.SemaphoreType.DMA,
        ],
    )
    def run(cat_h, col_h, fab_h, ct_h, co_h, fb_h, out_h, row, acc, ixb,
            sem, sem_i):
        wid = lax.axis_index("s") * info.num_cores + lax.axis_index("c")
        for fi in range(f_per_w):
            f = wid + fi * nw
            for t, (tbl, idx_h) in enumerate(
                    [(ct_h, cat_h), (co_h, col_h), (fb_h, fab_h)]):
                rcp = pltpu.async_copy(tbl.at[f], row, sem)
                cps = [pltpu.async_copy(
                    idx_h.at[pl.ds(ci * IDX_CHUNK, IDX_CHUNK)],
                    ixb.at[ci % 2], sem_i) for ci in range(2)]
                rcp.wait()
                for ci in range(n_chunks):
                    cps[ci].wait()

                    @plsc.parallel_loop(0, IDX_CHUNK, step=LANES,
                                        unroll=8)
                    def gloop(k, _t=t, _ci=ci):
                        iv = ixb[_ci % 2, pl.ds(k, LANES)]
                        g = plsc.load_gather(row, [iv])
                        o = pl.ds(_ci * IDX_CHUNK + k, LANES)
                        if _t == 0:
                            acc[o] = g
                        else:
                            plsc.addupdate(acc.at[o], g)
                    if ci + 2 < n_chunks:
                        cps.append(pltpu.async_copy(
                            idx_h.at[pl.ds((ci + 2) * IDX_CHUNK, IDX_CHUNK)],
                            ixb.at[ci % 2], sem_i))
            pltpu.sync_copy(acc, out_h.at[f])

    return run


def kernel(cat, col, fab, cat_table, col_table, fab_table):
    B = cat.shape[0]
    V = cat_table.shape[0]
    run = _encoder_call(B, V)
    out_t = run(cat.astype(jnp.int32), col.astype(jnp.int32),
                fab.astype(jnp.int32),
                cat_table.T, col_table.T, fab_table.T)
    return out_t.T

# --- scband reference (transcript-rebuilt; emitter-appended) ---
"""Pipeline reference for scband-attribute-encoder-47734266528165 (READ-ONLY COPY).

The authoritative reference and input builder live on the scoring server;
editing this copy changes nothing except your own understanding.
"""

import jax, jax.numpy as jnp
import numpy as np

B = 16384
NUM_CAT = 100000
NUM_COL = 100000
NUM_FAB = 100000
DIM = 64


def setup_inputs(seed: int = 0) -> dict:
    key = jax.random.key(seed)
    k1, k2, k3, k4, k5, k6 = jax.random.split(key, 6)
    cat = jax.random.randint(k1, (B,), 0, NUM_CAT, dtype=jnp.int64 if jax.config.jax_enable_x64 else jnp.int32)
    col = jax.random.randint(k2, (B,), 0, NUM_COL, dtype=jnp.int64 if jax.config.jax_enable_x64 else jnp.int32)
    fab = jax.random.randint(k3, (B,), 0, NUM_FAB, dtype=jnp.int64 if jax.config.jax_enable_x64 else jnp.int32)
    cat_table = jax.random.normal(k4, (NUM_CAT, DIM), dtype=jnp.float32)
    col_table = jax.random.normal(k5, (NUM_COL, DIM), dtype=jnp.float32)
    fab_table = jax.random.normal(k6, (NUM_FAB, DIM), dtype=jnp.float32)
    return {"cat": cat, "col": col, "fab": fab,
            "cat_table": cat_table, "col_table": col_table, "fab_table": fab_table}


def reference(cat, col, fab, cat_table, col_table, fab_table):
    # nn.Embedding lookups (dropout in eval mode is identity)
    cat_emb = jnp.take(cat_table, cat, axis=0)
    col_emb = jnp.take(col_table, col, axis=0)
    fab_emb = jnp.take(fab_table, fab, axis=0)
    attribute_embeddings = cat_emb + col_emb + fab_emb
    return attribute_embeddings

if __name__ == "__main__":
    import jax
    _d = setup_inputs()
    print(jax.jit(kernel)(*tuple(_d.values())))

</pallas_src>

<mosaic_0001>
#map = affine_map<(d0, d1) -> (0)>
#map1 = affine_map<(d0, d1) -> (0, 0)>
module attributes {stable_mosaic.version = 14 : i64} {
  func.func @run(%arg0: i32, %arg1: i32, %arg2: memref<16384xi32, #tpu.memory_space<hbm>>, %arg3: memref<16384xi32, #tpu.memory_space<hbm>>, %arg4: memref<16384xi32, #tpu.memory_space<hbm>>, %arg5: memref<64x100000xf32, #tpu.memory_space<hbm>>, %arg6: memref<64x100000xf32, #tpu.memory_space<hbm>>, %arg7: memref<64x100000xf32, #tpu.memory_space<hbm>>, %arg8: memref<64x16384xf32, #tpu.memory_space<hbm>>, %arg9: memref<100000xf32, #tpu.memory_space<vmem>>, %arg10: memref<16384xf32, #tpu.memory_space<vmem>>, %arg11: memref<2x4096xi32, #tpu.memory_space<vmem>>, %arg12: memref<!tpu.dma_semaphore, #tpu.memory_space<semaphore_mem>>, %arg13: memref<!tpu.dma_semaphore, #tpu.memory_space<semaphore_mem>>) attributes {dimension_semantics = [#tpu.dimension_semantics<core_parallel>, #tpu.dimension_semantics<subcore_parallel>], iteration_bounds = array<i64: 2, 16>, scalar_prefetch = 0 : i64, scratch_operands = 5 : i64, tpu.core_type = #tpu.core_type<sc_vector_subcore>, window_params = [{transform_indices = #map}, {transform_indices = #map}, {transform_indices = #map}, {transform_indices = #map1}, {transform_indices = #map1}, {transform_indices = #map1}, {transform_indices = #map1}]} {
    %mul3A = arith.constant 2 : i32
    %mul3A_0 = arith.muli %arg1, %mul3A : i32
    %add3A = arith.addi %mul3A_0, %arg0 : i32
    %add3A_1 = arith.constant 0 : i32
    %add3A_2 = arith.addi %add3A, %add3A_1 : i32
    %dma_start3A = arith.constant 0 : i32
    %dma_start3A_3 = tpu.memref_slice %arg5[%add3A_2, %dma_start3A] : memref<64x100000xf32, #tpu.memory_space<hbm>> -> memref<1x100000xf32, #tpu.memory_space<hbm>>
    %dma_start3A_4 = tpu.memref_squeeze %dma_start3A_3 : memref<1x100000xf32, #tpu.memory_space<hbm>> -> memref<100000xf32, #tpu.memory_space<hbm>>
    %dma_start3A_5 = arith.constant 0 : i32
    %dma_start3A_6 = tpu.memref_slice %arg5[%add3A_2, %dma_start3A_5] : memref<64x100000xf32, #tpu.memory_space<hbm>> -> memref<1x100000xf32, #tpu.memory_space<hbm>>
    %dma_start3A_7 = tpu.memref_squeeze %dma_start3A_6 : memref<1x100000xf32, #tpu.memory_space<hbm>> -> memref<100000xf32, #tpu.memory_space<hbm>>
    tpu.enqueue_dma source(%dma_start3A_7 : memref<100000xf32, #tpu.memory_space<hbm>>) target(%arg9 : memref<100000xf32, #tpu.memory_space<vmem>>) target_semaphore(%arg12 : memref<!tpu.dma_semaphore, #tpu.memory_space<semaphore_mem>>)
    %dma_start3A_8 = arith.constant 0 : i32
    %dma_start3A_9 = arith.constant 0 : i32
    %dma_start3A_10 = tpu.memref_slice %arg11[%dma_start3A_8, %dma_start3A_9] : memref<2x4096xi32, #tpu.memory_space<vmem>> -> memref<1x4096xi32, #tpu.memory_space<vmem>>
    %dma_start3A_11 = tpu.memref_squeeze %dma_start3A_10 : memref<1x4096xi32, #tpu.memory_space<vmem>> -> memref<4096xi32, #tpu.memory_space<vmem>>
    %dma_start3A_12 = arith.constant 0 : i32
    %dma_start3A_13 = tpu.memref_slice %arg2[%dma_start3A_12] : memref<16384xi32, #tpu.memory_space<hbm>> -> memref<4096xi32, #tpu.memory_space<hbm>>
    %dma_start3A_14 = arith.constant 0 : i32
    %dma_start3A_15 = tpu.memref_slice %arg11[%dma_start3A_8, %dma_start3A_14] : memref<2x4096xi32, #tpu.memory_space<vmem>> -> memref<1x4096xi32, #tpu.memory_space<vmem>>
    %dma_start3A_16 = tpu.memref_squeeze %dma_start3A_15 : memref<1x4096xi32, #tpu.memory_space<vmem>> -> memref<4096xi32, #tpu.memory_space<vmem>>
    %dma_start3A_17 = arith.constant 0 : i32
    %dma_start3A_18 = tpu.memref_slice %arg2[%dma_start3A_17] : memref<16384xi32, #tpu.memory_space<hbm>> -> memref<4096xi32, #tpu.memory_space<hbm>>
    tpu.enqueue_dma source(%dma_start3A_18 : memref<4096xi32, #tpu.memory_space<hbm>>) target(%dma_start3A_16 : memref<4096xi32, #tpu.memory_space<vmem>>) target_semaphore(%arg13 : memref<!tpu.dma_semaphore, #tpu.memory_space<semaphore_mem>>)
    %dma_start3A_19 = arith.constant 1 : i32
    %dma_start3A_20 = arith.constant 0 : i32
    %dma_start3A_21 = tpu.memref_slice %arg11[%dma_start3A_19, %dma_start3A_20] : memref<2x4096xi32, #tpu.memory_space<vmem>> -> memref<1x4096xi32, #tpu.memory_space<vmem>>
    %dma_start3A_22 = tpu.memref_squeeze %dma_start3A_21 : memref<1x4096xi32, #tpu.memory_space<vmem>> -> memref<4096xi32, #tpu.memory_space<vmem>>
    %dma_start3A_23 = arith.constant 4096 : i32
    %dma_start3A_24 = tpu.memref_slice %arg2[%dma_start3A_23] : memref<16384xi32, #tpu.memory_space<hbm>> -> memref<4096xi32, #tpu.memory_space<hbm>>
    %dma_start3A_25 = arith.constant 0 : i32
    %dma_start3A_26 = tpu.memref_slice %arg11[%dma_start3A_19, %dma_start3A_25] : memref<2x4096xi32, #tpu.memory_space<vmem>> -> memref<1x4096xi32, #tpu.memory_space<vmem>>
    %dma_start3A_27 = tpu.memref_squeeze %dma_start3A_26 : memref<1x4096xi32, #tpu.memory_space<vmem>> -> memref<4096xi32, #tpu.memory_space<vmem>>
    %dma_start3A_28 = arith.constant 4096 : i32
    %dma_start3A_29 = tpu.memref_slice %arg2[%dma_start3A_28] : memref<16384xi32, #tpu.memory_space<hbm>> -> memref<4096xi32, #tpu.memory_space<hbm>>
    tpu.enqueue_dma source(%dma_start3A_29 : memref<4096xi32, #tpu.memory_space<hbm>>) target(%dma_start3A_27 : memref<4096xi32, #tpu.memory_space<vmem>>) target_semaphore(%arg13 : memref<!tpu.dma_semaphore, #tpu.memory_space<semaphore_mem>>)
    %dma_wait3A = arith.constant 0 : i32
    %dma_wait3A_30 = tpu.memref_slice %arg5[%add3A_2, %dma_wait3A] : memref<64x100000xf32, #tpu.memory_space<hbm>> -> memref<1x100000xf32, #tpu.memory_space<hbm>>
    %dma_wait3A_31 = tpu.memref_squeeze %dma_wait3A_30 : memref<1x100000xf32, #tpu.memory_space<hbm>> -> memref<100000xf32, #tpu.memory_space<hbm>>
    %dma_wait3A_32 = arith.constant 0 : i32
    %dma_wait3A_33 = tpu.memref_slice %arg5[%add3A_2, %dma_wait3A_32] : memref<64x100000xf32, #tpu.memory_space<hbm>> -> memref<1x100000xf32, #tpu.memory_space<hbm>>
    %dma_wait3A_34 = tpu.memref_squeeze %dma_wait3A_33 : memref<1x100000xf32, #tpu.memory_space<hbm>> -> memref<100000xf32, #tpu.memory_space<hbm>>
    tpu.wait_dma2 semaphore(%arg12 : memref<!tpu.dma_semaphore, #tpu.memory_space<semaphore_mem>>) src(%dma_wait3A_34 : memref<100000xf32, #tpu.memory_space<hbm>>) dst(%arg9 : memref<100000xf32, #tpu.memory_space<vmem>>)
    %dma_wait3A_35 = arith.constant 0 : i32
    %dma_wait3A_36 = arith.constant 0 : i32
    %dma_wait3A_37 = tpu.memref_slice %arg11[%dma_wait3A_35, %dma_wait3A_36] : memref<2x4096xi32, #tpu.memory_space<vmem>> -> memref<1x4096xi32, #tpu.memory_space<vmem>>
    %dma_wait3A_38 = tpu.memref_squeeze %dma_wait3A_37 : memref<1x4096xi32, #tpu.memory_space<vmem>> -> memref<4096xi32, #tpu.memory_space<vmem>>
    %dma_wait3A_39 = arith.constant 0 : i32
    %dma_wait3A_40 = tpu.memref_slice %arg2[%dma_wait3A_39] : memref<16384xi32, #tpu.memory_space<hbm>> -> memref<4096xi32, #tpu.memory_space<hbm>>
    %dma_wait3A_41 = arith.constant 0 : i32
    %dma_wait3A_42 = tpu.memref_slice %arg11[%dma_wait3A_35, %dma_wait3A_41] : memref<2x4096xi32, #tpu.memory_space<vmem>> -> memref<1x4096xi32, #tpu.memory_space<vmem>>
    %dma_wait3A_43 = tpu.memref_squeeze %dma_wait3A_42 : memref<1x4096xi32, #tpu.memory_space<vmem>> -> memref<4096xi32, #tpu.memory_space<vmem>>
    %dma_wait3A_44 = arith.constant 0 : i32
    %dma_wait3A_45 = tpu.memref_slice %arg2[%dma_wait3A_44] : memref<16384xi32, #tpu.memory_space<hbm>> -> memref<4096xi32, #tpu.memory_space<hbm>>
    tpu.wait_dma2 semaphore(%arg13 : memref<!tpu.dma_semaphore, #tpu.memory_space<semaphore_mem>>) src(%dma_wait3A_45 : memref<4096xi32, #tpu.memory_space<hbm>>) dst(%dma_wait3A_43 : memref<4096xi32, #tpu.memory_space<vmem>>)
    %parallel_loop3A = arith.constant 0 : i32
    %parallel_loop3A_46 = arith.constant 4096 : i32
    %parallel_loop3A_47 = arith.constant 16 : i32
    scf.for %parallel_loop3A_674 = %parallel_loop3A to %parallel_loop3A_46 step %parallel_loop3A_47  : i32 {
      %parallel_loop3A_675 = arith.constant 0 : i32
      %parallel_loop3A_676 = arith.index_cast %parallel_loop3A_675 : i32 to index
      %parallel_loop3A_677 = arith.index_cast %parallel_loop3A_674 : i32 to index
      %parallel_loop3A_678 = tpu.vector_load %arg11[%parallel_loop3A_676, %parallel_loop3A_677] {strides = array<i32>} : memref<2x4096xi32, #tpu.memory_space<vmem>>, vector<16xi32>,
      %parallel_loop3A_679 = tpu.vector_load_idx %arg9[%parallel_loop3A_678] : memref<100000xf32, #tpu.memory_space<vmem>>[vector<16xi32>], vector<16xf32>,
      %parallel_loop3A_680 = arith.constant 0 : i32
      %parallel_loop3A_681 = arith.addi %parallel_loop3A_680, %parallel_loop3A_674 : i32
      %parallel_loop3A_682 = arith.index_cast %parallel_loop3A_681 : i32 to index
      %parallel_loop3A_683 = tpu.vector_load %arg10[%parallel_loop3A_682] {strides = array<i32>} : memref<16384xf32, #tpu.memory_space<vmem>>, vector<16xf32>,
      tpu.vector_store %arg10[%parallel_loop3A_682], %parallel_loop3A_679 {strides = array<i32>} : memref<16384xf32, #tpu.memory_space<vmem>>, vector<16xf32>,
    } {sc.loop_unroll_factor = 8 : i64, sc.parallel_access}
    %dma_start3A_48 = arith.constant 0 : i32
    %dma_start3A_49 = arith.constant 0 : i32
    %dma_start3A_50 = tpu.memref_slice %arg11[%dma_start3A_48, %dma_start3A_49] : memref<2x4096xi32, #tpu.memory_space<vmem>> -> memref<1x4096xi32, #tpu.memory_space<vmem>>
    %dma_start3A_51 = tpu.memref_squeeze %dma_start3A_50 : memref<1x4096xi32, #tpu.memory_space<vmem>> -> memref<4096xi32, #tpu.memory_space<vmem>>
    %dma_start3A_52 = arith.constant 8192 : i32
    %dma_start3A_53 = tpu.memref_slice %arg2[%dma_start3A_52] : memref<16384xi32, #tpu.memory_space<hbm>> -> memref<4096xi32, #tpu.memory_space<hbm>>
    %dma_start3A_54 = arith.constant 0 : i32
    %dma_start3A_55 = tpu.memref_slice %arg11[%dma_start3A_48, %dma_start3A_54] : memref<2x4096xi32, #tpu.memory_space<vmem>> -> memref<1x4096xi32, #tpu.memory_space<vmem>>
    %dma_start3A_56 = tpu.memref_squeeze %dma_start3A_55 : memref<1x4096xi32, #tpu.memory_space<vmem>> -> memref<4096xi32, #tpu.memory_space<vmem>>
    %dma_start3A_57 = arith.constant 8192 : i32
    %dma_start3A_58 = tpu.memref_slice %arg2[%dma_start3A_57] : memref<16384xi32, #tpu.memory_space<hbm>> -> memref<4096xi32, #tpu.memory_space<hbm>>
    tpu.enqueue_dma source(%dma_start3A_58 : memref<4096xi32, #tpu.memory_space<hbm>>) target(%dma_start3A_56 : memref<4096xi32, #tpu.memory_space<vmem>>) target_semaphore(%arg13 : memref<!tpu.dma_semaphore, #tpu.memory_space<semaphore_mem>>)
    %dma_wait3A_59 = arith.constant 1 : i32
    %dma_wait3A_60 = arith.constant 0 : i32
    %dma_wait3A_61 = tpu.memref_slice %arg11[%dma_wait3A_59, %dma_wait3A_60] : memref<2x4096xi32, #tpu.memory_space<vmem>> -> memref<1x4096xi32, #tpu.memory_space<vmem>>
    %dma_wait3A_62 = tpu.memref_squeeze %dma_wait3A_61 : memref<1x4096xi32, #tpu.memory_space<vmem>> -> memref<4096xi32, #tpu.memory_space<vmem>>
    %dma_wait3A_63 = arith.constant 4096 : i32
    %dma_wait3A_64 = tpu.memref_slice %arg2[%dma_wait3A_63] : memref<16384xi32, #tpu.memory_space<hbm>> -> memref<4096xi32, #tpu.memory_space<hbm>>
    %dma_wait3A_65 = arith.constant 0 : i32
    %dma_wait3A_66 = tpu.memref_slice %arg11[%dma_wait3A_59, %dma_wait3A_65] : memref<2x4096xi32, #tpu.memory_space<vmem>> -> memref<1x4096xi32, #tpu.memory_space<vmem>>
    %dma_wait3A_67 = tpu.memref_squeeze %dma_wait3A_66 : memref<1x4096xi32, #tpu.memory_space<vmem>> -> memref<4096xi32, #tpu.memory_space<vmem>>
    %dma_wait3A_68 = arith.constant 4096 : i32
    %dma_wait3A_69 = tpu.memref_slice %arg2[%dma_wait3A_68] : memref<16384xi32, #tpu.memory_space<hbm>> -> memref<4096xi32, #tpu.memory_space<hbm>>
    tpu.wait_dma2 semaphore(%arg13 : memref<!tpu.dma_semaphore, #tpu.memory_space<semaphore_mem>>) src(%dma_wait3A_69 : memref<4096xi32, #tpu.memory_space<hbm>>) dst(%dma_wait3A_67 : memref<4096xi32, #tpu.memory_space<vmem>>)
    %parallel_loop3A_70 = arith.constant 0 : i32
    %parallel_loop3A_71 = arith.constant 4096 : i32
    %parallel_loop3A_72 = arith.constant 16 : i32
    scf.for %parallel_loop3A_674 = %parallel_loop3A_70 to %parallel_loop3A_71 step %parallel_loop3A_72  : i32 {
      %parallel_loop3A_675 = arith.constant 1 : i32
      %parallel_loop3A_676 = arith.index_cast %parallel_loop3A_675 : i32 to index
      %parallel_loop3A_677 = arith.index_cast %parallel_loop3A_674 : i32 to index
      %parallel_loop3A_678 = tpu.vector_load %arg11[%parallel_loop3A_676, %parallel_loop3A_677] {strides = array<i32>} : memref<2x4096xi32, #tpu.memory_space<vmem>>, vector<16xi32>,
      %parallel_loop3A_679 = tpu.vector_load_idx %arg9[%parallel_loop3A_678] : memref<100000xf32, #tpu.memory_space<vmem>>[vector<16xi32>], vector<16xf32>,
      %parallel_loop3A_680 = arith.constant 4096 : i32
      %parallel_loop3A_681 = arith.addi %parallel_loop3A_680, %parallel_loop3A_674 : i32
      %parallel_loop3A_682 = arith.index_cast %parallel_loop3A_681 : i32 to index
      %parallel_loop3A_683 = tpu.vector_load %arg10[%parallel_loop3A_682] {strides = array<i32>} : memref<16384xf32, #tpu.memory_space<vmem>>, vector<16xf32>,
      tpu.vector_store %arg10[%parallel_loop3A_682], %parallel_loop3A_679 {strides = array<i32>} : memref<16384xf32, #tpu.memory_space<vmem>>, vector<16xf32>,
    } {sc.loop_unroll_factor = 8 : i64, sc.parallel_access}
    %dma_start3A_73 = arith.constant 1 : i32
    %dma_start3A_74 = arith.constant 0 : i32
    %dma_start3A_75 = tpu.memref_slice %arg11[%dma_start3A_73, %dma_start3A_74] : memref<2x4096xi32, #tpu.memory_space<vmem>> -> memref<1x4096xi32, #tpu.memory_space<vmem>>
    %dma_start3A_76 = tpu.memref_squeeze %dma_start3A_75 : memref<1x4096xi32, #tpu.memory_space<vmem>> -> memref<4096xi32, #tpu.memory_space<vmem>>
    %dma_start3A_77 = arith.constant 12288 : i32
    %dma_start3A_78 = tpu.memref_slice %arg2[%dma_start3A_77] : memref<16384xi32, #tpu.memory_space<hbm>> -> memref<4096xi32, #tpu.memory_space<hbm>>
    %dma_start3A_79 = arith.constant 0 : i32
    %dma_start3A_80 = tpu.memref_slice %arg11[%dma_start3A_73, %dma_start3A_79] : memref<2x4096xi32, #tpu.memory_space<vmem>> -> memref<1x4096xi32, #tpu.memory_space<vmem>>
    %dma_start3A_81 = tpu.memref_squeeze %dma_start3A_80 : memref<1x4096xi32, #tpu.memory_space<vmem>> -> memref<4096xi32, #tpu.memory_space<vmem>>
    %dma_start3A_82 = arith.constant 12288 : i32
    %dma_start3A_83 = tpu.memref_slice %arg2[%dma_start3A_82] : memref<16384xi32, #tpu.memory_space<hbm>> -> memref<4096xi32, #tpu.memory_space<hbm>>
    tpu.enqueue_dma source(%dma_start3A_83 : memref<4096xi32, #tpu.memory_space<hbm>>) target(%dma_start3A_81 : memref<4096xi32, #tpu.memory_space<vmem>>) target_semaphore(%arg13 : memref<!tpu.dma_semaphore, #tpu.memory_space<semaphore_mem>>)
    %dma_wait3A_84 = arith.constant 0 : i32
    %dma_wait3A_85 = arith.constant 0 : i32
    %dma_wait3A_86 = tpu.memref_slice %arg11[%dma_wait3A_84, %dma_wait3A_85] : memref<2x4096xi32, #tpu.memory_space<vmem>> -> memref<1x4096xi32, #tpu.memory_space<vmem>>
    %dma_wait3A_87 = tpu.memref_squeeze %dma_wait3A_86 : memref<1x4096xi32, #tpu.memory_space<vmem>> -> memref<4096xi32, #tpu.memory_space<vmem>>
    %dma_wait3A_88 = arith.constant 8192 : i32
    %dma_wait3A_89 = tpu.memref_slice %arg2[%dma_wait3A_88] : memref<16384xi32, #tpu.memory_space<hbm>> -> memref<4096xi32, #tpu.memory_space<hbm>>
    %dma_wait3A_90 = arith.constant 0 : i32
    %dma_wait3A_91 = tpu.memref_slice %arg11[%dma_wait3A_84, %dma_wait3A_90] : memref<2x4096xi32, #tpu.memory_space<vmem>> -> memref<1x4096xi32, #tpu.memory_space<vmem>>
    %dma_wait3A_92 = tpu.memref_squeeze %dma_wait3A_91 : memref<1x4096xi32, #tpu.memory_space<vmem>> -> memref<4096xi32, #tpu.memory_space<vmem>>
    %dma_wait3A_93 = arith.constant 8192 : i32
    %dma_wait3A_94 = tpu.memref_slice %arg2[%dma_wait3A_93] : memref<16384xi32, #tpu.memory_space<hbm>> -> memref<4096xi32, #tpu.memory_space<hbm>>
    tpu.wait_dma2 semaphore(%arg13 : memref<!tpu.dma_semaphore, #tpu.memory_space<semaphore_mem>>) src(%dma_wait3A_94 : memref<4096xi32, #tpu.memory_space<hbm>>) dst(%dma_wait3A_92 : memref<4096xi32, #tpu.memory_space<vmem>>)
    %parallel_loop3A_95 = arith.constant 0 : i32
    %parallel_loop3A_96 = arith.constant 4096 : i32
    %parallel_loop3A_97 = arith.constant 16 : i32
    scf.for %parallel_loop3A_674 = %parallel_loop3A_95 to %parallel_loop3A_96 step %parallel_loop3A_97  : i32 {
      %parallel_loop3A_675 = arith.constant 0 : i32
      %parallel_loop3A_676 = arith.index_cast %parallel_loop3A_675 : i32 to index
      %parallel_loop3A_677 = arith.index_cast %parallel_loop3A_674 : i32 to index
      %parallel_loop3A_678 = tpu.vector_load %arg11[%parallel_loop3A_676, %parallel_loop3A_677] {strides = array<i32>} : memref<2x4096xi32, #tpu.memory_space<vmem>>, vector<16xi32>,
      %parallel_loop3A_679 = tpu.vector_load_idx %arg9[%parallel_loop3A_678] : memref<100000xf32, #tpu.memory_space<vmem>>[vector<16xi32>], vector<16xf32>,
      %parallel_loop3A_680 = arith.constant 8192 : i32
      %parallel_loop3A_681 = arith.addi %parallel_loop3A_680, %parallel_loop3A_674 : i32
      %parallel_loop3A_682 = arith.index_cast %parallel_loop3A_681 : i32 to index
      %parallel_loop3A_683 = tpu.vector_load %arg10[%parallel_loop3A_682] {strides = array<i32>} : memref<16384xf32, #tpu.memory_space<vmem>>, vector<16xf32>,
      tpu.vector_store %arg10[%parallel_loop3A_682], %parallel_loop3A_679 {strides = array<i32>} : memref<16384xf32, #tpu.memory_space<vmem>>, vector<16xf32>,
    } {sc.loop_unroll_factor = 8 : i64, sc.parallel_access}
    %dma_wait3A_98 = arith.constant 1 : i32
    %dma_wait3A_99 = arith.constant 0 : i32
    %dma_wait3A_100 = tpu.memref_slice %arg11[%dma_wait3A_98, %dma_wait3A_99] : memref<2x4096xi32, #tpu.memory_space<vmem>> -> memref<1x4096xi32, #tpu.memory_space<vmem>>
    %dma_wait3A_101 = tpu.memref_squeeze %dma_wait3A_100 : memref<1x4096xi32, #tpu.memory_space<vmem>> -> memref<4096xi32, #tpu.memory_space<vmem>>
    %dma_wait3A_102 = arith.constant 12288 : i32
    %dma_wait3A_103 = tpu.memref_slice %arg2[%dma_wait3A_102] : memref<16384xi32, #tpu.memory_space<hbm>> -> memref<4096xi32, #tpu.memory_space<hbm>>
    %dma_wait3A_104 = arith.constant 0 : i32
    %dma_wait3A_105 = tpu.memref_slice %arg11[%dma_wait3A_98, %dma_wait3A_104] : memref<2x4096xi32, #tpu.memory_space<vmem>> -> memref<1x4096xi32, #tpu.memory_space<vmem>>
    %dma_wait3A_106 = tpu.memref_squeeze %dma_wait3A_105 : memref<1x4096xi32, #tpu.memory_space<vmem>> -> memref<4096xi32, #tpu.memory_space<vmem>>
    %dma_wait3A_107 = arith.constant 12288 : i32
    %dma_wait3A_108 = tpu.memref_slice %arg2[%dma_wait3A_107] : memref<16384xi32, #tpu.memory_space<hbm>> -> memref<4096xi32, #tpu.memory_space<hbm>>
    tpu.wait_dma2 semaphore(%arg13 : memref<!tpu.dma_semaphore, #tpu.memory_space<semaphore_mem>>) src(%dma_wait3A_108 : memref<4096xi32, #tpu.memory_space<hbm>>) dst(%dma_wait3A_106 : memref<4096xi32, #tpu.memory_space<vmem>>)
    %parallel_loop3A_109 = arith.constant 0 : i32
    %parallel_loop3A_110 = arith.constant 4096 : i32
    %parallel_loop3A_111 = arith.constant 16 : i32
    scf.for %parallel_loop3A_674 = %parallel_loop3A_109 to %parallel_loop3A_110 step %parallel_loop3A_111  : i32 {
      %parallel_loop3A_675 = arith.constant 1 : i32
      %parallel_loop3A_676 = arith.index_cast %parallel_loop3A_675 : i32 to index
      %parallel_loop3A_677 = arith.index_cast %parallel_loop3A_674 : i32 to index
      %parallel_loop3A_678 = tpu.vector_load %arg11[%parallel_loop3A_676, %parallel_loop3A_677] {strides = array<i32>} : memref<2x4096xi32, #tpu.memory_space<vmem>>, vector<16xi32>,
      %parallel_loop3A_679 = tpu.vector_load_idx %arg9[%parallel_loop3A_678] : memref<100000xf32, #tpu.memory_space<vmem>>[vector<16xi32>], vector<16xf32>,
      %parallel_loop3A_680 = arith.constant 12288 : i32
      %parallel_loop3A_681 = arith.addi %parallel_loop3A_680, %parallel_loop3A_674 : i32
      %parallel_loop3A_682 = arith.index_cast %parallel_loop3A_681 : i32 to index
      %parallel_loop3A_683 = tpu.vector_load %arg10[%parallel_loop3A_682] {strides = array<i32>} : memref<16384xf32, #tpu.memory_space<vmem>>, vector<16xf32>,
      tpu.vector_store %arg10[%parallel_loop3A_682], %parallel_loop3A_679 {strides = array<i32>} : memref<16384xf32, #tpu.memory_space<vmem>>, vector<16xf32>,
    } {sc.loop_unroll_factor = 8 : i64, sc.parallel_access}
    %dma_start3A_112 = arith.constant 0 : i32
    %dma_start3A_113 = tpu.memref_slice %arg6[%add3A_2, %dma_start3A_112] : memref<64x100000xf32, #tpu.memory_space<hbm>> -> memref<1x100000xf32, #tpu.memory_space<hbm>>
    %dma_start3A_114 = tpu.memref_squeeze %dma_start3A_113 : memref<1x100000xf32, #tpu.memory_space<hbm>> -> memref<100000xf32, #tpu.memory_space<hbm>>
    %dma_start3A_115 = arith.constant 0 : i32
    %dma_start3A_116 = tpu.memref_slice %arg6[%add3A_2, %dma_start3A_115] : memref<64x100000xf32, #tpu.memory_space<hbm>> -> memref<1x100000xf32, #tpu.memory_space<hbm>>
    %dma_start3A_117 = tpu.memref_squeeze %dma_start3A_116 : memref<1x100000xf32, #tpu.memory_space<hbm>> -> memref<100000xf32, #tpu.memory_space<hbm>>
    tpu.enqueue_dma source(%dma_start3A_117 : memref<100000xf32, #tpu.memory_space<hbm>>) target(%arg9 : memref<100000xf32, #tpu.memory_space<vmem>>) target_semaphore(%arg12 : memref<!tpu.dma_semaphore, #tpu.memory_space<semaphore_mem>>)
    %dma_start3A_118 = arith.constant 0 : i32
    %dma_start3A_119 = arith.constant 0 : i32
    %dma_start3A_120 = tpu.memref_slice %arg11[%dma_start3A_118, %dma_start3A_119] : memref<2x4096xi32, #tpu.memory_space<vmem>> -> memref<1x4096xi32, #tpu.memory_space<vmem>>
    %dma_start3A_121 = tpu.memref_squeeze %dma_start3A_120 : memref<1x4096xi32, #tpu.memory_space<vmem>> -> memref<4096xi32, #tpu.memory_space<vmem>>
    %dma_start3A_122 = arith.constant 0 : i32
    %dma_start3A_123 = tpu.memref_slice %arg3[%dma_start3A_122] : memref<16384xi32, #tpu.memory_space<hbm>> -> memref<4096xi32, #tpu.memory_space<hbm>>
    %dma_start3A_124 = arith.constant 0 : i32
    %dma_start3A_125 = tpu.memref_slice %arg11[%dma_start3A_118, %dma_start3A_124] : memref<2x4096xi32, #tpu.memory_space<vmem>> -> memref<1x4096xi32, #tpu.memory_space<vmem>>
    %dma_start3A_126 = tpu.memref_squeeze %dma_start3A_125 : memref<1x4096xi32, #tpu.memory_space<vmem>> -> memref<4096xi32, #tpu.memory_space<vmem>>
    %dma_start3A_127 = arith.constant 0 : i32
    %dma_start3A_128 = tpu.memref_slice %arg3[%dma_start3A_127] : memref<16384xi32, #tpu.memory_space<hbm>> -> memref<4096xi32, #tpu.memory_space<hbm>>
    tpu.enqueue_dma source(%dma_start3A_128 : memref<4096xi32, #tpu.memory_space<hbm>>) target(%dma_start3A_126 : memref<4096xi32, #tpu.memory_space<vmem>>) target_semaphore(%arg13 : memref<!tpu.dma_semaphore, #tpu.memory_space<semaphore_mem>>)
    %dma_start3A_129 = arith.constant 1 : i32
    %dma_start3A_130 = arith.constant 0 : i32
    %dma_start3A_131 = tpu.memref_slice %arg11[%dma_start3A_129, %dma_start3A_130] : memref<2x4096xi32, #tpu.memory_space<vmem>> -> memref<1x4096xi32, #tpu.memory_space<vmem>>
    %dma_start3A_132 = tpu.memref_squeeze %dma_start3A_131 : memref<1x4096xi32, #tpu.memory_space<vmem>> -> memref<4096xi32, #tpu.memory_space<vmem>>
    %dma_start3A_133 = arith.constant 4096 : i32
    %dma_start3A_134 = tpu.memref_slice %arg3[%dma_start3A_133] : memref<16384xi32, #tpu.memory_space<hbm>> -> memref<4096xi32, #tpu.memory_space<hbm>>
    %dma_start3A_135 = arith.constant 0 : i32
    %dma_start3A_136 = tpu.memref_slice %arg11[%dma_start3A_129, %dma_start3A_135] : memref<2x4096xi32, #tpu.memory_space<vmem>> -> memref<1x4096xi32, #tpu.memory_space<vmem>>
    %dma_start3A_137 = tpu.memref_squeeze %dma_start3A_136 : memref<1x4096xi32, #tpu.memory_space<vmem>> -> memref<4096xi32, #tpu.memory_space<vmem>>
    %dma_start3A_138 = arith.constant 4096 : i32
    %dma_start3A_139 = tpu.memref_slice %arg3[%dma_start3A_138] : memref<16384xi32, #tpu.memory_space<hbm>> -> memref<4096xi32, #tpu.memory_space<hbm>>
    tpu.enqueue_dma source(%dma_start3A_139 : memref<4096xi32, #tpu.memory_space<hbm>>) target(%dma_start3A_137 : memref<4096xi32, #tpu.memory_space<vmem>>) target_semaphore(%arg13 : memref<!tpu.dma_semaphore, #tpu.memory_space<semaphore_mem>>)
    %dma_wait3A_140 = arith.constant 0 : i32
    %dma_wait3A_141 = tpu.memref_slice %arg6[%add3A_2, %dma_wait3A_140] : memref<64x100000xf32, #tpu.memory_space<hbm>> -> memref<1x100000xf32, #tpu.memory_space<hbm>>
    %dma_wait3A_142 = tpu.memref_squeeze %dma_wait3A_141 : memref<1x100000xf32, #tpu.memory_space<hbm>> -> memref<100000xf32, #tpu.memory_space<hbm>>
    %dma_wait3A_143 = arith.constant 0 : i32
    %dma_wait3A_144 = tpu.memref_slice %arg6[%add3A_2, %dma_wait3A_143] : memref<64x100000xf32, #tpu.memory_space<hbm>> -> memref<1x100000xf32, #tpu.memory_space<hbm>>
    %dma_wait3A_145 = tpu.memref_squeeze %dma_wait3A_144 : memref<1x100000xf32, #tpu.memory_space<hbm>> -> memref<100000xf32, #tpu.memory_space<hbm>>
    tpu.wait_dma2 semaphore(%arg12 : memref<!tpu.dma_semaphore, #tpu.memory_space<semaphore_mem>>) src(%dma_wait3A_145 : memref<100000xf32, #tpu.memory_space<hbm>>) dst(%arg9 : memref<100000xf32, #tpu.memory_space<vmem>>)
    %dma_wait3A_146 = arith.constant 0 : i32
    %dma_wait3A_147 = arith.constant 0 : i32
    %dma_wait3A_148 = tpu.memref_slice %arg11[%dma_wait3A_146, %dma_wait3A_147] : memref<2x4096xi32, #tpu.memory_space<vmem>> -> memref<1x4096xi32, #tpu.memory_space<vmem>>
    %dma_wait3A_149 = tpu.memref_squeeze %dma_wait3A_148 : memref<1x4096xi32, #tpu.memory_space<vmem>> -> memref<4096xi32, #tpu.memory_space<vmem>>
    %dma_wait3A_150 = arith.constant 0 : i32
    %dma_wait3A_151 = tpu.memref_slice %arg3[%dma_wait3A_150] : memref<16384xi32, #tpu.memory_space<hbm>> -> memref<4096xi32, #tpu.memory_space<hbm>>
    %dma_wait3A_152 = arith.constant 0 : i32
    %dma_wait3A_153 = tpu.memref_slice %arg11[%dma_wait3A_146, %dma_wait3A_152] : memref<2x4096xi32, #tpu.memory_space<vmem>> -> memref<1x4096xi32, #tpu.memory_space<vmem>>
    %dma_wait3A_154 = tpu.memref_squeeze %dma_wait3A_153 : memref<1x4096xi32, #tpu.memory_space<vmem>> -> memref<4096xi32, #tpu.memory_space<vmem>>
    %dma_wait3A_155 = arith.constant 0 : i32
    %dma_wait3A_156 = tpu.memref_slice %arg3[%dma_wait3A_155] : memref<16384xi32, #tpu.memory_space<hbm>> -> memref<4096xi32, #tpu.memory_space<hbm>>
    tpu.wait_dma2 semaphore(%arg13 : memref<!tpu.dma_semaphore, #tpu.memory_space<semaphore_mem>>) src(%dma_wait3A_156 : memref<4096xi32, #tpu.memory_space<hbm>>) dst(%dma_wait3A_154 : memref<4096xi32, #tpu.memory_space<vmem>>)
    %parallel_loop3A_157 = arith.constant 0 : i32
    %parallel_loop3A_158 = arith.constant 4096 : i32
    %parallel_loop3A_159 = arith.constant 16 : i32
    scf.for %parallel_loop3A_674 = %parallel_loop3A_157 to %parallel_loop3A_158 step %parallel_loop3A_159  : i32 {
      %parallel_loop3A_675 = arith.constant 0 : i32
      %parallel_loop3A_676 = arith.index_cast %parallel_loop3A_675 : i32 to index
      %parallel_loop3A_677 = arith.index_cast %parallel_loop3A_674 : i32 to index
      %parallel_loop3A_678 = tpu.vector_load %arg11[%parallel_loop3A_676, %parallel_loop3A_677] {strides = array<i32>} : memref<2x4096xi32, #tpu.memory_space<vmem>>, vector<16xi32>,
      %parallel_loop3A_679 = tpu.vector_load_idx %arg9[%parallel_loop3A_678] : memref<100000xf32, #tpu.memory_space<vmem>>[vector<16xi32>], vector<16xf32>,
      %parallel_loop3A_680 = arith.constant 0 : i32
      %parallel_loop3A_681 = arith.addi %parallel_loop3A_680, %parallel_loop3A_674 : i32
      %parallel_loop3A_682 = arith.index_cast %parallel_loop3A_681 : i32 to index
      %parallel_loop3A_683 = tpu.vector_load %arg10[%parallel_loop3A_682] {strides = array<i32>} : memref<16384xf32, #tpu.memory_space<vmem>>, vector<16xf32>,
      tpu.vector_store %arg10[%parallel_loop3A_682], %parallel_loop3A_679 {add = true, strides = array<i32>} : memref<16384xf32, #tpu.memory_space<vmem>>, vector<16xf32>,
    } {sc.loop_unroll_factor = 8 : i64, sc.parallel_access}
    %dma_start3A_160 = arith.constant 0 : i32
    %dma_start3A_161 = arith.constant 0 : i32
    %dma_start3A_162 = tpu.memref_slice %arg11[%dma_start3A_160, %dma_start3A_161] : memref<2x4096xi32, #tpu.memory_space<vmem>> -> memref<1x4096xi32, #tpu.memory_space<vmem>>
    %dma_start3A_163 = tpu.memref_squeeze %dma_start3A_162 : memref<1x4096xi32, #tpu.memory_space<vmem>> -> memref<4096xi32, #tpu.memory_space<vmem>>
    %dma_start3A_164 = arith.constant 8192 : i32
    %dma_start3A_165 = tpu.memref_slice %arg3[%dma_start3A_164] : memref<16384xi32, #tpu.memory_space<hbm>> -> memref<4096xi32, #tpu.memory_space<hbm>>
    %dma_start3A_166 = arith.constant 0 : i32
    %dma_start3A_167 = tpu.memref_slice %arg11[%dma_start3A_160, %dma_start3A_166] : memref<2x4096xi32, #tpu.memory_space<vmem>> -> memref<1x4096xi32, #tpu.memory_space<vmem>>
    %dma_start3A_168 = tpu.memref_squeeze %dma_start3A_167 : memref<1x4096xi32, #tpu.memory_space<vmem>> -> memref<4096xi32, #tpu.memory_space<vmem>>
    %dma_start3A_169 = arith.constant 8192 : i32
    %dma_start3A_170 = tpu.memref_slice %arg3[%dma_start3A_169] : memref<16384xi32, #tpu.memory_space<hbm>> -> memref<4096xi32, #tpu.memory_space<hbm>>
    tpu.enqueue_dma source(%dma_start3A_170 : memref<4096xi32, #tpu.memory_space<hbm>>) target(%dma_start3A_168 : memref<4096xi32, #tpu.memory_space<vmem>>) target_semaphore(%arg13 : memref<!tpu.dma_semaphore, #tpu.memory_space<semaphore_mem>>)
    %dma_wait3A_171 = arith.constant 1 : i32
    %dma_wait3A_172 = arith.constant 0 : i32
    %dma_wait3A_173 = tpu.memref_slice %arg11[%dma_wait3A_171, %dma_wait3A_172] : memref<2x4096xi32, #tpu.memory_space<vmem>> -> memref<1x4096xi32, #tpu.memory_space<vmem>>
    %dma_wait3A_174 = tpu.memref_squeeze %dma_wait3A_173 : memref<1x4096xi32, #tpu.memory_space<vmem>> -> memref<4096xi32, #tpu.memory_space<vmem>>
    %dma_wait3A_175 = arith.constant 4096 : i32
    %dma_wait3A_176 = tpu.memref_slice %arg3[%dma_wait3A_175] : memref<16384xi32, #tpu.memory_space<hbm>> -> memref<4096xi32, #tpu.memory_space<hbm>>
    %dma_wait3A_177 = arith.constant 0 : i32
    %dma_wait3A_178 = tpu.memref_slice %arg11[%dma_wait3A_171, %dma_wait3A_177] : memref<2x4096xi32, #tpu.memory_space<vmem>> -> memref<1x4096xi32, #tpu.memory_space<vmem>>
    %dma_wait3A_179 = tpu.memref_squeeze %dma_wait3A_178 : memref<1x4096xi32, #tpu.memory_space<vmem>> -> memref<4096xi32, #tpu.memory_space<vmem>>
    %dma_wait3A_180 = arith.constant 4096 : i32
    %dma_wait3A_181 = tpu.memref_slice %arg3[%dma_wait3A_180] : memref<16384xi32, #tpu.memory_space<hbm>> -> memref<4096xi32, #tpu.memory_space<hbm>>
    tpu.wait_dma2 semaphore(%arg13 : memref<!tpu.dma_semaphore, #tpu.memory_space<semaphore_mem>>) src(%dma_wait3A_181 : memref<4096xi32, #tpu.memory_space<hbm>>) dst(%dma_wait3A_179 : memref<4096xi32, #tpu.memory_space<vmem>>)
    %parallel_loop3A_182 = arith.constant 0 : i32
    %parallel_loop3A_183 = arith.constant 4096 : i32
    %parallel_loop3A_184 = arith.constant 16 : i32
    scf.for %parallel_loop3A_674 = %parallel_loop3A_182 to %parallel_loop3A_183 step %parallel_loop3A_184  : i32 {
      %parallel_loop3A_675 = arith.constant 1 : i32
      %parallel_loop3A_676 = arith.index_cast %parallel_loop3A_675 : i32 to index
      %parallel_loop3A_677 = arith.index_cast %parallel_loop3A_674 : i32 to index
      %parallel_loop3A_678 = tpu.vector_load %arg11[%parallel_loop3A_676, %parallel_loop3A_677] {strides = array<i32>} : memref<2x4096xi32, #tpu.memory_space<vmem>>, vector<16xi32>,
      %parallel_loop3A_679 = tpu.vector_load_idx %arg9[%parallel_loop3A_678] : memref<100000xf32, #tpu.memory_space<vmem>>[vector<16xi32>], vector<16xf32>,
      %parallel_loop3A_680 = arith.constant 4096 : i32
      %parallel_loop3A_681 = arith.addi %parallel_loop3A_680, %parallel_loop3A_674 : i32
      %parallel_loop3A_682 = arith.index_cast %parallel_loop3A_681 : i32 to index
      %parallel_loop3A_683 = tpu.vector_load %arg10[%parallel_loop3A_682] {strides = array<i32>} : memref<16384xf32, #tpu.memory_space<vmem>>, vector<16xf32>,
      tpu.vector_store %arg10[%parallel_loop3A_682], %parallel_loop3A_679 {add = true, strides = array<i32>} : memref<16384xf32, #tpu.memory_space<vmem>>, vector<16xf32>,
    } {sc.loop_unroll_factor = 8 : i64, sc.parallel_access}
    %dma_start3A_185 = arith.constant 1 : i32
    %dma_start3A_186 = arith.constant 0 : i32
    %dma_start3A_187 = tpu.memref_slice %arg11[%dma_start3A_185, %dma_start3A_186] : memref<2x4096xi32, #tpu.memory_space<vmem>> -> memref<1x4096xi32, #tpu.memory_space<vmem>>
    %dma_start3A_188 = tpu.memref_squeeze %dma_start3A_187 : memref<1x4096xi32, #tpu.memory_space<vmem>> -> memref<4096xi32, #tpu.memory_space<vmem>>
    %dma_start3A_189 = arith.constant 12288 : i32
    %dma_start3A_190 = tpu.memref_slice %arg3[%dma_start3A_189] : memref<16384xi32, #tpu.memory_space<hbm>> -> memref<4096xi32, #tpu.memory_space<hbm>>
    %dma_start3A_191 = arith.constant 0 : i32
    %dma_start3A_192 = tpu.memref_slice %arg11[%dma_start3A_185, %dma_start3A_191] : memref<2x4096xi32, #tpu.memory_space<vmem>> -> memref<1x4096xi32, #tpu.memory_space<vmem>>
    %dma_start3A_193 = tpu.memref_squeeze %dma_start3A_192 : memref<1x4096xi32, #tpu.memory_space<vmem>> -> memref<4096xi32, #tpu.memory_space<vmem>>
    %dma_start3A_194 = arith.constant 12288 : i32
    %dma_start3A_195 = tpu.memref_slice %arg3[%dma_start3A_194] : memref<16384xi32, #tpu.memory_space<hbm>> -> memref<4096xi32, #tpu.memory_space<hbm>>
    tpu.enqueue_dma source(%dma_start3A_195 : memref<4096xi32, #tpu.memory_space<hbm>>) target(%dma_start3A_193 : memref<4096xi32, #tpu.memory_space<vmem>>) target_semaphore(%arg13 : memref<!tpu.dma_semaphore, #tpu.memory_space<semaphore_mem>>)
    %dma_wait3A_196 = arith.constant 0 : i32
    %dma_wait3A_197 = arith.constant 0 : i32
    %dma_wait3A_198 = tpu.memref_slice %arg11[%dma_wait3A_196, %dma_wait3A_197] : memref<2x4096xi32, #tpu.memory_space<vmem>> -> memref<1x4096xi32, #tpu.memory_space<vmem>>
    %dma_wait3A_199 = tpu.memref_squeeze %dma_wait3A_198 : memref<1x4096xi32, #tpu.memory_space<vmem>> -> memref<4096xi32, #tpu.memory_space<vmem>>
    %dma_wait3A_200 = arith.constant 8192 : i32
    %dma_wait3A_201 = tpu.memref_slice %arg3[%dma_wait3A_200] : memref<16384xi32, #tpu.memory_space<hbm>> -> memref<4096xi32, #tpu.memory_space<hbm>>
    %dma_wait3A_202 = arith.constant 0 : i32
    %dma_wait3A_203 = tpu.memref_slice %arg11[%dma_wait3A_196, %dma_wait3A_202] : memref<2x4096xi32, #tpu.memory_space<vmem>> -> memref<1x4096xi32, #tpu.memory_space<vmem>>
    %dma_wait3A_204 = tpu.memref_squeeze %dma_wait3A_203 : memref<1x4096xi32, #tpu.memory_space<vmem>> -> memref<4096xi32, #tpu.memory_space<vmem>>
    %dma_wait3A_205 = arith.constant 8192 : i32
    %dma_wait3A_206 = tpu.memref_slice %arg3[%dma_wait3A_205] : memref<16384xi32, #tpu.memory_space<hbm>> -> memref<4096xi32, #tpu.memory_space<hbm>>
    tpu.wait_dma2 semaphore(%arg13 : memref<!tpu.dma_semaphore, #tpu.memory_space<semaphore_mem>>) src(%dma_wait3A_206 : memref<4096xi32, #tpu.memory_space<hbm>>) dst(%dma_wait3A_204 : memref<4096xi32, #tpu.memory_space<vmem>>)
    %parallel_loop3A_207 = arith.constant 0 : i32
    %parallel_loop3A_208 = arith.constant 4096 : i32
    %parallel_loop3A_209 = arith.constant 16 : i32
    scf.for %parallel_loop3A_674 = %parallel_loop3A_207 to %parallel_loop3A_208 step %parallel_loop3A_209  : i32 {
      %parallel_loop3A_675 = arith.constant 0 : i32
      %parallel_loop3A_676 = arith.index_cast %parallel_loop3A_675 : i32 to index
      %parallel_loop3A_677 = arith.index_cast %parallel_loop3A_674 : i32 to index
      %parallel_loop3A_678 = tpu.vector_load %arg11[%parallel_loop3A_676, %parallel_loop3A_677] {strides = array<i32>} : memref<2x4096xi32, #tpu.memory_space<vmem>>, vector<16xi32>,
      %parallel_loop3A_679 = tpu.vector_load_idx %arg9[%parallel_loop3A_678] : memref<100000xf32, #tpu.memory_space<vmem>>[vector<16xi32>], vector<16xf32>,
      %parallel_loop3A_680 = arith.constant 8192 : i32
      %parallel_loop3A_681 = arith.addi %parallel_loop3A_680, %parallel_loop3A_674 : i32
      %parallel_loop3A_682 = arith.index_cast %parallel_loop3A_681 : i32 to index
      %parallel_loop3A_683 = tpu.vector_load %arg10[%parallel_loop3A_682] {strides = array<i32>} : memref<16384xf32, #tpu.memory_space<vmem>>, vector<16xf32>,
      tpu.vector_store %arg10[%parallel_loop3A_682], %parallel_loop3A_679 {add = true, strides = array<i32>} : memref<16384xf32, #tpu.memory_space<vmem>>, vector<16xf32>,
    } {sc.loop_unroll_factor = 8 : i64, sc.parallel_access}
    %dma_wait3A_210 = arith.constant 1 : i32
    %dma_wait3A_211 = arith.constant 0 : i32
    %dma_wait3A_212 = tpu.memref_slice %arg11[%dma_wait3A_210, %dma_wait3A_211] : memref<2x4096xi32, #tpu.memory_space<vmem>> -> memref<1x4096xi32, #tpu.memory_space<vmem>>
    %dma_wait3A_213 = tpu.memref_squeeze %dma_wait3A_212 : memref<1x4096xi32, #tpu.memory_space<vmem>> -> memref<4096xi32, #tpu.memory_space<vmem>>
    %dma_wait3A_214 = arith.constant 12288 : i32
    %dma_wait3A_215 = tpu.memref_slice %arg3[%dma_wait3A_214] : memref<16384xi32, #tpu.memory_space<hbm>> -> memref<4096xi32, #tpu.memory_space<hbm>>
    %dma_wait3A_216 = arith.constant 0 : i32
    %dma_wait3A_217 = tpu.memref_slice %arg11[%dma_wait3A_210, %dma_wait3A_216] : memref<2x4096xi32, #tpu.memory_space<vmem>> -> memref<1x4096xi32, #tpu.memory_space<vmem>>
    %dma_wait3A_218 = tpu.memref_squeeze %dma_wait3A_217 : memref<1x4096xi32, #tpu.memory_space<vmem>> -> memref<4096xi32, #tpu.memory_space<vmem>>
    %dma_wait3A_219 = arith.constant 12288 : i32
    %dma_wait3A_220 = tpu.memref_slice %arg3[%dma_wait3A_219] : memref<16384xi32, #tpu.memory_space<hbm>> -> memref<4096xi32, #tpu.memory_space<hbm>>
    tpu.wait_dma2 semaphore(%arg13 : memref<!tpu.dma_semaphore, #tpu.memory_space<semaphore_mem>>) src(%dma_wait3A_220 : memref<4096xi32, #tpu.memory_space<hbm>>) dst(%dma_wait3A_218 : memref<4096xi32, #tpu.memory_space<vmem>>)
    %parallel_loop3A_221 = arith.constant 0 : i32
    %parallel_loop3A_222 = arith.constant 4096 : i32
    %parallel_loop3A_223 = arith.constant 16 : i32
    scf.for %parallel_loop3A_674 = %parallel_loop3A_221 to %parallel_loop3A_222 step %parallel_loop3A_223  : i32 {
      %parallel_loop3A_675 = arith.constant 1 : i32
      %parallel_loop3A_676 = arith.index_cast %parallel_loop3A_675 : i32 to index
      %parallel_loop3A_677 = arith.index_cast %parallel_loop3A_674 : i32 to index
      %parallel_loop3A_678 = tpu.vector_load %arg11[%parallel_loop3A_676, %parallel_loop3A_677] {strides = array<i32>} : memref<2x4096xi32, #tpu.memory_space<vmem>>, vector<16xi32>,
      %parallel_loop3A_679 = tpu.vector_load_idx %arg9[%parallel_loop3A_678] : memref<100000xf32, #tpu.memory_space<vmem>>[vector<16xi32>], vector<16xf32>,
      %parallel_loop3A_680 = arith.constant 12288 : i32
      %parallel_loop3A_681 = arith.addi %parallel_loop3A_680, %parallel_loop3A_674 : i32
      %parallel_loop3A_682 = arith.index_cast %parallel_loop3A_681 : i32 to index
      %parallel_loop3A_683 = tpu.vector_load %arg10[%parallel_loop3A_682] {strides = array<i32>} : memref<16384xf32, #tpu.memory_space<vmem>>, vector<16xf32>,
      tpu.vector_store %arg10[%parallel_loop3A_682], %parallel_loop3A_679 {add = true, strides = array<i32>} : memref<16384xf32, #tpu.memory_space<vmem>>, vector<16xf32>,
    } {sc.loop_unroll_factor = 8 : i64, sc.parallel_access}
    %dma_start3A_224 = arith.constant 0 : i32
    %dma_start3A_225 = tpu.memref_slice %arg7[%add3A_2, %dma_start3A_224] : memref<64x100000xf32, #tpu.memory_space<hbm>> -> memref<1x100000xf32, #tpu.memory_space<hbm>>
    %dma_start3A_226 = tpu.memref_squeeze %dma_start3A_225 : memref<1x100000xf32, #tpu.memory_space<hbm>> -> memref<100000xf32, #tpu.memory_space<hbm>>
    %dma_start3A_227 = arith.constant 0 : i32
    %dma_start3A_228 = tpu.memref_slice %arg7[%add3A_2, %dma_start3A_227] : memref<64x100000xf32, #tpu.memory_space<hbm>> -> memref<1x100000xf32, #tpu.memory_space<hbm>>
    %dma_start3A_229 = tpu.memref_squeeze %dma_start3A_228 : memref<1x100000xf32, #tpu.memory_space<hbm>> -> memref<100000xf32, #tpu.memory_space<hbm>>
    tpu.enqueue_dma source(%dma_start3A_229 : memref<100000xf32, #tpu.memory_space<hbm>>) target(%arg9 : memref<100000xf32, #tpu.memory_space<vmem>>) target_semaphore(%arg12 : memref<!tpu.dma_semaphore, #tpu.memory_space<semaphore_mem>>)
    %dma_start3A_230 = arith.constant 0 : i32
    %dma_start3A_231 = arith.constant 0 : i32
    %dma_start3A_232 = tpu.memref_slice %arg11[%dma_start3A_230, %dma_start3A_231] : memref<2x4096xi32, #tpu.memory_space<vmem>> -> memref<1x4096xi32, #tpu.memory_space<vmem>>
    %dma_start3A_233 = tpu.memref_squeeze %dma_start3A_232 : memref<1x4096xi32, #tpu.memory_space<vmem>> -> memref<4096xi32, #tpu.memory_space<vmem>>
    %dma_start3A_234 = arith.constant 0 : i32
    %dma_start3A_235 = tpu.memref_slice %arg4[%dma_start3A_234] : memref<16384xi32, #tpu.memory_space<hbm>> -> memref<4096xi32, #tpu.memory_space<hbm>>
    %dma_start3A_236 = arith.constant 0 : i32
    %dma_start3A_237 = tpu.memref_slice %arg11[%dma_start3A_230, %dma_start3A_236] : memref<2x4096xi32, #tpu.memory_space<vmem>> -> memref<1x4096xi32, #tpu.memory_space<vmem>>
    %dma_start3A_238 = tpu.memref_squeeze %dma_start3A_237 : memref<1x4096xi32, #tpu.memory_space<vmem>> -> memref<4096xi32, #tpu.memory_space<vmem>>
    %dma_start3A_239 = arith.constant 0 : i32
    %dma_start3A_240 = tpu.memref_slice %arg4[%dma_start3A_239] : memref<16384xi32, #tpu.memory_space<hbm>> -> memref<4096xi32, #tpu.memory_space<hbm>>
    tpu.enqueue_dma source(%dma_start3A_240 : memref<4096xi32, #tpu.memory_space<hbm>>) target(%dma_start3A_238 : memref<4096xi32, #tpu.memory_space<vmem>>) target_semaphore(%arg13 : memref<!tpu.dma_semaphore, #tpu.memory_space<semaphore_mem>>)
    %dma_start3A_241 = arith.constant 1 : i32
    %dma_start3A_242 = arith.constant 0 : i32
    %dma_start3A_243 = tpu.memref_slice %arg11[%dma_start3A_241, %dma_start3A_242] : memref<2x4096xi32, #tpu.memory_space<vmem>> -> memref<1x4096xi32, #tpu.memory_space<vmem>>
    %dma_start3A_244 = tpu.memref_squeeze %dma_start3A_243 : memref<1x4096xi32, #tpu.memory_space<vmem>> -> memref<4096xi32, #tpu.memory_space<vmem>>
    %dma_start3A_245 = arith.constant 4096 : i32
    %dma_start3A_246 = tpu.memref_slice %arg4[%dma_start3A_245] : memref<16384xi32, #tpu.memory_space<hbm>> -> memref<4096xi32, #tpu.memory_space<hbm>>
    %dma_start3A_247 = arith.constant 0 : i32
    %dma_start3A_248 = tpu.memref_slice %arg11[%dma_start3A_241, %dma_start3A_247] : memref<2x4096xi32, #tpu.memory_space<vmem>> -> memref<1x4096xi32, #tpu.memory_space<vmem>>
    %dma_start3A_249 = tpu.memref_squeeze %dma_start3A_248 : memref<1x4096xi32, #tpu.memory_space<vmem>> -> memref<4096xi32, #tpu.memory_space<vmem>>
    %dma_start3A_250 = arith.constant 4096 : i32
    %dma_start3A_251 = tpu.memref_slice %arg4[%dma_start3A_250] : memref<16384xi32, #tpu.memory_space<hbm>> -> memref<4096xi32, #tpu.memory_space<hbm>>
    tpu.enqueue_dma source(%dma_start3A_251 : memref<4096xi32, #tpu.memory_space<hbm>>) target(%dma_start3A_249 : memref<4096xi32, #tpu.memory_space<vmem>>) target_semaphore(%arg13 : memref<!tpu.dma_semaphore, #tpu.memory_space<semaphore_mem>>)
    %dma_wait3A_252 = arith.constant 0 : i32
    %dma_wait3A_253 = tpu.memref_slice %arg7[%add3A_2, %dma_wait3A_252] : memref<64x100000xf32, #tpu.memory_space<hbm>> -> memref<1x100000xf32, #tpu.memory_space<hbm>>
    %dma_wait3A_254 = tpu.memref_squeeze %dma_wait3A_253 : memref<1x100000xf32, #tpu.memory_space<hbm>> -> memref<100000xf32, #tpu.memory_space<hbm>>
    %dma_wait3A_255 = arith.constant 0 : i32
    %dma_wait3A_256 = tpu.memref_slice %arg7[%add3A_2, %dma_wait3A_255] : memref<64x100000xf32, #tpu.memory_space<hbm>> -> memref<1x100000xf32, #tpu.memory_space<hbm>>
    %dma_wait3A_257 = tpu.memref_squeeze %dma_wait3A_256 : memref<1x100000xf32, #tpu.memory_space<hbm>> -> memref<100000xf32, #tpu.memory_space<hbm>>
    tpu.wait_dma2 semaphore(%arg12 : memref<!tpu.dma_semaphore, #tpu.memory_space<semaphore_mem>>) src(%dma_wait3A_257 : memref<100000xf32, #tpu.memory_space<hbm>>) dst(%arg9 : memref<100000xf32, #tpu.memory_space<vmem>>)
    %dma_wait3A_258 = arith.constant 0 : i32
    %dma_wait3A_259 = arith.constant 0 : i32
    %dma_wait3A_260 = tpu.memref_slice %arg11[%dma_wait3A_258, %dma_wait3A_259] : memref<2x4096xi32, #tpu.memory_space<vmem>> -> memref<1x4096xi32, #tpu.memory_space<vmem>>
    %dma_wait3A_261 = tpu.memref_squeeze %dma_wait3A_260 : memref<1x4096xi32, #tpu.memory_space<vmem>> -> memref<4096xi32, #tpu.memory_space<vmem>>
    %dma_wait3A_262 = arith.constant 0 : i32
    %dma_wait3A_263 = tpu.memref_slice %arg4[%dma_wait3A_262] : memref<16384xi32, #tpu.memory_space<hbm>> -> memref<4096xi32, #tpu.memory_space<hbm>>
    %dma_wait3A_264 = arith.constant 0 : i32
    %dma_wait3A_265 = tpu.memref_slice %arg11[%dma_wait3A_258, %dma_wait3A_264] : memref<2x4096xi32, #tpu.memory_space<vmem>> -> memref<1x4096xi32, #tpu.memory_space<vmem>>
    %dma_wait3A_266 = tpu.memref_squeeze %dma_wait3A_265 : memref<1x4096xi32, #tpu.memory_space<vmem>> -> memref<4096xi32, #tpu.memory_space<vmem>>
    %dma_wait3A_267 = arith.constant 0 : i32
    %dma_wait3A_268 = tpu.memref_slice %arg4[%dma_wait3A_267] : memref<16384xi32, #tpu.memory_space<hbm>> -> memref<4096xi32, #tpu.memory_space<hbm>>
    tpu.wait_dma2 semaphore(%arg13 : memref<!tpu.dma_semaphore, #tpu.memory_space<semaphore_mem>>) src(%dma_wait3A_268 : memref<4096xi32, #tpu.memory_space<hbm>>) dst(%dma_wait3A_266 : memref<4096xi32, #tpu.memory_space<vmem>>)
    %parallel_loop3A_269 = arith.constant 0 : i32
    %parallel_loop3A_270 = arith.constant 4096 : i32
    %parallel_loop3A_271 = arith.constant 16 : i32
    scf.for %parallel_loop3A_674 = %parallel_loop3A_269 to %parallel_loop3A_270 step %parallel_loop3A_271  : i32 {
      %parallel_loop3A_675 = arith.constant 0 : i32
      %parallel_loop3A_676 = arith.index_cast %parallel_loop3A_675 : i32 to index
      %parallel_loop3A_677 = arith.index_cast %parallel_loop3A_674 : i32 to index
      %parallel_loop3A_678 = tpu.vector_load %arg11[%parallel_loop3A_676, %parallel_loop3A_677] {strides = array<i32>} : memref<2x4096xi32, #tpu.memory_space<vmem>>, vector<16xi32>,
      %parallel_loop3A_679 = tpu.vector_load_idx %arg9[%parallel_loop3A_678] : memref<100000xf32, #tpu.memory_space<vmem>>[vector<16xi32>], vector<16xf32>,
      %parallel_loop3A_680 = arith.constant 0 : i32
      %parallel_loop3A_681 = arith.addi %parallel_loop3A_680, %parallel_loop3A_674 : i32
      %parallel_loop3A_682 = arith.index_cast %parallel_loop3A_681 : i32 to index
      %parallel_loop3A_683 = tpu.vector_load %arg10[%parallel_loop3A_682] {strides = array<i32>} : memref<16384xf32, #tpu.memory_space<vmem>>, vector<16xf32>,
      tpu.vector_store %arg10[%parallel_loop3A_682], %parallel_loop3A_679 {add = true, strides = array<i32>} : memref<16384xf32, #tpu.memory_space<vmem>>, vector<16xf32>,
    } {sc.loop_unroll_factor = 8 : i64, sc.parallel_access}
    %dma_start3A_272 = arith.constant 0 : i32
    %dma_start3A_273 = arith.constant 0 : i32
    %dma_start3A_274 = tpu.memref_slice %arg11[%dma_start3A_272, %dma_start3A_273] : memref<2x4096xi32, #tpu.memory_space<vmem>> -> memref<1x4096xi32, #tpu.memory_space<vmem>>
    %dma_start3A_275 = tpu.memref_squeeze %dma_start3A_274 : memref<1x4096xi32, #tpu.memory_space<vmem>> -> memref<4096xi32, #tpu.memory_space<vmem>>
    %dma_start3A_276 = arith.constant 8192 : i32
    %dma_start3A_277 = tpu.memref_slice %arg4[%dma_start3A_276] : memref<16384xi32, #tpu.memory_space<hbm>> -> memref<4096xi32, #tpu.memory_space<hbm>>
    %dma_start3A_278 = arith.constant 0 : i32
    %dma_start3A_279 = tpu.memref_slice %arg11[%dma_start3A_272, %dma_start3A_278] : memref<2x4096xi32, #tpu.memory_space<vmem>> -> memref<1x4096xi32, #tpu.memory_space<vmem>>
    %dma_start3A_280 = tpu.memref_squeeze %dma_start3A_279 : memref<1x4096xi32, #tpu.memory_space<vmem>> -> memref<4096xi32, #tpu.memory_space<vmem>>
    %dma_start3A_281 = arith.constant 8192 : i32
    %dma_start3A_282 = tpu.memref_slice %arg4[%dma_start3A_281] : memref<16384xi32, #tpu.memory_space<hbm>> -> memref<4096xi32, #tpu.memory_space<hbm>>
    tpu.enqueue_dma source(%dma_start3A_282 : memref<4096xi32, #tpu.memory_space<hbm>>) target(%dma_start3A_280 : memref<4096xi32, #tpu.memory_space<vmem>>) target_semaphore(%arg13 : memref<!tpu.dma_semaphore, #tpu.memory_space<semaphore_mem>>)
    %dma_wait3A_283 = arith.constant 1 : i32
    %dma_wait3A_284 = arith.constant 0 : i32
    %dma_wait3A_285 = tpu.memref_slice %arg11[%dma_wait3A_283, %dma_wait3A_284] : memref<2x4096xi32, #tpu.memory_space<vmem>> -> memref<1x4096xi32, #tpu.memory_space<vmem>>
    %dma_wait3A_286 = tpu.memref_squeeze %dma_wait3A_285 : memref<1x4096xi32, #tpu.memory_space<vmem>> -> memref<4096xi32, #tpu.memory_space<vmem>>
    %dma_wait3A_287 = arith.constant 4096 : i32
    %dma_wait3A_288 = tpu.memref_slice %arg4[%dma_wait3A_287] : memref<16384xi32, #tpu.memory_space<hbm>> -> memref<4096xi32, #tpu.memory_space<hbm>>
    %dma_wait3A_289 = arith.constant 0 : i32
    %dma_wait3A_290 = tpu.memref_slice %arg11[%dma_wait3A_283, %dma_wait3A_289] : memref<2x4096xi32, #tpu.memory_space<vmem>> -> memref<1x4096xi32, #tpu.memory_space<vmem>>
    %dma_wait3A_291 = tpu.memref_squeeze %dma_wait3A_290 : memref<1x4096xi32, #tpu.memory_space<vmem>> -> memref<4096xi32, #tpu.memory_space<vmem>>
    %dma_wait3A_292 = arith.constant 4096 : i32
    %dma_wait3A_293 = tpu.memref_slice %arg4[%dma_wait3A_292] : memref<16384xi32, #tpu.memory_space<hbm>> -> memref<4096xi32, #tpu.memory_space<hbm>>
    tpu.wait_dma2 semaphore(%arg13 : memref<!tpu.dma_semaphore, #tpu.memory_space<semaphore_mem>>) src(%dma_wait3A_293 : memref<4096xi32, #tpu.memory_space<hbm>>) dst(%dma_wait3A_291 : memref<4096xi32, #tpu.memory_space<vmem>>)
    %parallel_loop3A_294 = arith.constant 0 : i32
    %parallel_loop3A_295 = arith.constant 4096 : i32
    %parallel_loop3A_296 = arith.constant 16 : i32
    scf.for %parallel_loop3A_674 = %parallel_loop3A_294 to %parallel_loop3A_295 step %parallel_loop3A_296  : i32 {
      %parallel_loop3A_675 = arith.constant 1 : i32
      %parallel_loop3A_676 = arith.index_cast %parallel_loop3A_675 : i32 to index
      %parallel_loop3A_677 = arith.index_cast %parallel_loop3A_674 : i32 to index
      %parallel_loop3A_678 = tpu.vector_load %arg11[%parallel_loop3A_676, %parallel_loop3A_677] {strides = array<i32>} : memref<2x4096xi32, #tpu.memory_space<vmem>>, vector<16xi32>,
      %parallel_loop3A_679 = tpu.vector_load_idx %arg9[%parallel_loop3A_678] : memref<100000xf32, #tpu.memory_space<vmem>>[vector<16xi32>], vector<16xf32>,
      %parallel_loop3A_680 = arith.constant 4096 : i32
      %parallel_loop3A_681 = arith.addi %parallel_loop3A_680, %parallel_loop3A_674 : i32
      %parallel_loop3A_682 = arith.index_cast %parallel_loop3A_681 : i32 to index
      %parallel_loop3A_683 = tpu.vector_load %arg10[%parallel_loop3A_682] {strides = array<i32>} : memref<16384xf32, #tpu.memory_space<vmem>>, vector<16xf32>,
      tpu.vector_store %arg10[%parallel_loop3A_682], %parallel_loop3A_679 {add = true, strides = array<i32>} : memref<16384xf32, #tpu.memory_space<vmem>>, vector<16xf32>,
    } {sc.loop_unroll_factor = 8 : i64, sc.parallel_access}
    %dma_start3A_297 = arith.constant 1 : i32
    %dma_start3A_298 = arith.constant 0 : i32
    %dma_start3A_299 = tpu.memref_slice %arg11[%dma_start3A_297, %dma_start3A_298] : memref<2x4096xi32, #tpu.memory_space<vmem>> -> memref<1x4096xi32, #tpu.memory_space<vmem>>
    %dma_start3A_300 = tpu.memref_squeeze %dma_start3A_299 : memref<1x4096xi32, #tpu.memory_space<vmem>> -> memref<4096xi32, #tpu.memory_space<vmem>>
    %dma_start3A_301 = arith.constant 12288 : i32
    %dma_start3A_302 = tpu.memref_slice %arg4[%dma_start3A_301] : memref<16384xi32, #tpu.memory_space<hbm>> -> memref<4096xi32, #tpu.memory_space<hbm>>
    %dma_start3A_303 = arith.constant 0 : i32
    %dma_start3A_304 = tpu.memref_slice %arg11[%dma_start3A_297, %dma_start3A_303] : memref<2x4096xi32, #tpu.memory_space<vmem>> -> memref<1x4096xi32, #tpu.memory_space<vmem>>
    %dma_start3A_305 = tpu.memref_squeeze %dma_start3A_304 : memref<1x4096xi32, #tpu.memory_space<vmem>> -> memref<4096xi32, #tpu.memory_space<vmem>>
    %dma_start3A_306 = arith.constant 12288 : i32
    %dma_start3A_307 = tpu.memref_slice %arg4[%dma_start3A_306] : memref<16384xi32, #tpu.memory_space<hbm>> -> memref<4096xi32, #tpu.memory_space<hbm>>
    tpu.enqueue_dma source(%dma_start3A_307 : memref<4096xi32, #tpu.memory_space<hbm>>) target(%dma_start3A_305 : memref<4096xi32, #tpu.memory_space<vmem>>) target_semaphore(%arg13 : memref<!tpu.dma_semaphore, #tpu.memory_space<semaphore_mem>>)
    %dma_wait3A_308 = arith.constant 0 : i32
    %dma_wait3A_309 = arith.constant 0 : i32
    %dma_wait3A_310 = tpu.memref_slice %arg11[%dma_wait3A_308, %dma_wait3A_309] : memref<2x4096xi32, #tpu.memory_space<vmem>> -> memref<1x4096xi32, #tpu.memory_space<vmem>>
    %dma_wait3A_311 = tpu.memref_squeeze %dma_wait3A_310 : memref<1x4096xi32, #tpu.memory_space<vmem>> -> memref<4096xi32, #tpu.memory_space<vmem>>
    %dma_wait3A_312 = arith.constant 8192 : i32
    %dma_wait3A_313 = tpu.memref_slice %arg4[%dma_wait3A_312] : memref<16384xi32, #tpu.memory_space<hbm>> -> memref<4096xi32, #tpu.memory_space<hbm>>
    %dma_wait3A_314 = arith.constant 0 : i32
    %dma_wait3A_315 = tpu.memref_slice %arg11[%dma_wait3A_308, %dma_wait3A_314] : memref<2x4096xi32, #tpu.memory_space<vmem>> -> memref<1x4096xi32, #tpu.memory_space<vmem>>
    %dma_wait3A_316 = tpu.memref_squeeze %dma_wait3A_315 : memref<1x4096xi32, #tpu.memory_space<vmem>> -> memref<4096xi32, #tpu.memory_space<vmem>>
    %dma_wait3A_317 = arith.constant 8192 : i32
    %dma_wait3A_318 = tpu.memref_slice %arg4[%dma_wait3A_317] : memref<16384xi32, #tpu.memory_space<hbm>> -> memref<4096xi32, #tpu.memory_space<hbm>>
    tpu.wait_dma2 semaphore(%arg13 : memref<!tpu.dma_semaphore, #tpu.memory_space<semaphore_mem>>) src(%dma_wait3A_318 : memref<4096xi32, #tpu.memory_space<hbm>>) dst(%dma_wait3A_316 : memref<4096xi32, #tpu.memory_space<vmem>>)
    %parallel_loop3A_319 = arith.constant 0 : i32
    %parallel_loop3A_320 = arith.constant 4096 : i32
    %parallel_loop3A_321 = arith.constant 16 : i32
    scf.for %parallel_loop3A_674 = %parallel_loop3A_319 to %parallel_loop3A_320 step %parallel_loop3A_321  : i32 {
      %parallel_loop3A_675 = arith.constant 0 : i32
      %parallel_loop3A_676 = arith.index_cast %parallel_loop3A_675 : i32 to index
      %parallel_loop3A_677 = arith.index_cast %parallel_loop3A_674 : i32 to index
      %parallel_loop3A_678 = tpu.vector_load %arg11[%parallel_loop3A_676, %parallel_loop3A_677] {strides = array<i32>} : memref<2x4096xi32, #tpu.memory_space<vmem>>, vector<16xi32>,
      %parallel_loop3A_679 = tpu.vector_load_idx %arg9[%parallel_loop3A_678] : memref<100000xf32, #tpu.memory_space<vmem>>[vector<16xi32>], vector<16xf32>,
      %parallel_loop3A_680 = arith.constant 8192 : i32
      %parallel_loop3A_681 = arith.addi %parallel_loop3A_680, %parallel_loop3A_674 : i32
      %parallel_loop3A_682 = arith.index_cast %parallel_loop3A_681 : i32 to index
      %parallel_loop3A_683 = tpu.vector_load %arg10[%parallel_loop3A_682] {strides = array<i32>} : memref<16384xf32, #tpu.memory_space<vmem>>, vector<16xf32>,
      tpu.vector_store %arg10[%parallel_loop3A_682], %parallel_loop3A_679 {add = true, strides = array<i32>} : memref<16384xf32, #tpu.memory_space<vmem>>, vector<16xf32>,
    } {sc.loop_unroll_factor = 8 : i64, sc.parallel_access}
    %dma_wait3A_322 = arith.constant 1 : i32
    %dma_wait3A_323 = arith.constant 0 : i32
    %dma_wait3A_324 = tpu.memref_slice %arg11[%dma_wait3A_322, %dma_wait3A_323] : memref<2x4096xi32, #tpu.memory_space<vmem>> -> memref<1x4096xi32, #tpu.memory_space<vmem>>
    %dma_wait3A_325 = tpu.memref_squeeze %dma_wait3A_324 : memref<1x4096xi32, #tpu.memory_space<vmem>> -> memref<4096xi32, #tpu.memory_space<vmem>>
    %dma_wait3A_326 = arith.constant 12288 : i32
    %dma_wait3A_327 = tpu.memref_slice %arg4[%dma_wait3A_326] : memref<16384xi32, #tpu.memory_space<hbm>> -> memref<4096xi32, #tpu.memory_space<hbm>>
    %dma_wait3A_328 = arith.constant 0 : i32
    %dma_wait3A_329 = tpu.memref_slice %arg11[%dma_wait3A_322, %dma_wait3A_328] : memref<2x4096xi32, #tpu.memory_space<vmem>> -> memref<1x4096xi32, #tpu.memory_space<vmem>>
    %dma_wait3A_330 = tpu.memref_squeeze %dma_wait3A_329 : memref<1x4096xi32, #tpu.memory_space<vmem>> -> memref<4096xi32, #tpu.memory_space<vmem>>
    %dma_wait3A_331 = arith.constant 12288 : i32
    %dma_wait3A_332 = tpu.memref_slice %arg4[%dma_wait3A_331] : memref<16384xi32, #tpu.memory_space<hbm>> -> memref<4096xi32, #tpu.memory_space<hbm>>
    tpu.wait_dma2 semaphore(%arg13 : memref<!tpu.dma_semaphore, #tpu.memory_space<semaphore_mem>>) src(%dma_wait3A_332 : memref<4096xi32, #tpu.memory_space<hbm>>) dst(%dma_wait3A_330 : memref<4096xi32, #tpu.memory_space<vmem>>)
    %parallel_loop3A_333 = arith.constant 0 : i32
    %parallel_loop3A_334 = arith.constant 4096 : i32
    %parallel_loop3A_335 = arith.constant 16 : i32
    scf.for %parallel_loop3A_674 = %parallel_loop3A_333 to %parallel_loop3A_334 step %parallel_loop3A_335  : i32 {
      %parallel_loop3A_675 = arith.constant 1 : i32
      %parallel_loop3A_676 = arith.index_cast %parallel_loop3A_675 : i32 to index
      %parallel_loop3A_677 = arith.index_cast %parallel_loop3A_674 : i32 to index
      %parallel_loop3A_678 = tpu.vector_load %arg11[%parallel_loop3A_676, %parallel_loop3A_677] {strides = array<i32>} : memref<2x4096xi32, #tpu.memory_space<vmem>>, vector<16xi32>,
      %parallel_loop3A_679 = tpu.vector_load_idx %arg9[%parallel_loop3A_678] : memref<100000xf32, #tpu.memory_space<vmem>>[vector<16xi32>], vector<16xf32>,
      %parallel_loop3A_680 = arith.constant 12288 : i32
      %parallel_loop3A_681 = arith.addi %parallel_loop3A_680, %parallel_loop3A_674 : i32
      %parallel_loop3A_682 = arith.index_cast %parallel_loop3A_681 : i32 to index
      %parallel_loop3A_683 = tpu.vector_load %arg10[%parallel_loop3A_682] {strides = array<i32>} : memref<16384xf32, #tpu.memory_space<vmem>>, vector<16xf32>,
      tpu.vector_store %arg10[%parallel_loop3A_682], %parallel_loop3A_679 {add = true, strides = array<i32>} : memref<16384xf32, #tpu.memory_space<vmem>>, vector<16xf32>,
    } {sc.loop_unroll_factor = 8 : i64, sc.parallel_access}
    "tpu.region"() ({
      %run_scoped3A = tpu.sem_alloc : memref<!tpu.dma_semaphore, #tpu.memory_space<semaphore_mem>>
      %dma_start3A_674 = arith.constant 0 : i32
      %dma_start3A_675 = tpu.memref_slice %arg8[%add3A_2, %dma_start3A_674] : memref<64x16384xf32, #tpu.memory_space<hbm>> -> memref<1x16384xf32, #tpu.memory_space<hbm>>
      %dma_start3A_676 = tpu.memref_squeeze %dma_start3A_675 : memref<1x16384xf32, #tpu.memory_space<hbm>> -> memref<16384xf32, #tpu.memory_space<hbm>>
      %dma_start3A_677 = arith.constant 0 : i32
      %dma_start3A_678 = tpu.memref_slice %arg8[%add3A_2, %dma_start3A_677] : memref<64x16384xf32, #tpu.memory_space<hbm>> -> memref<1x16384xf32, #tpu.memory_space<hbm>>
      %dma_start3A_679 = tpu.memref_squeeze %dma_start3A_678 : memref<1x16384xf32, #tpu.memory_space<hbm>> -> memref<16384xf32, #tpu.memory_space<hbm>>
      tpu.enqueue_dma source(%arg10 : memref<16384xf32, #tpu.memory_space<vmem>>) target(%dma_start3A_679 : memref<16384xf32, #tpu.memory_space<hbm>>) target_semaphore(%run_scoped3A : memref<!tpu.dma_semaphore, #tpu.memory_space<semaphore_mem>>)
      %dma_wait3A_680 = arith.constant 0 : i32
      %dma_wait3A_681 = tpu.memref_slice %arg8[%add3A_2, %dma_wait3A_680] : memref<64x16384xf32, #tpu.memory_space<hbm>> -> memref<1x16384xf32, #tpu.memory_space<hbm>>
      %dma_wait3A_682 = tpu.memref_squeeze %dma_wait3A_681 : memref<1x16384xf32, #tpu.memory_space<hbm>> -> memref<16384xf32, #tpu.memory_space<hbm>>
      %dma_wait3A_683 = arith.constant 0 : i32
      %dma_wait3A_684 = tpu.memref_slice %arg8[%add3A_2, %dma_wait3A_683] : memref<64x16384xf32, #tpu.memory_space<hbm>> -> memref<1x16384xf32, #tpu.memory_space<hbm>>
      %dma_wait3A_685 = tpu.memref_squeeze %dma_wait3A_684 : memref<1x16384xf32, #tpu.memory_space<hbm>> -> memref<16384xf32, #tpu.memory_space<hbm>>
      tpu.wait_dma2 semaphore(%run_scoped3A : memref<!tpu.dma_semaphore, #tpu.memory_space<semaphore_mem>>) src(%arg10 : memref<16384xf32, #tpu.memory_space<vmem>>) dst(%dma_wait3A_685 : memref<16384xf32, #tpu.memory_space<hbm>>)
      tpu.yield
    }) : () -> ()
    %add3A_336 = arith.constant 32 : i32
    %add3A_337 = arith.addi %add3A, %add3A_336 : i32
    %dma_start3A_338 = arith.constant 0 : i32
    %dma_start3A_339 = tpu.memref_slice %arg5[%add3A_337, %dma_start3A_338] : memref<64x100000xf32, #tpu.memory_space<hbm>> -> memref<1x100000xf32, #tpu.memory_space<hbm>>
    %dma_start3A_340 = tpu.memref_squeeze %dma_start3A_339 : memref<1x100000xf32, #tpu.memory_space<hbm>> -> memref<100000xf32, #tpu.memory_space<hbm>>
    %dma_start3A_341 = arith.constant 0 : i32
    %dma_start3A_342 = tpu.memref_slice %arg5[%add3A_337, %dma_start3A_341] : memref<64x100000xf32, #tpu.memory_space<hbm>> -> memref<1x100000xf32, #tpu.memory_space<hbm>>
    %dma_start3A_343 = tpu.memref_squeeze %dma_start3A_342 : memref<1x100000xf32, #tpu.memory_space<hbm>> -> memref<100000xf32, #tpu.memory_space<hbm>>
    tpu.enqueue_dma source(%dma_start3A_343 : memref<100000xf32, #tpu.memory_space<hbm>>) target(%arg9 : memref<100000xf32, #tpu.memory_space<vmem>>) target_semaphore(%arg12 : memref<!tpu.dma_semaphore, #tpu.memory_space<semaphore_mem>>)
    %dma_start3A_344 = arith.constant 0 : i32
    %dma_start3A_345 = arith.constant 0 : i32
    %dma_start3A_346 = tpu.memref_slice %arg11[%dma_start3A_344, %dma_start3A_345] : memref<2x4096xi32, #tpu.memory_space<vmem>> -> memref<1x4096xi32, #tpu.memory_space<vmem>>
    %dma_start3A_347 = tpu.memref_squeeze %dma_start3A_346 : memref<1x4096xi32, #tpu.memory_space<vmem>> -> memref<4096xi32, #tpu.memory_space<vmem>>
    %dma_start3A_348 = arith.constant 0 : i32
    %dma_start3A_349 = tpu.memref_slice %arg2[%dma_start3A_348] : memref<16384xi32, #tpu.memory_space<hbm>> -> memref<4096xi32, #tpu.memory_space<hbm>>
    %dma_start3A_350 = arith.constant 0 : i32
    %dma_start3A_351 = tpu.memref_slice %arg11[%dma_start3A_344, %dma_start3A_350] : memref<2x4096xi32, #tpu.memory_space<vmem>> -> memref<1x4096xi32, #tpu.memory_space<vmem>>
    %dma_start3A_352 = tpu.memref_squeeze %dma_start3A_351 : memref<1x4096xi32, #tpu.memory_space<vmem>> -> memref<4096xi32, #tpu.memory_space<vmem>>
    %dma_start3A_353 = arith.constant 0 : i32
    %dma_start3A_354 = tpu.memref_slice %arg2[%dma_start3A_353] : memref<16384xi32, #tpu.memory_space<hbm>> -> memref<4096xi32, #tpu.memory_space<hbm>>
    tpu.enqueue_dma source(%dma_start3A_354 : memref<4096xi32, #tpu.memory_space<hbm>>) target(%dma_start3A_352 : memref<4096xi32, #tpu.memory_space<vmem>>) target_semaphore(%arg13 : memref<!tpu.dma_semaphore, #tpu.memory_space<semaphore_mem>>)
    %dma_start3A_355 = arith.constant 1 : i32
    %dma_start3A_356 = arith.constant 0 : i32
    %dma_start3A_357 = tpu.memref_slice %arg11[%dma_start3A_355, %dma_start3A_356] : memref<2x4096xi32, #tpu.memory_space<vmem>> -> memref<1x4096xi32, #tpu.memory_space<vmem>>
    %dma_start3A_358 = tpu.memref_squeeze %dma_start3A_357 : memref<1x4096xi32, #tpu.memory_space<vmem>> -> memref<4096xi32, #tpu.memory_space<vmem>>
    %dma_start3A_359 = arith.constant 4096 : i32
    %dma_start3A_360 = tpu.memref_slice %arg2[%dma_start3A_359] : memref<16384xi32, #tpu.memory_space<hbm>> -> memref<4096xi32, #tpu.memory_space<hbm>>
    %dma_start3A_361 = arith.constant 0 : i32
    %dma_start3A_362 = tpu.memref_slice %arg11[%dma_start3A_355, %dma_start3A_361] : memref<2x4096xi32, #tpu.memory_space<vmem>> -> memref<1x4096xi32, #tpu.memory_space<vmem>>
    %dma_start3A_363 = tpu.memref_squeeze %dma_start3A_362 : memref<1x4096xi32, #tpu.memory_space<vmem>> -> memref<4096xi32, #tpu.memory_space<vmem>>
    %dma_start3A_364 = arith.constant 4096 : i32
    %dma_start3A_365 = tpu.memref_slice %arg2[%dma_start3A_364] : memref<16384xi32, #tpu.memory_space<hbm>> -> memref<4096xi32, #tpu.memory_space<hbm>>
    tpu.enqueue_dma source(%dma_start3A_365 : memref<4096xi32, #tpu.memory_space<hbm>>) target(%dma_start3A_363 : memref<4096xi32, #tpu.memory_space<vmem>>) target_semaphore(%arg13 : memref<!tpu.dma_semaphore, #tpu.memory_space<semaphore_mem>>)
    %dma_wait3A_366 = arith.constant 0 : i32
    %dma_wait3A_367 = tpu.memref_slice %arg5[%add3A_337, %dma_wait3A_366] : memref<64x100000xf32, #tpu.memory_space<hbm>> -> memref<1x100000xf32, #tpu.memory_space<hbm>>
    %dma_wait3A_368 = tpu.memref_squeeze %dma_wait3A_367 : memref<1x100000xf32, #tpu.memory_space<hbm>> -> memref<100000xf32, #tpu.memory_space<hbm>>
    %dma_wait3A_369 = arith.constant 0 : i32
    %dma_wait3A_370 = tpu.memref_slice %arg5[%add3A_337, %dma_wait3A_369] : memref<64x100000xf32, #tpu.memory_space<hbm>> -> memref<1x100000xf32, #tpu.memory_space<hbm>>
    %dma_wait3A_371 = tpu.memref_squeeze %dma_wait3A_370 : memref<1x100000xf32, #tpu.memory_space<hbm>> -> memref<100000xf32, #tpu.memory_space<hbm>>
    tpu.wait_dma2 semaphore(%arg12 : memref<!tpu.dma_semaphore, #tpu.memory_space<semaphore_mem>>) src(%dma_wait3A_371 : memref<100000xf32, #tpu.memory_space<hbm>>) dst(%arg9 : memref<100000xf32, #tpu.memory_space<vmem>>)
    %dma_wait3A_372 = arith.constant 0 : i32
    %dma_wait3A_373 = arith.constant 0 : i32
    %dma_wait3A_374 = tpu.memref_slice %arg11[%dma_wait3A_372, %dma_wait3A_373] : memref<2x4096xi32, #tpu.memory_space<vmem>> -> memref<1x4096xi32, #tpu.memory_space<vmem>>
    %dma_wait3A_375 = tpu.memref_squeeze %dma_wait3A_374 : memref<1x4096xi32, #tpu.memory_space<vmem>> -> memref<4096xi32, #tpu.memory_space<vmem>>
    %dma_wait3A_376 = arith.constant 0 : i32
    %dma_wait3A_377 = tpu.memref_slice %arg2[%dma_wait3A_376] : memref<16384xi32, #tpu.memory_space<hbm>> -> memref<4096xi32, #tpu.memory_space<hbm>>
    %dma_wait3A_378 = arith.constant 0 : i32
    %dma_wait3A_379 = tpu.memref_slice %arg11[%dma_wait3A_372, %dma_wait3A_378] : memref<2x4096xi32, #tpu.memory_space<vmem>> -> memref<1x4096xi32, #tpu.memory_space<vmem>>
    %dma_wait3A_380 = tpu.memref_squeeze %dma_wait3A_379 : memref<1x4096xi32, #tpu.memory_space<vmem>> -> memref<4096xi32, #tpu.memory_space<vmem>>
    %dma_wait3A_381 = arith.constant 0 : i32
    %dma_wait3A_382 = tpu.memref_slice %arg2[%dma_wait3A_381] : memref<16384xi32, #tpu.memory_space<hbm>> -> memref<4096xi32, #tpu.memory_space<hbm>>
    tpu.wait_dma2 semaphore(%arg13 : memref<!tpu.dma_semaphore, #tpu.memory_space<semaphore_mem>>) src(%dma_wait3A_382 : memref<4096xi32, #tpu.memory_space<hbm>>) dst(%dma_wait3A_380 : memref<4096xi32, #tpu.memory_space<vmem>>)
    %parallel_loop3A_383 = arith.constant 0 : i32
    %parallel_loop3A_384 = arith.constant 4096 : i32
    %parallel_loop3A_385 = arith.constant 16 : i32
    scf.for %parallel_loop3A_674 = %parallel_loop3A_383 to %parallel_loop3A_384 step %parallel_loop3A_385  : i32 {
      %parallel_loop3A_675 = arith.constant 0 : i32
      %parallel_loop3A_676 = arith.index_cast %parallel_loop3A_675 : i32 to index
      %parallel_loop3A_677 = arith.index_cast %parallel_loop3A_674 : i32 to index
      %parallel_loop3A_678 = tpu.vector_load %arg11[%parallel_loop3A_676, %parallel_loop3A_677] {strides = array<i32>} : memref<2x4096xi32, #tpu.memory_space<vmem>>, vector<16xi32>,
      %parallel_loop3A_679 = tpu.vector_load_idx %arg9[%parallel_loop3A_678] : memref<100000xf32, #tpu.memory_space<vmem>>[vector<16xi32>], vector<16xf32>,
      %parallel_loop3A_680 = arith.constant 0 : i32
      %parallel_loop3A_681 = arith.addi %parallel_loop3A_680, %parallel_loop3A_674 : i32
      %parallel_loop3A_682 = arith.index_cast %parallel_loop3A_681 : i32 to index
      %parallel_loop3A_683 = tpu.vector_load %arg10[%parallel_loop3A_682] {strides = array<i32>} : memref<16384xf32, #tpu.memory_space<vmem>>, vector<16xf32>,
      tpu.vector_store %arg10[%parallel_loop3A_682], %parallel_loop3A_679 {strides = array<i32>} : memref<16384xf32, #tpu.memory_space<vmem>>, vector<16xf32>,
    } {sc.loop_unroll_factor = 8 : i64, sc.parallel_access}
    %dma_start3A_386 = arith.constant 0 : i32
    %dma_start3A_387 = arith.constant 0 : i32
    %dma_start3A_388 = tpu.memref_slice %arg11[%dma_start3A_386, %dma_start3A_387] : memref<2x4096xi32, #tpu.memory_space<vmem>> -> memref<1x4096xi32, #tpu.memory_space<vmem>>
    %dma_start3A_389 = tpu.memref_squeeze %dma_start3A_388 : memref<1x4096xi32, #tpu.memory_space<vmem>> -> memref<4096xi32, #tpu.memory_space<vmem>>
    %dma_start3A_390 = arith.constant 8192 : i32
    %dma_start3A_391 = tpu.memref_slice %arg2[%dma_start3A_390] : memref<16384xi32, #tpu.memory_space<hbm>> -> memref<4096xi32, #tpu.memory_space<hbm>>
    %dma_start3A_392 = arith.constant 0 : i32
    %dma_start3A_393 = tpu.memref_slice %arg11[%dma_start3A_386, %dma_start3A_392] : memref<2x4096xi32, #tpu.memory_space<vmem>> -> memref<1x4096xi32, #tpu.memory_space<vmem>>
    %dma_start3A_394 = tpu.memref_squeeze %dma_start3A_393 : memref<1x4096xi32, #tpu.memory_space<vmem>> -> memref<4096xi32, #tpu.memory_space<vmem>>
    %dma_start3A_395 = arith.constant 8192 : i32
    %dma_start3A_396 = tpu.memref_slice %arg2[%dma_start3A_395] : memref<16384xi32, #tpu.memory_space<hbm>> -> memref<4096xi32, #tpu.memory_space<hbm>>
    tpu.enqueue_dma source(%dma_start3A_396 : memref<4096xi32, #tpu.memory_space<hbm>>) target(%dma_start3A_394 : memref<4096xi32, #tpu.memory_space<vmem>>) target_semaphore(%arg13 : memref<!tpu.dma_semaphore, #tpu.memory_space<semaphore_mem>>)
    %dma_wait3A_397 = arith.constant 1 : i32
    %dma_wait3A_398 = arith.constant 0 : i32
    %dma_wait3A_399 = tpu.memref_slice %arg11[%dma_wait3A_397, %dma_wait3A_398] : memref<2x4096xi32, #tpu.memory_space<vmem>> -> memref<1x4096xi32, #tpu.memory_space<vmem>>
    %dma_wait3A_400 = tpu.memref_squeeze %dma_wait3A_399 : memref<1x4096xi32, #tpu.memory_space<vmem>> -> memref<4096xi32, #tpu.memory_space<vmem>>
    %dma_wait3A_401 = arith.constant 4096 : i32
    %dma_wait3A_402 = tpu.memref_slice %arg2[%dma_wait3A_401] : memref<16384xi32, #tpu.memory_space<hbm>> -> memref<4096xi32, #tpu.memory_space<hbm>>
    %dma_wait3A_403 = arith.constant 0 : i32
    %dma_wait3A_404 = tpu.memref_slice %arg11[%dma_wait3A_397, %dma_wait3A_403] : memref<2x4096xi32, #tpu.memory_space<vmem>> -> memref<1x4096xi32, #tpu.memory_space<vmem>>
    %dma_wait3A_405 = tpu.memref_squeeze %dma_wait3A_404 : memref<1x4096xi32, #tpu.memory_space<vmem>> -> memref<4096xi32, #tpu.memory_space<vmem>>
    %dma_wait3A_406 = arith.constant 4096 : i32
    %dma_wait3A_407 = tpu.memref_slice %arg2[%dma_wait3A_406] : memref<16384xi32, #tpu.memory_space<hbm>> -> memref<4096xi32, #tpu.memory_space<hbm>>
    tpu.wait_dma2 semaphore(%arg13 : memref<!tpu.dma_semaphore, #tpu.memory_space<semaphore_mem>>) src(%dma_wait3A_407 : memref<4096xi32, #tpu.memory_space<hbm>>) dst(%dma_wait3A_405 : memref<4096xi32, #tpu.memory_space<vmem>>)
    %parallel_loop3A_408 = arith.constant 0 : i32
    %parallel_loop3A_409 = arith.constant 4096 : i32
    %parallel_loop3A_410 = arith.constant 16 : i32
    scf.for %parallel_loop3A_674 = %parallel_loop3A_408 to %parallel_loop3A_409 step %parallel_loop3A_410  : i32 {
      %parallel_loop3A_675 = arith.constant 1 : i32
      %parallel_loop3A_676 = arith.index_cast %parallel_loop3A_675 : i32 to index
      %parallel_loop3A_677 = arith.index_cast %parallel_loop3A_674 : i32 to index
      %parallel_loop3A_678 = tpu.vector_load %arg11[%parallel_loop3A_676, %parallel_loop3A_677] {strides = array<i32>} : memref<2x4096xi32, #tpu.memory_space<vmem>>, vector<16xi32>,
      %parallel_loop3A_679 = tpu.vector_load_idx %arg9[%parallel_loop3A_678] : memref<100000xf32, #tpu.memory_space<vmem>>[vector<16xi32>], vector<16xf32>,
      %parallel_loop3A_680 = arith.constant 4096 : i32
      %parallel_loop3A_681 = arith.addi %parallel_loop3A_680, %parallel_loop3A_674 : i32
      %parallel_loop3A_682 = arith.index_cast %parallel_loop3A_681 : i32 to index
      %parallel_loop3A_683 = tpu.vector_load %arg10[%parallel_loop3A_682] {strides = array<i32>} : memref<16384xf32, #tpu.memory_space<vmem>>, vector<16xf32>,
      tpu.vector_store %arg10[%parallel_loop3A_682], %parallel_loop3A_679 {strides = array<i32>} : memref<16384xf32, #tpu.memory_space<vmem>>, vector<16xf32>,
    } {sc.loop_unroll_factor = 8 : i64, sc.parallel_access}
    %dma_start3A_411 = arith.constant 1 : i32
    %dma_start3A_412 = arith.constant 0 : i32
    %dma_start3A_413 = tpu.memref_slice %arg11[%dma_start3A_411, %dma_start3A_412] : memref<2x4096xi32, #tpu.memory_space<vmem>> -> memref<1x4096xi32, #tpu.memory_space<vmem>>
    %dma_start3A_414 = tpu.memref_squeeze %dma_start3A_413 : memref<1x4096xi32, #tpu.memory_space<vmem>> -> memref<4096xi32, #tpu.memory_space<vmem>>
    %dma_start3A_415 = arith.constant 12288 : i32
    %dma_start3A_416 = tpu.memref_slice %arg2[%dma_start3A_415] : memref<16384xi32, #tpu.memory_space<hbm>> -> memref<4096xi32, #tpu.memory_space<hbm>>
    %dma_start3A_417 = arith.constant 0 : i32
    %dma_start3A_418 = tpu.memref_slice %arg11[%dma_start3A_411, %dma_start3A_417] : memref<2x4096xi32, #tpu.memory_space<vmem>> -> memref<1x4096xi32, #tpu.memory_space<vmem>>
    %dma_start3A_419 = tpu.memref_squeeze %dma_start3A_418 : memref<1x4096xi32, #tpu.memory_space<vmem>> -> memref<4096xi32, #tpu.memory_space<vmem>>
    %dma_start3A_420 = arith.constant 12288 : i32
    %dma_start3A_421 = tpu.memref_slice %arg2[%dma_start3A_420] : memref<16384xi32, #tpu.memory_space<hbm>> -> memref<4096xi32, #tpu.memory_space<hbm>>
    tpu.enqueue_dma source(%dma_start3A_421 : memref<4096xi32, #tpu.memory_space<hbm>>) target(%dma_start3A_419 : memref<4096xi32, #tpu.memory_space<vmem>>) target_semaphore(%arg13 : memref<!tpu.dma_semaphore, #tpu.memory_space<semaphore_mem>>)
    %dma_wait3A_422 = arith.constant 0 : i32
    %dma_wait3A_423 = arith.constant 0 : i32
    %dma_wait3A_424 = tpu.memref_slice %arg11[%dma_wait3A_422, %dma_wait3A_423] : memref<2x4096xi32, #tpu.memory_space<vmem>> -> memref<1x4096xi32, #tpu.memory_space<vmem>>
    %dma_wait3A_425 = tpu.memref_squeeze %dma_wait3A_424 : memref<1x4096xi32, #tpu.memory_space<vmem>> -> memref<4096xi32, #tpu.memory_space<vmem>>
    %dma_wait3A_426 = arith.constant 8192 : i32
    %dma_wait3A_427 = tpu.memref_slice %arg2[%dma_wait3A_426] : memref<16384xi32, #tpu.memory_space<hbm>> -> memref<4096xi32, #tpu.memory_space<hbm>>
    %dma_wait3A_428 = arith.constant 0 : i32
    %dma_wait3A_429 = tpu.memref_slice %arg11[%dma_wait3A_422, %dma_wait3A_428] : memref<2x4096xi32, #tpu.memory_space<vmem>> -> memref<1x4096xi32, #tpu.memory_space<vmem>>
    %dma_wait3A_430 = tpu.memref_squeeze %dma_wait3A_429 : memref<1x4096xi32, #tpu.memory_space<vmem>> -> memref<4096xi32, #tpu.memory_space<vmem>>
    %dma_wait3A_431 = arith.constant 8192 : i32
    %dma_wait3A_432 = tpu.memref_slice %arg2[%dma_wait3A_431] : memref<16384xi32, #tpu.memory_space<hbm>> -> memref<4096xi32, #tpu.memory_space<hbm>>
    tpu.wait_dma2 semaphore(%arg13 : memref<!tpu.dma_semaphore, #tpu.memory_space<semaphore_mem>>) src(%dma_wait3A_432 : memref<4096xi32, #tpu.memory_space<hbm>>) dst(%dma_wait3A_430 : memref<4096xi32, #tpu.memory_space<vmem>>)
    %parallel_loop3A_433 = arith.constant 0 : i32
    %parallel_loop3A_434 = arith.constant 4096 : i32
    %parallel_loop3A_435 = arith.constant 16 : i32
    scf.for %parallel_loop3A_674 = %parallel_loop3A_433 to %parallel_loop3A_434 step %parallel_loop3A_435  : i32 {
      %parallel_loop3A_675 = arith.constant 0 : i32
      %parallel_loop3A_676 = arith.index_cast %parallel_loop3A_675 : i32 to index
      %parallel_loop3A_677 = arith.index_cast %parallel_loop3A_674 : i32 to index
      %parallel_loop3A_678 = tpu.vector_load %arg11[%parallel_loop3A_676, %parallel_loop3A_677] {strides = array<i32>} : memref<2x4096xi32, #tpu.memory_space<vmem>>, vector<16xi32>,
      %parallel_loop3A_679 = tpu.vector_load_idx %arg9[%parallel_loop3A_678] : memref<100000xf32, #tpu.memory_space<vmem>>[vector<16xi32>], vector<16xf32>,
      %parallel_loop3A_680 = arith.constant 8192 : i32
      %parallel_loop3A_681 = arith.addi %parallel_loop3A_680, %parallel_loop3A_674 : i32
      %parallel_loop3A_682 = arith.index_cast %parallel_loop3A_681 : i32 to index
      %parallel_loop3A_683 = tpu.vector_load %arg10[%parallel_loop3A_682] {strides = array<i32>} : memref<16384xf32, #tpu.memory_space<vmem>>, vector<16xf32>,
      tpu.vector_store %arg10[%parallel_loop3A_682], %parallel_loop3A_679 {strides = array<i32>} : memref<16384xf32, #tpu.memory_space<vmem>>, vector<16xf32>,
    } {sc.loop_unroll_factor = 8 : i64, sc.parallel_access}
    %dma_wait3A_436 = arith.constant 1 : i32
    %dma_wait3A_437 = arith.constant 0 : i32
    %dma_wait3A_438 = tpu.memref_slice %arg11[%dma_wait3A_436, %dma_wait3A_437] : memref<2x4096xi32, #tpu.memory_space<vmem>> -> memref<1x4096xi32, #tpu.memory_space<vmem>>
    %dma_wait3A_439 = tpu.memref_squeeze %dma_wait3A_438 : memref<1x4096xi32, #tpu.memory_space<vmem>> -> memref<4096xi32, #tpu.memory_space<vmem>>
    %dma_wait3A_440 = arith.constant 12288 : i32
    %dma_wait3A_441 = tpu.memref_slice %arg2[%dma_wait3A_440] : memref<16384xi32, #tpu.memory_space<hbm>> -> memref<4096xi32, #tpu.memory_space<hbm>>
    %dma_wait3A_442 = arith.constant 0 : i32
    %dma_wait3A_443 = tpu.memref_slice %arg11[%dma_wait3A_436, %dma_wait3A_442] : memref<2x4096xi32, #tpu.memory_space<vmem>> -> memref<1x4096xi32, #tpu.memory_space<vmem>>
    %dma_wait3A_444 = tpu.memref_squeeze %dma_wait3A_443 : memref<1x4096xi32, #tpu.memory_space<vmem>> -> memref<4096xi32, #tpu.memory_space<vmem>>
    %dma_wait3A_445 = arith.constant 12288 : i32
    %dma_wait3A_446 = tpu.memref_slice %arg2[%dma_wait3A_445] : memref<16384xi32, #tpu.memory_space<hbm>> -> memref<4096xi32, #tpu.memory_space<hbm>>
    tpu.wait_dma2 semaphore(%arg13 : memref<!tpu.dma_semaphore, #tpu.memory_space<semaphore_mem>>) src(%dma_wait3A_446 : memref<4096xi32, #tpu.memory_space<hbm>>) dst(%dma_wait3A_444 : memref<4096xi32, #tpu.memory_space<vmem>>)
    %parallel_loop3A_447 = arith.constant 0 : i32
    %parallel_loop3A_448 = arith.constant 4096 : i32
    %parallel_loop3A_449 = arith.constant 16 : i32
    scf.for %parallel_loop3A_674 = %parallel_loop3A_447 to %parallel_loop3A_448 step %parallel_loop3A_449  : i32 {
      %parallel_loop3A_675 = arith.constant 1 : i32
      %parallel_loop3A_676 = arith.index_cast %parallel_loop3A_675 : i32 to index
      %parallel_loop3A_677 = arith.index_cast %parallel_loop3A_674 : i32 to index
      %parallel_loop3A_678 = tpu.vector_load %arg11[%parallel_loop3A_676, %parallel_loop3A_677] {strides = array<i32>} : memref<2x4096xi32, #tpu.memory_space<vmem>>, vector<16xi32>,
      %parallel_loop3A_679 = tpu.vector_load_idx %arg9[%parallel_loop3A_678] : memref<100000xf32, #tpu.memory_space<vmem>>[vector<16xi32>], vector<16xf32>,
      %parallel_loop3A_680 = arith.constant 12288 : i32
      %parallel_loop3A_681 = arith.addi %parallel_loop3A_680, %parallel_loop3A_674 : i32
      %parallel_loop3A_682 = arith.index_cast %parallel_loop3A_681 : i32 to index
      %parallel_loop3A_683 = tpu.vector_load %arg10[%parallel_loop3A_682] {strides = array<i32>} : memref<16384xf32, #tpu.memory_space<vmem>>, vector<16xf32>,
      tpu.vector_store %arg10[%parallel_loop3A_682], %parallel_loop3A_679 {strides = array<i32>} : memref<16384xf32, #tpu.memory_space<vmem>>, vector<16xf32>,
    } {sc.loop_unroll_factor = 8 : i64, sc.parallel_access}
    %dma_start3A_450 = arith.constant 0 : i32
    %dma_start3A_451 = tpu.memref_slice %arg6[%add3A_337, %dma_start3A_450] : memref<64x100000xf32, #tpu.memory_space<hbm>> -> memref<1x100000xf32, #tpu.memory_space<hbm>>
    %dma_start3A_452 = tpu.memref_squeeze %dma_start3A_451 : memref<1x100000xf32, #tpu.memory_space<hbm>> -> memref<100000xf32, #tpu.memory_space<hbm>>
    %dma_start3A_453 = arith.constant 0 : i32
    %dma_start3A_454 = tpu.memref_slice %arg6[%add3A_337, %dma_start3A_453] : memref<64x100000xf32, #tpu.memory_space<hbm>> -> memref<1x100000xf32, #tpu.memory_space<hbm>>
    %dma_start3A_455 = tpu.memref_squeeze %dma_start3A_454 : memref<1x100000xf32, #tpu.memory_space<hbm>> -> memref<100000xf32, #tpu.memory_space<hbm>>
    tpu.enqueue_dma source(%dma_start3A_455 : memref<100000xf32, #tpu.memory_space<hbm>>) target(%arg9 : memref<100000xf32, #tpu.memory_space<vmem>>) target_semaphore(%arg12 : memref<!tpu.dma_semaphore, #tpu.memory_space<semaphore_mem>>)
    %dma_start3A_456 = arith.constant 0 : i32
    %dma_start3A_457 = arith.constant 0 : i32
    %dma_start3A_458 = tpu.memref_slice %arg11[%dma_start3A_456, %dma_start3A_457] : memref<2x4096xi32, #tpu.memory_space<vmem>> -> memref<1x4096xi32, #tpu.memory_space<vmem>>
    %dma_start3A_459 = tpu.memref_squeeze %dma_start3A_458 : memref<1x4096xi32, #tpu.memory_space<vmem>> -> memref<4096xi32, #tpu.memory_space<vmem>>
    %dma_start3A_460 = arith.constant 0 : i32
    %dma_start3A_461 = tpu.memref_slice %arg3[%dma_start3A_460] : memref<16384xi32, #tpu.memory_space<hbm>> -> memref<4096xi32, #tpu.memory_space<hbm>>
    %dma_start3A_462 = arith.constant 0 : i32
    %dma_start3A_463 = tpu.memref_slice %arg11[%dma_start3A_456, %dma_start3A_462] : memref<2x4096xi32, #tpu.memory_space<vmem>> -> memref<1x4096xi32, #tpu.memory_space<vmem>>
    %dma_start3A_464 = tpu.memref_squeeze %dma_start3A_463 : memref<1x4096xi32, #tpu.memory_space<vmem>> -> memref<4096xi32, #tpu.memory_space<vmem>>
    %dma_start3A_465 = arith.constant 0 : i32
    %dma_start3A_466 = tpu.memref_slice %arg3[%dma_start3A_465] : memref<16384xi32, #tpu.memory_space<hbm>> -> memref<4096xi32, #tpu.memory_space<hbm>>
    tpu.enqueue_dma source(%dma_start3A_466 : memref<4096xi32, #tpu.memory_space<hbm>>) target(%dma_start3A_464 : memref<4096xi32, #tpu.memory_space<vmem>>) target_semaphore(%arg13 : memref<!tpu.dma_semaphore, #tpu.memory_space<semaphore_mem>>)
    %dma_start3A_467 = arith.constant 1 : i32
    %dma_start3A_468 = arith.constant 0 : i32
    %dma_start3A_469 = tpu.memref_slice %arg11[%dma_start3A_467, %dma_start3A_468] : memref<2x4096xi32, #tpu.memory_space<vmem>> -> memref<1x4096xi32, #tpu.memory_space<vmem>>
    %dma_start3A_470 = tpu.memref_squeeze %dma_start3A_469 : memref<1x4096xi32, #tpu.memory_space<vmem>> -> memref<4096xi32, #tpu.memory_space<vmem>>
    %dma_start3A_471 = arith.constant 4096 : i32
    %dma_start3A_472 = tpu.memref_slice %arg3[%dma_start3A_471] : memref<16384xi32, #tpu.memory_space<hbm>> -> memref<4096xi32, #tpu.memory_space<hbm>>
    %dma_start3A_473 = arith.constant 0 : i32
    %dma_start3A_474 = tpu.memref_slice %arg11[%dma_start3A_467, %dma_start3A_473] : memref<2x4096xi32, #tpu.memory_space<vmem>> -> memref<1x4096xi32, #tpu.memory_space<vmem>>
    %dma_start3A_475 = tpu.memref_squeeze %dma_start3A_474 : memref<1x4096xi32, #tpu.memory_space<vmem>> -> memref<4096xi32, #tpu.memory_space<vmem>>
    %dma_start3A_476 = arith.constant 4096 : i32
    %dma_start3A_477 = tpu.memref_slice %arg3[%dma_start3A_476] : memref<16384xi32, #tpu.memory_space<hbm>> -> memref<4096xi32, #tpu.memory_space<hbm>>
    tpu.enqueue_dma source(%dma_start3A_477 : memref<4096xi32, #tpu.memory_space<hbm>>) target(%dma_start3A_475 : memref<4096xi32, #tpu.memory_space<vmem>>) target_semaphore(%arg13 : memref<!tpu.dma_semaphore, #tpu.memory_space<semaphore_mem>>)
    %dma_wait3A_478 = arith.constant 0 : i32
    %dma_wait3A_479 = tpu.memref_slice %arg6[%add3A_337, %dma_wait3A_478] : memref<64x100000xf32, #tpu.memory_space<hbm>> -> memref<1x100000xf32, #tpu.memory_space<hbm>>
    %dma_wait3A_480 = tpu.memref_squeeze %dma_wait3A_479 : memref<1x100000xf32, #tpu.memory_space<hbm>> -> memref<100000xf32, #tpu.memory_space<hbm>>
    %dma_wait3A_481 = arith.constant 0 : i32
    %dma_wait3A_482 = tpu.memref_slice %arg6[%add3A_337, %dma_wait3A_481] : memref<64x100000xf32, #tpu.memory_space<hbm>> -> memref<1x100000xf32, #tpu.memory_space<hbm>>
    %dma_wait3A_483 = tpu.memref_squeeze %dma_wait3A_482 : memref<1x100000xf32, #tpu.memory_space<hbm>> -> memref<100000xf32, #tpu.memory_space<hbm>>
    tpu.wait_dma2 semaphore(%arg12 : memref<!tpu.dma_semaphore, #tpu.memory_space<semaphore_mem>>) src(%dma_wait3A_483 : memref<100000xf32, #tpu.memory_space<hbm>>) dst(%arg9 : memref<100000xf32, #tpu.memory_space<vmem>>)
    %dma_wait3A_484 = arith.constant 0 : i32
    %dma_wait3A_485 = arith.constant 0 : i32
    %dma_wait3A_486 = tpu.memref_slice %arg11[%dma_wait3A_484, %dma_wait3A_485] : memref<2x4096xi32, #tpu.memory_space<vmem>> -> memref<1x4096xi32, #tpu.memory_space<vmem>>
    %dma_wait3A_487 = tpu.memref_squeeze %dma_wait3A_486 : memref<1x4096xi32, #tpu.memory_space<vmem>> -> memref<4096xi32, #tpu.memory_space<vmem>>
    %dma_wait3A_488 = arith.constant 0 : i32
    %dma_wait3A_489 = tpu.memref_slice %arg3[%dma_wait3A_488] : memref<16384xi32, #tpu.memory_space<hbm>> -> memref<4096xi32, #tpu.memory_space<hbm>>
    %dma_wait3A_490 = arith.constant 0 : i32
    %dma_wait3A_491 = tpu.memref_slice %arg11[%dma_wait3A_484, %dma_wait3A_490] : memref<2x4096xi32, #tpu.memory_space<vmem>> -> memref<1x4096xi32, #tpu.memory_space<vmem>>
    %dma_wait3A_492 = tpu.memref_squeeze %dma_wait3A_491 : memref<1x4096xi32, #tpu.memory_space<vmem>> -> memref<4096xi32, #tpu.memory_space<vmem>>
    %dma_wait3A_493 = arith.constant 0 : i32
    %dma_wait3A_494 = tpu.memref_slice %arg3[%dma_wait3A_493] : memref<16384xi32, #tpu.memory_space<hbm>> -> memref<4096xi32, #tpu.memory_space<hbm>>
    tpu.wait_dma2 semaphore(%arg13 : memref<!tpu.dma_semaphore, #tpu.memory_space<semaphore_mem>>) src(%dma_wait3A_494 : memref<4096xi32, #tpu.memory_space<hbm>>) dst(%dma_wait3A_492 : memref<4096xi32, #tpu.memory_space<vmem>>)
    %parallel_loop3A_495 = arith.constant 0 : i32
    %parallel_loop3A_496 = arith.constant 4096 : i32
    %parallel_loop3A_497 = arith.constant 16 : i32
    scf.for %parallel_loop3A_674 = %parallel_loop3A_495 to %parallel_loop3A_496 step %parallel_loop3A_497  : i32 {
      %parallel_loop3A_675 = arith.constant 0 : i32
      %parallel_loop3A_676 = arith.index_cast %parallel_loop3A_675 : i32 to index
      %parallel_loop3A_677 = arith.index_cast %parallel_loop3A_674 : i32 to index
      %parallel_loop3A_678 = tpu.vector_load %arg11[%parallel_loop3A_676, %parallel_loop3A_677] {strides = array<i32>} : memref<2x4096xi32, #tpu.memory_space<vmem>>, vector<16xi32>,
      %parallel_loop3A_679 = tpu.vector_load_idx %arg9[%parallel_loop3A_678] : memref<100000xf32, #tpu.memory_space<vmem>>[vector<16xi32>], vector<16xf32>,
      %parallel_loop3A_680 = arith.constant 0 : i32
      %parallel_loop3A_681 = arith.addi %parallel_loop3A_680, %parallel_loop3A_674 : i32
      %parallel_loop3A_682 = arith.index_cast %parallel_loop3A_681 : i32 to index
      %parallel_loop3A_683 = tpu.vector_load %arg10[%parallel_loop3A_682] {strides = array<i32>} : memref<16384xf32, #tpu.memory_space<vmem>>, vector<16xf32>,
      tpu.vector_store %arg10[%parallel_loop3A_682], %parallel_loop3A_679 {add = true, strides = array<i32>} : memref<16384xf32, #tpu.memory_space<vmem>>, vector<16xf32>,
    } {sc.loop_unroll_factor = 8 : i64, sc.parallel_access}
    %dma_start3A_498 = arith.constant 0 : i32
    %dma_start3A_499 = arith.constant 0 : i32
    %dma_start3A_500 = tpu.memref_slice %arg11[%dma_start3A_498, %dma_start3A_499] : memref<2x4096xi32, #tpu.memory_space<vmem>> -> memref<1x4096xi32, #tpu.memory_space<vmem>>
    %dma_start3A_501 = tpu.memref_squeeze %dma_start3A_500 : memref<1x4096xi32, #tpu.memory_space<vmem>> -> memref<4096xi32, #tpu.memory_space<vmem>>
    %dma_start3A_502 = arith.constant 8192 : i32
    %dma_start3A_503 = tpu.memref_slice %arg3[%dma_start3A_502] : memref<16384xi32, #tpu.memory_space<hbm>> -> memref<4096xi32, #tpu.memory_space<hbm>>
    %dma_start3A_504 = arith.constant 0 : i32
    %dma_start3A_505 = tpu.memref_slice %arg11[%dma_start3A_498, %dma_start3A_504] : memref<2x4096xi32, #tpu.memory_space<vmem>> -> memref<1x4096xi32, #tpu.memory_space<vmem>>
    %dma_start3A_506 = tpu.memref_squeeze %dma_start3A_505 : memref<1x4096xi32, #tpu.memory_space<vmem>> -> memref<4096xi32, #tpu.memory_space<vmem>>
    %dma_start3A_507 = arith.constant 8192 : i32
    %dma_start3A_508 = tpu.memref_slice %arg3[%dma_start3A_507] : memref<16384xi32, #tpu.memory_space<hbm>> -> memref<4096xi32, #tpu.memory_space<hbm>>
    tpu.enqueue_dma source(%dma_start3A_508 : memref<4096xi32, #tpu.memory_space<hbm>>) target(%dma_start3A_506 : memref<4096xi32, #tpu.memory_space<vmem>>) target_semaphore(%arg13 : memref<!tpu.dma_semaphore, #tpu.memory_space<semaphore_mem>>)
    %dma_wait3A_509 = arith.constant 1 : i32
    %dma_wait3A_510 = arith.constant 0 : i32
    %dma_wait3A_511 = tpu.memref_slice %arg11[%dma_wait3A_509, %dma_wait3A_510] : memref<2x4096xi32, #tpu.memory_space<vmem>> -> memref<1x4096xi32, #tpu.memory_space<vmem>>
    %dma_wait3A_512 = tpu.memref_squeeze %dma_wait3A_511 : memref<1x4096xi32, #tpu.memory_space<vmem>> -> memref<4096xi32, #tpu.memory_space<vmem>>
    %dma_wait3A_513 = arith.constant 4096 : i32
    %dma_wait3A_514 = tpu.memref_slice %arg3[%dma_wait3A_513] : memref<16384xi32, #tpu.memory_space<hbm>> -> memref<4096xi32, #tpu.memory_space<hbm>>
    %dma_wait3A_515 = arith.constant 0 : i32
    %dma_wait3A_516 = tpu.memref_slice %arg11[%dma_wait3A_509, %dma_wait3A_515] : memref<2x4096xi32, #tpu.memory_space<vmem>> -> memref<1x4096xi32, #tpu.memory_space<vmem>>
    %dma_wait3A_517 = tpu.memref_squeeze %dma_wait3A_516 : memref<1x4096xi32, #tpu.memory_space<vmem>> -> memref<4096xi32, #tpu.memory_space<vmem>>
    %dma_wait3A_518 = arith.constant 4096 : i32
    %dma_wait3A_519 = tpu.memref_slice %arg3[%dma_wait3A_518] : memref<16384xi32, #tpu.memory_space<hbm>> -> memref<4096xi32, #tpu.memory_space<hbm>>
    tpu.wait_dma2 semaphore(%arg13 : memref<!tpu.dma_semaphore, #tpu.memory_space<semaphore_mem>>) src(%dma_wait3A_519 : memref<4096xi32, #tpu.memory_space<hbm>>) dst(%dma_wait3A_517 : memref<4096xi32, #tpu.memory_space<vmem>>)
    %parallel_loop3A_520 = arith.constant 0 : i32
    %parallel_loop3A_521 = arith.constant 4096 : i32
    %parallel_loop3A_522 = arith.constant 16 : i32
    scf.for %parallel_loop3A_674 = %parallel_loop3A_520 to %parallel_loop3A_521 step %parallel_loop3A_522  : i32 {
      %parallel_loop3A_675 = arith.constant 1 : i32
      %parallel_loop3A_676 = arith.index_cast %parallel_loop3A_675 : i32 to index
      %parallel_loop3A_677 = arith.index_cast %parallel_loop3A_674 : i32 to index
      %parallel_loop3A_678 = tpu.vector_load %arg11[%parallel_loop3A_676, %parallel_loop3A_677] {strides = array<i32>} : memref<2x4096xi32, #tpu.memory_space<vmem>>, vector<16xi32>,
      %parallel_loop3A_679 = tpu.vector_load_idx %arg9[%parallel_loop3A_678] : memref<100000xf32, #tpu.memory_space<vmem>>[vector<16xi32>], vector<16xf32>,
      %parallel_loop3A_680 = arith.constant 4096 : i32
      %parallel_loop3A_681 = arith.addi %parallel_loop3A_680, %parallel_loop3A_674 : i32
      %parallel_loop3A_682 = arith.index_cast %parallel_loop3A_681 : i32 to index
      %parallel_loop3A_683 = tpu.vector_load %arg10[%parallel_loop3A_682] {strides = array<i32>} : memref<16384xf32, #tpu.memory_space<vmem>>, vector<16xf32>,
      tpu.vector_store %arg10[%parallel_loop3A_682], %parallel_loop3A_679 {add = true, strides = array<i32>} : memref<16384xf32, #tpu.memory_space<vmem>>, vector<16xf32>,
    } {sc.loop_unroll_factor = 8 : i64, sc.parallel_access}
    %dma_start3A_523 = arith.constant 1 : i32
    %dma_start3A_524 = arith.constant 0 : i32
    %dma_start3A_525 = tpu.memref_slice %arg11[%dma_start3A_523, %dma_start3A_524] : memref<2x4096xi32, #tpu.memory_space<vmem>> -> memref<1x4096xi32, #tpu.memory_space<vmem>>
    %dma_start3A_526 = tpu.memref_squeeze %dma_start3A_525 : memref<1x4096xi32, #tpu.memory_space<vmem>> -> memref<4096xi32, #tpu.memory_space<vmem>>
    %dma_start3A_527 = arith.constant 12288 : i32
    %dma_start3A_528 = tpu.memref_slice %arg3[%dma_start3A_527] : memref<16384xi32, #tpu.memory_space<hbm>> -> memref<4096xi32, #tpu.memory_space<hbm>>
    %dma_start3A_529 = arith.constant 0 : i32
    %dma_start3A_530 = tpu.memref_slice %arg11[%dma_start3A_523, %dma_start3A_529] : memref<2x4096xi32, #tpu.memory_space<vmem>> -> memref<1x4096xi32, #tpu.memory_space<vmem>>
    %dma_start3A_531 = tpu.memref_squeeze %dma_start3A_530 : memref<1x4096xi32, #tpu.memory_space<vmem>> -> memref<4096xi32, #tpu.memory_space<vmem>>
    %dma_start3A_532 = arith.constant 12288 : i32
    %dma_start3A_533 = tpu.memref_slice %arg3[%dma_start3A_532] : memref<16384xi32, #tpu.memory_space<hbm>> -> memref<4096xi32, #tpu.memory_space<hbm>>
    tpu.enqueue_dma source(%dma_start3A_533 : memref<4096xi32, #tpu.memory_space<hbm>>) target(%dma_start3A_531 : memref<4096xi32, #tpu.memory_space<vmem>>) target_semaphore(%arg13 : memref<!tpu.dma_semaphore, #tpu.memory_space<semaphore_mem>>)
    %dma_wait3A_534 = arith.constant 0 : i32
    %dma_wait3A_535 = arith.constant 0 : i32
    %dma_wait3A_536 = tpu.memref_slice %arg11[%dma_wait3A_534, %dma_wait3A_535] : memref<2x4096xi32, #tpu.memory_space<vmem>> -> memref<1x4096xi32, #tpu.memory_space<vmem>>
    %dma_wait3A_537 = tpu.memref_squeeze %dma_wait3A_536 : memref<1x4096xi32, #tpu.memory_space<vmem>> -> memref<4096xi32, #tpu.memory_space<vmem>>
    %dma_wait3A_538 = arith.constant 8192 : i32
    %dma_wait3A_539 = tpu.memref_slice %arg3[%dma_wait3A_538] : memref<16384xi32, #tpu.memory_space<hbm>> -> memref<4096xi32, #tpu.memory_space<hbm>>
    %dma_wait3A_540 = arith.constant 0 : i32
    %dma_wait3A_541 = tpu.memref_slice %arg11[%dma_wait3A_534, %dma_wait3A_540] : memref<2x4096xi32, #tpu.memory_space<vmem>> -> memref<1x4096xi32, #tpu.memory_space<vmem>>
    %dma_wait3A_542 = tpu.memref_squeeze %dma_wait3A_541 : memref<1x4096xi32, #tpu.memory_space<vmem>> -> memref<4096xi32, #tpu.memory_space<vmem>>
    %dma_wait3A_543 = arith.constant 8192 : i32
    %dma_wait3A_544 = tpu.memref_slice %arg3[%dma_wait3A_543] : memref<16384xi32, #tpu.memory_space<hbm>> -> memref<4096xi32, #tpu.memory_space<hbm>>
    tpu.wait_dma2 semaphore(%arg13 : memref<!tpu.dma_semaphore, #tpu.memory_space<semaphore_mem>>) src(%dma_wait3A_544 : memref<4096xi32, #tpu.memory_space<hbm>>) dst(%dma_wait3A_542 : memref<4096xi32, #tpu.memory_space<vmem>>)
    %parallel_loop3A_545 = arith.constant 0 : i32
    %parallel_loop3A_546 = arith.constant 4096 : i32
    %parallel_loop3A_547 = arith.constant 16 : i32
    scf.for %parallel_loop3A_674 = %parallel_loop3A_545 to %parallel_loop3A_546 step %parallel_loop3A_547  : i32 {
      %parallel_loop3A_675 = arith.constant 0 : i32
      %parallel_loop3A_676 = arith.index_cast %parallel_loop3A_675 : i32 to index
      %parallel_loop3A_677 = arith.index_cast %parallel_loop3A_674 : i32 to index
      %parallel_loop3A_678 = tpu.vector_load %arg11[%parallel_loop3A_676, %parallel_loop3A_677] {strides = array<i32>} : memref<2x4096xi32, #tpu.memory_space<vmem>>, vector<16xi32>,
      %parallel_loop3A_679 = tpu.vector_load_idx %arg9[%parallel_loop3A_678] : memref<100000xf32, #tpu.memory_space<vmem>>[vector<16xi32>], vector<16xf32>,
      %parallel_loop3A_680 = arith.constant 8192 : i32
      %parallel_loop3A_681 = arith.addi %parallel_loop3A_680, %parallel_loop3A_674 : i32
      %parallel_loop3A_682 = arith.index_cast %parallel_loop3A_681 : i32 to index
      %parallel_loop3A_683 = tpu.vector_load %arg10[%parallel_loop3A_682] {strides = array<i32>} : memref<16384xf32, #tpu.memory_space<vmem>>, vector<16xf32>,
      tpu.vector_store %arg10[%parallel_loop3A_682], %parallel_loop3A_679 {add = true, strides = array<i32>} : memref<16384xf32, #tpu.memory_space<vmem>>, vector<16xf32>,
    } {sc.loop_unroll_factor = 8 : i64, sc.parallel_access}
    %dma_wait3A_548 = arith.constant 1 : i32
    %dma_wait3A_549 = arith.constant 0 : i32
    %dma_wait3A_550 = tpu.memref_slice %arg11[%dma_wait3A_548, %dma_wait3A_549] : memref<2x4096xi32, #tpu.memory_space<vmem>> -> memref<1x4096xi32, #tpu.memory_space<vmem>>
    %dma_wait3A_551 = tpu.memref_squeeze %dma_wait3A_550 : memref<1x4096xi32, #tpu.memory_space<vmem>> -> memref<4096xi32, #tpu.memory_space<vmem>>
    %dma_wait3A_552 = arith.constant 12288 : i32
    %dma_wait3A_553 = tpu.memref_slice %arg3[%dma_wait3A_552] : memref<16384xi32, #tpu.memory_space<hbm>> -> memref<4096xi32, #tpu.memory_space<hbm>>
    %dma_wait3A_554 = arith.constant 0 : i32
    %dma_wait3A_555 = tpu.memref_slice %arg11[%dma_wait3A_548, %dma_wait3A_554] : memref<2x4096xi32, #tpu.memory_space<vmem>> -> memref<1x4096xi32, #tpu.memory_space<vmem>>
    %dma_wait3A_556 = tpu.memref_squeeze %dma_wait3A_555 : memref<1x4096xi32, #tpu.memory_space<vmem>> -> memref<4096xi32, #tpu.memory_space<vmem>>
    %dma_wait3A_557 = arith.constant 12288 : i32
    %dma_wait3A_558 = tpu.memref_slice %arg3[%dma_wait3A_557] : memref<16384xi32, #tpu.memory_space<hbm>> -> memref<4096xi32, #tpu.memory_space<hbm>>
    tpu.wait_dma2 semaphore(%arg13 : memref<!tpu.dma_semaphore, #tpu.memory_space<semaphore_mem>>) src(%dma_wait3A_558 : memref<4096xi32, #tpu.memory_space<hbm>>) dst(%dma_wait3A_556 : memref<4096xi32, #tpu.memory_space<vmem>>)
    %parallel_loop3A_559 = arith.constant 0 : i32
    %parallel_loop3A_560 = arith.constant 4096 : i32
    %parallel_loop3A_561 = arith.constant 16 : i32
    scf.for %parallel_loop3A_674 = %parallel_loop3A_559 to %parallel_loop3A_560 step %parallel_loop3A_561  : i32 {
      %parallel_loop3A_675 = arith.constant 1 : i32
      %parallel_loop3A_676 = arith.index_cast %parallel_loop3A_675 : i32 to index
      %parallel_loop3A_677 = arith.index_cast %parallel_loop3A_674 : i32 to index
      %parallel_loop3A_678 = tpu.vector_load %arg11[%parallel_loop3A_676, %parallel_loop3A_677] {strides = array<i32>} : memref<2x4096xi32, #tpu.memory_space<vmem>>, vector<16xi32>,
      %parallel_loop3A_679 = tpu.vector_load_idx %arg9[%parallel_loop3A_678] : memref<100000xf32, #tpu.memory_space<vmem>>[vector<16xi32>], vector<16xf32>,
      %parallel_loop3A_680 = arith.constant 12288 : i32
      %parallel_loop3A_681 = arith.addi %parallel_loop3A_680, %parallel_loop3A_674 : i32
      %parallel_loop3A_682 = arith.index_cast %parallel_loop3A_681 : i32 to index
      %parallel_loop3A_683 = tpu.vector_load %arg10[%parallel_loop3A_682] {strides = array<i32>} : memref<16384xf32, #tpu.memory_space<vmem>>, vector<16xf32>,
      tpu.vector_store %arg10[%parallel_loop3A_682], %parallel_loop3A_679 {add = true, strides = array<i32>} : memref<16384xf32, #tpu.memory_space<vmem>>, vector<16xf32>,
    } {sc.loop_unroll_factor = 8 : i64, sc.parallel_access}
    %dma_start3A_562 = arith.constant 0 : i32
    %dma_start3A_563 = tpu.memref_slice %arg7[%add3A_337, %dma_start3A_562] : memref<64x100000xf32, #tpu.memory_space<hbm>> -> memref<1x100000xf32, #tpu.memory_space<hbm>>
    %dma_start3A_564 = tpu.memref_squeeze %dma_start3A_563 : memref<1x100000xf32, #tpu.memory_space<hbm>> -> memref<100000xf32, #tpu.memory_space<hbm>>
    %dma_start3A_565 = arith.constant 0 : i32
    %dma_start3A_566 = tpu.memref_slice %arg7[%add3A_337, %dma_start3A_565] : memref<64x100000xf32, #tpu.memory_space<hbm>> -> memref<1x100000xf32, #tpu.memory_space<hbm>>
    %dma_start3A_567 = tpu.memref_squeeze %dma_start3A_566 : memref<1x100000xf32, #tpu.memory_space<hbm>> -> memref<100000xf32, #tpu.memory_space<hbm>>
    tpu.enqueue_dma source(%dma_start3A_567 : memref<100000xf32, #tpu.memory_space<hbm>>) target(%arg9 : memref<100000xf32, #tpu.memory_space<vmem>>) target_semaphore(%arg12 : memref<!tpu.dma_semaphore, #tpu.memory_space<semaphore_mem>>)
    %dma_start3A_568 = arith.constant 0 : i32
    %dma_start3A_569 = arith.constant 0 : i32
    %dma_start3A_570 = tpu.memref_slice %arg11[%dma_start3A_568, %dma_start3A_569] : memref<2x4096xi32, #tpu.memory_space<vmem>> -> memref<1x4096xi32, #tpu.memory_space<vmem>>
    %dma_start3A_571 = tpu.memref_squeeze %dma_start3A_570 : memref<1x4096xi32, #tpu.memory_space<vmem>> -> memref<4096xi32, #tpu.memory_space<vmem>>
    %dma_start3A_572 = arith.constant 0 : i32
    %dma_start3A_573 = tpu.memref_slice %arg4[%dma_start3A_572] : memref<16384xi32, #tpu.memory_space<hbm>> -> memref<4096xi32, #tpu.memory_space<hbm>>
    %dma_start3A_574 = arith.constant 0 : i32
    %dma_start3A_575 = tpu.memref_slice %arg11[%dma_start3A_568, %dma_start3A_574] : memref<2x4096xi32, #tpu.memory_space<vmem>> -> memref<1x4096xi32, #tpu.memory_space<vmem>>
    %dma_start3A_576 = tpu.memref_squeeze %dma_start3A_575 : memref<1x4096xi32, #tpu.memory_space<vmem>> -> memref<4096xi32, #tpu.memory_space<vmem>>
    %dma_start3A_577 = arith.constant 0 : i32
    %dma_start3A_578 = tpu.memref_slice %arg4[%dma_start3A_577] : memref<16384xi32, #tpu.memory_space<hbm>> -> memref<4096xi32, #tpu.memory_space<hbm>>
    tpu.enqueue_dma source(%dma_start3A_578 : memref<4096xi32, #tpu.memory_space<hbm>>) target(%dma_start3A_576 : memref<4096xi32, #tpu.memory_space<vmem>>) target_semaphore(%arg13 : memref<!tpu.dma_semaphore, #tpu.memory_space<semaphore_mem>>)
    %dma_start3A_579 = arith.constant 1 : i32
    %dma_start3A_580 = arith.constant 0 : i32
    %dma_start3A_581 = tpu.memref_slice %arg11[%dma_start3A_579, %dma_start3A_580] : memref<2x4096xi32, #tpu.memory_space<vmem>> -> memref<1x4096xi32, #tpu.memory_space<vmem>>
    %dma_start3A_582 = tpu.memref_squeeze %dma_start3A_581 : memref<1x4096xi32, #tpu.memory_space<vmem>> -> memref<4096xi32, #tpu.memory_space<vmem>>
    %dma_start3A_583 = arith.constant 4096 : i32
    %dma_start3A_584 = tpu.memref_slice %arg4[%dma_start3A_583] : memref<16384xi32, #tpu.memory_space<hbm>> -> memref<4096xi32, #tpu.memory_space<hbm>>
    %dma_start3A_585 = arith.constant 0 : i32
    %dma_start3A_586 = tpu.memref_slice %arg11[%dma_start3A_579, %dma_start3A_585] : memref<2x4096xi32, #tpu.memory_space<vmem>> -> memref<1x4096xi32, #tpu.memory_space<vmem>>
    %dma_start3A_587 = tpu.memref_squeeze %dma_start3A_586 : memref<1x4096xi32, #tpu.memory_space<vmem>> -> memref<4096xi32, #tpu.memory_space<vmem>>
    %dma_start3A_588 = arith.constant 4096 : i32
    %dma_start3A_589 = tpu.memref_slice %arg4[%dma_start3A_588] : memref<16384xi32, #tpu.memory_space<hbm>> -> memref<4096xi32, #tpu.memory_space<hbm>>
    tpu.enqueue_dma source(%dma_start3A_589 : memref<4096xi32, #tpu.memory_space<hbm>>) target(%dma_start3A_587 : memref<4096xi32, #tpu.memory_space<vmem>>) target_semaphore(%arg13 : memref<!tpu.dma_semaphore, #tpu.memory_space<semaphore_mem>>)
    %dma_wait3A_590 = arith.constant 0 : i32
    %dma_wait3A_591 = tpu.memref_slice %arg7[%add3A_337, %dma_wait3A_590] : memref<64x100000xf32, #tpu.memory_space<hbm>> -> memref<1x100000xf32, #tpu.memory_space<hbm>>
    %dma_wait3A_592 = tpu.memref_squeeze %dma_wait3A_591 : memref<1x100000xf32, #tpu.memory_space<hbm>> -> memref<100000xf32, #tpu.memory_space<hbm>>
    %dma_wait3A_593 = arith.constant 0 : i32
    %dma_wait3A_594 = tpu.memref_slice %arg7[%add3A_337, %dma_wait3A_593] : memref<64x100000xf32, #tpu.memory_space<hbm>> -> memref<1x100000xf32, #tpu.memory_space<hbm>>
    %dma_wait3A_595 = tpu.memref_squeeze %dma_wait3A_594 : memref<1x100000xf32, #tpu.memory_space<hbm>> -> memref<100000xf32, #tpu.memory_space<hbm>>
    tpu.wait_dma2 semaphore(%arg12 : memref<!tpu.dma_semaphore, #tpu.memory_space<semaphore_mem>>) src(%dma_wait3A_595 : memref<100000xf32, #tpu.memory_space<hbm>>) dst(%arg9 : memref<100000xf32, #tpu.memory_space<vmem>>)
    %dma_wait3A_596 = arith.constant 0 : i32
    %dma_wait3A_597 = arith.constant 0 : i32
    %dma_wait3A_598 = tpu.memref_slice %arg11[%dma_wait3A_596, %dma_wait3A_597] : memref<2x4096xi32, #tpu.memory_space<vmem>> -> memref<1x4096xi32, #tpu.memory_space<vmem>>
    %dma_wait3A_599 = tpu.memref_squeeze %dma_wait3A_598 : memref<1x4096xi32, #tpu.memory_space<vmem>> -> memref<4096xi32, #tpu.memory_space<vmem>>
    %dma_wait3A_600 = arith.constant 0 : i32
    %dma_wait3A_601 = tpu.memref_slice %arg4[%dma_wait3A_600] : memref<16384xi32, #tpu.memory_space<hbm>> -> memref<4096xi32, #tpu.memory_space<hbm>>
    %dma_wait3A_602 = arith.constant 0 : i32
    %dma_wait3A_603 = tpu.memref_slice %arg11[%dma_wait3A_596, %dma_wait3A_602] : memref<2x4096xi32, #tpu.memory_space<vmem>> -> memref<1x4096xi32, #tpu.memory_space<vmem>>
    %dma_wait3A_604 = tpu.memref_squeeze %dma_wait3A_603 : memref<1x4096xi32, #tpu.memory_space<vmem>> -> memref<4096xi32, #tpu.memory_space<vmem>>
    %dma_wait3A_605 = arith.constant 0 : i32
    %dma_wait3A_606 = tpu.memref_slice %arg4[%dma_wait3A_605] : memref<16384xi32, #tpu.memory_space<hbm>> -> memref<4096xi32, #tpu.memory_space<hbm>>
    tpu.wait_dma2 semaphore(%arg13 : memref<!tpu.dma_semaphore, #tpu.memory_space<semaphore_mem>>) src(%dma_wait3A_606 : memref<4096xi32, #tpu.memory_space<hbm>>) dst(%dma_wait3A_604 : memref<4096xi32, #tpu.memory_space<vmem>>)
    %parallel_loop3A_607 = arith.constant 0 : i32
    %parallel_loop3A_608 = arith.constant 4096 : i32
    %parallel_loop3A_609 = arith.constant 16 : i32
    scf.for %parallel_loop3A_674 = %parallel_loop3A_607 to %parallel_loop3A_608 step %parallel_loop3A_609  : i32 {
      %parallel_loop3A_675 = arith.constant 0 : i32
      %parallel_loop3A_676 = arith.index_cast %parallel_loop3A_675 : i32 to index
      %parallel_loop3A_677 = arith.index_cast %parallel_loop3A_674 : i32 to index
      %parallel_loop3A_678 = tpu.vector_load %arg11[%parallel_loop3A_676, %parallel_loop3A_677] {strides = array<i32>} : memref<2x4096xi32, #tpu.memory_space<vmem>>, vector<16xi32>,
      %parallel_loop3A_679 = tpu.vector_load_idx %arg9[%parallel_loop3A_678] : memref<100000xf32, #tpu.memory_space<vmem>>[vector<16xi32>], vector<16xf32>,
      %parallel_loop3A_680 = arith.constant 0 : i32
      %parallel_loop3A_681 = arith.addi %parallel_loop3A_680, %parallel_loop3A_674 : i32
      %parallel_loop3A_682 = arith.index_cast %parallel_loop3A_681 : i32 to index
      %parallel_loop3A_683 = tpu.vector_load %arg10[%parallel_loop3A_682] {strides = array<i32>} : memref<16384xf32, #tpu.memory_space<vmem>>, vector<16xf32>,
      tpu.vector_store %arg10[%parallel_loop3A_682], %parallel_loop3A_679 {add = true, strides = array<i32>} : memref<16384xf32, #tpu.memory_space<vmem>>, vector<16xf32>,
    } {sc.loop_unroll_factor = 8 : i64, sc.parallel_access}
    %dma_start3A_610 = arith.constant 0 : i32
    %dma_start3A_611 = arith.constant 0 : i32
    %dma_start3A_612 = tpu.memref_slice %arg11[%dma_start3A_610, %dma_start3A_611] : memref<2x4096xi32, #tpu.memory_space<vmem>> -> memref<1x4096xi32, #tpu.memory_space<vmem>>
    %dma_start3A_613 = tpu.memref_squeeze %dma_start3A_612 : memref<1x4096xi32, #tpu.memory_space<vmem>> -> memref<4096xi32, #tpu.memory_space<vmem>>
    %dma_start3A_614 = arith.constant 8192 : i32
    %dma_start3A_615 = tpu.memref_slice %arg4[%dma_start3A_614] : memref<16384xi32, #tpu.memory_space<hbm>> -> memref<4096xi32, #tpu.memory_space<hbm>>
    %dma_start3A_616 = arith.constant 0 : i32
    %dma_start3A_617 = tpu.memref_slice %arg11[%dma_start3A_610, %dma_start3A_616] : memref<2x4096xi32, #tpu.memory_space<vmem>> -> memref<1x4096xi32, #tpu.memory_space<vmem>>
    %dma_start3A_618 = tpu.memref_squeeze %dma_start3A_617 : memref<1x4096xi32, #tpu.memory_space<vmem>> -> memref<4096xi32, #tpu.memory_space<vmem>>
    %dma_start3A_619 = arith.constant 8192 : i32
    %dma_start3A_620 = tpu.memref_slice %arg4[%dma_start3A_619] : memref<16384xi32, #tpu.memory_space<hbm>> -> memref<4096xi32, #tpu.memory_space<hbm>>
    tpu.enqueue_dma source(%dma_start3A_620 : memref<4096xi32, #tpu.memory_space<hbm>>) target(%dma_start3A_618 : memref<4096xi32, #tpu.memory_space<vmem>>) target_semaphore(%arg13 : memref<!tpu.dma_semaphore, #tpu.memory_space<semaphore_mem>>)
    %dma_wait3A_621 = arith.constant 1 : i32
    %dma_wait3A_622 = arith.constant 0 : i32
    %dma_wait3A_623 = tpu.memref_slice %arg11[%dma_wait3A_621, %dma_wait3A_622] : memref<2x4096xi32, #tpu.memory_space<vmem>> -> memref<1x4096xi32, #tpu.memory_space<vmem>>
    %dma_wait3A_624 = tpu.memref_squeeze %dma_wait3A_623 : memref<1x4096xi32, #tpu.memory_space<vmem>> -> memref<4096xi32, #tpu.memory_space<vmem>>
    %dma_wait3A_625 = arith.constant 4096 : i32
    %dma_wait3A_626 = tpu.memref_slice %arg4[%dma_wait3A_625] : memref<16384xi32, #tpu.memory_space<hbm>> -> memref<4096xi32, #tpu.memory_space<hbm>>
    %dma_wait3A_627 = arith.constant 0 : i32
    %dma_wait3A_628 = tpu.memref_slice %arg11[%dma_wait3A_621, %dma_wait3A_627] : memref<2x4096xi32, #tpu.memory_space<vmem>> -> memref<1x4096xi32, #tpu.memory_space<vmem>>
    %dma_wait3A_629 = tpu.memref_squeeze %dma_wait3A_628 : memref<1x4096xi32, #tpu.memory_space<vmem>> -> memref<4096xi32, #tpu.memory_space<vmem>>
    %dma_wait3A_630 = arith.constant 4096 : i32
    %dma_wait3A_631 = tpu.memref_slice %arg4[%dma_wait3A_630] : memref<16384xi32, #tpu.memory_space<hbm>> -> memref<4096xi32, #tpu.memory_space<hbm>>
    tpu.wait_dma2 semaphore(%arg13 : memref<!tpu.dma_semaphore, #tpu.memory_space<semaphore_mem>>) src(%dma_wait3A_631 : memref<4096xi32, #tpu.memory_space<hbm>>) dst(%dma_wait3A_629 : memref<4096xi32, #tpu.memory_space<vmem>>)
    %parallel_loop3A_632 = arith.constant 0 : i32
    %parallel_loop3A_633 = arith.constant 4096 : i32
    %parallel_loop3A_634 = arith.constant 16 : i32
    scf.for %parallel_loop3A_674 = %parallel_loop3A_632 to %parallel_loop3A_633 step %parallel_loop3A_634  : i32 {
      %parallel_loop3A_675 = arith.constant 1 : i32
      %parallel_loop3A_676 = arith.index_cast %parallel_loop3A_675 : i32 to index
      %parallel_loop3A_677 = arith.index_cast %parallel_loop3A_674 : i32 to index
      %parallel_loop3A_678 = tpu.vector_load %arg11[%parallel_loop3A_676, %parallel_loop3A_677] {strides = array<i32>} : memref<2x4096xi32, #tpu.memory_space<vmem>>, vector<16xi32>,
      %parallel_loop3A_679 = tpu.vector_load_idx %arg9[%parallel_loop3A_678] : memref<100000xf32, #tpu.memory_space<vmem>>[vector<16xi32>], vector<16xf32>,
      %parallel_loop3A_680 = arith.constant 4096 : i32
      %parallel_loop3A_681 = arith.addi %parallel_loop3A_680, %parallel_loop3A_674 : i32
      %parallel_loop3A_682 = arith.index_cast %parallel_loop3A_681 : i32 to index
      %parallel_loop3A_683 = tpu.vector_load %arg10[%parallel_loop3A_682] {strides = array<i32>} : memref<16384xf32, #tpu.memory_space<vmem>>, vector<16xf32>,
      tpu.vector_store %arg10[%parallel_loop3A_682], %parallel_loop3A_679 {add = true, strides = array<i32>} : memref<16384xf32, #tpu.memory_space<vmem>>, vector<16xf32>,
    } {sc.loop_unroll_factor = 8 : i64, sc.parallel_access}
    %dma_start3A_635 = arith.constant 1 : i32
    %dma_start3A_636 = arith.constant 0 : i32
    %dma_start3A_637 = tpu.memref_slice %arg11[%dma_start3A_635, %dma_start3A_636] : memref<2x4096xi32, #tpu.memory_space<vmem>> -> memref<1x4096xi32, #tpu.memory_space<vmem>>
    %dma_start3A_638 = tpu.memref_squeeze %dma_start3A_637 : memref<1x4096xi32, #tpu.memory_space<vmem>> -> memref<4096xi32, #tpu.memory_space<vmem>>
    %dma_start3A_639 = arith.constant 12288 : i32
    %dma_start3A_640 = tpu.memref_slice %arg4[%dma_start3A_639] : memref<16384xi32, #tpu.memory_space<hbm>> -> memref<4096xi32, #tpu.memory_space<hbm>>
    %dma_start3A_641 = arith.constant 0 : i32
    %dma_start3A_642 = tpu.memref_slice %arg11[%dma_start3A_635, %dma_start3A_641] : memref<2x4096xi32, #tpu.memory_space<vmem>> -> memref<1x4096xi32, #tpu.memory_space<vmem>>
    %dma_start3A_643 = tpu.memref_squeeze %dma_start3A_642 : memref<1x4096xi32, #tpu.memory_space<vmem>> -> memref<4096xi32, #tpu.memory_space<vmem>>
    %dma_start3A_644 = arith.constant 12288 : i32
    %dma_start3A_645 = tpu.memref_slice %arg4[%dma_start3A_644] : memref<16384xi32, #tpu.memory_space<hbm>> -> memref<4096xi32, #tpu.memory_space<hbm>>
    tpu.enqueue_dma source(%dma_start3A_645 : memref<4096xi32, #tpu.memory_space<hbm>>) target(%dma_start3A_643 : memref<4096xi32, #tpu.memory_space<vmem>>) target_semaphore(%arg13 : memref<!tpu.dma_semaphore, #tpu.memory_space<semaphore_mem>>)
    %dma_wait3A_646 = arith.constant 0 : i32
    %dma_wait3A_647 = arith.constant 0 : i32
    %dma_wait3A_648 = tpu.memref_slice %arg11[%dma_wait3A_646, %dma_wait3A_647] : memref<2x4096xi32, #tpu.memory_space<vmem>> -> memref<1x4096xi32, #tpu.memory_space<vmem>>
    %dma_wait3A_649 = tpu.memref_squeeze %dma_wait3A_648 : memref<1x4096xi32, #tpu.memory_space<vmem>> -> memref<4096xi32, #tpu.memory_space<vmem>>
    %dma_wait3A_650 = arith.constant 8192 : i32
    %dma_wait3A_651 = tpu.memref_slice %arg4[%dma_wait3A_650] : memref<16384xi32, #tpu.memory_space<hbm>> -> memref<4096xi32, #tpu.memory_space<hbm>>
    %dma_wait3A_652 = arith.constant 0 : i32
    %dma_wait3A_653 = tpu.memref_slice %arg11[%dma_wait3A_646, %dma_wait3A_652] : memref<2x4096xi32, #tpu.memory_space<vmem>> -> memref<1x4096xi32, #tpu.memory_space<vmem>>
    %dma_wait3A_654 = tpu.memref_squeeze %dma_wait3A_653 : memref<1x4096xi32, #tpu.memory_space<vmem>> -> memref<4096xi32, #tpu.memory_space<vmem>>
    %dma_wait3A_655 = arith.constant 8192 : i32
    %dma_wait3A_656 = tpu.memref_slice %arg4[%dma_wait3A_655] : memref<16384xi32, #tpu.memory_space<hbm>> -> memref<4096xi32, #tpu.memory_space<hbm>>
    tpu.wait_dma2 semaphore(%arg13 : memref<!tpu.dma_semaphore, #tpu.memory_space<semaphore_mem>>) src(%dma_wait3A_656 : memref<4096xi32, #tpu.memory_space<hbm>>) dst(%dma_wait3A_654 : memref<4096xi32, #tpu.memory_space<vmem>>)
    %parallel_loop3A_657 = arith.constant 0 : i32
    %parallel_loop3A_658 = arith.constant 4096 : i32
    %parallel_loop3A_659 = arith.constant 16 : i32
    scf.for %parallel_loop3A_674 = %parallel_loop3A_657 to %parallel_loop3A_658 step %parallel_loop3A_659  : i32 {
      %parallel_loop3A_675 = arith.constant 0 : i32
      %parallel_loop3A_676 = arith.index_cast %parallel_loop3A_675 : i32 to index
      %parallel_loop3A_677 = arith.index_cast %parallel_loop3A_674 : i32 to index
      %parallel_loop3A_678 = tpu.vector_load %arg11[%parallel_loop3A_676, %parallel_loop3A_677] {strides = array<i32>} : memref<2x4096xi32, #tpu.memory_space<vmem>>, vector<16xi32>,
      %parallel_loop3A_679 = tpu.vector_load_idx %arg9[%parallel_loop3A_678] : memref<100000xf32, #tpu.memory_space<vmem>>[vector<16xi32>], vector<16xf32>,
      %parallel_loop3A_680 = arith.constant 8192 : i32
      %parallel_loop3A_681 = arith.addi %parallel_loop3A_680, %parallel_loop3A_674 : i32
      %parallel_loop3A_682 = arith.index_cast %parallel_loop3A_681 : i32 to index
      %parallel_loop3A_683 = tpu.vector_load %arg10[%parallel_loop3A_682] {strides = array<i32>} : memref<16384xf32, #tpu.memory_space<vmem>>, vector<16xf32>,
      tpu.vector_store %arg10[%parallel_loop3A_682], %parallel_loop3A_679 {add = true, strides = array<i32>} : memref<16384xf32, #tpu.memory_space<vmem>>, vector<16xf32>,
    } {sc.loop_unroll_factor = 8 : i64, sc.parallel_access}
    %dma_wait3A_660 = arith.constant 1 : i32
    %dma_wait3A_661 = arith.constant 0 : i32
    %dma_wait3A_662 = tpu.memref_slice %arg11[%dma_wait3A_660, %dma_wait3A_661] : memref<2x4096xi32, #tpu.memory_space<vmem>> -> memref<1x4096xi32, #tpu.memory_space<vmem>>
    %dma_wait3A_663 = tpu.memref_squeeze %dma_wait3A_662 : memref<1x4096xi32, #tpu.memory_space<vmem>> -> memref<4096xi32, #tpu.memory_space<vmem>>
    %dma_wait3A_664 = arith.constant 12288 : i32
    %dma_wait3A_665 = tpu.memref_slice %arg4[%dma_wait3A_664] : memref<16384xi32, #tpu.memory_space<hbm>> -> memref<4096xi32, #tpu.memory_space<hbm>>
    %dma_wait3A_666 = arith.constant 0 : i32
    %dma_wait3A_667 = tpu.memref_slice %arg11[%dma_wait3A_660, %dma_wait3A_666] : memref<2x4096xi32, #tpu.memory_space<vmem>> -> memref<1x4096xi32, #tpu.memory_space<vmem>>
    %dma_wait3A_668 = tpu.memref_squeeze %dma_wait3A_667 : memref<1x4096xi32, #tpu.memory_space<vmem>> -> memref<4096xi32, #tpu.memory_space<vmem>>
    %dma_wait3A_669 = arith.constant 12288 : i32
    %dma_wait3A_670 = tpu.memref_slice %arg4[%dma_wait3A_669] : memref<16384xi32, #tpu.memory_space<hbm>> -> memref<4096xi32, #tpu.memory_space<hbm>>
    tpu.wait_dma2 semaphore(%arg13 : memref<!tpu.dma_semaphore, #tpu.memory_space<semaphore_mem>>) src(%dma_wait3A_670 : memref<4096xi32, #tpu.memory_space<hbm>>) dst(%dma_wait3A_668 : memref<4096xi32, #tpu.memory_space<vmem>>)
    %parallel_loop3A_671 = arith.constant 0 : i32
    %parallel_loop3A_672 = arith.constant 4096 : i32
    %parallel_loop3A_673 = arith.constant 16 : i32
    scf.for %parallel_loop3A_674 = %parallel_loop3A_671 to %parallel_loop3A_672 step %parallel_loop3A_673  : i32 {
      %parallel_loop3A_675 = arith.constant 1 : i32
      %parallel_loop3A_676 = arith.index_cast %parallel_loop3A_675 : i32 to index
      %parallel_loop3A_677 = arith.index_cast %parallel_loop3A_674 : i32 to index
      %parallel_loop3A_678 = tpu.vector_load %arg11[%parallel_loop3A_676, %parallel_loop3A_677] {strides = array<i32>} : memref<2x4096xi32, #tpu.memory_space<vmem>>, vector<16xi32>,
      %parallel_loop3A_679 = tpu.vector_load_idx %arg9[%parallel_loop3A_678] : memref<100000xf32, #tpu.memory_space<vmem>>[vector<16xi32>], vector<16xf32>,
      %parallel_loop3A_680 = arith.constant 12288 : i32
      %parallel_loop3A_681 = arith.addi %parallel_loop3A_680, %parallel_loop3A_674 : i32
      %parallel_loop3A_682 = arith.index_cast %parallel_loop3A_681 : i32 to index
      %parallel_loop3A_683 = tpu.vector_load %arg10[%parallel_loop3A_682] {strides = array<i32>} : memref<16384xf32, #tpu.memory_space<vmem>>, vector<16xf32>,
      tpu.vector_store %arg10[%parallel_loop3A_682], %parallel_loop3A_679 {add = true, strides = array<i32>} : memref<16384xf32, #tpu.memory_space<vmem>>, vector<16xf32>,
    } {sc.loop_unroll_factor = 8 : i64, sc.parallel_access}
    "tpu.region"() ({
      %run_scoped3A = tpu.sem_alloc : memref<!tpu.dma_semaphore, #tpu.memory_space<semaphore_mem>>
      %dma_start3A_674 = arith.constant 0 : i32
      %dma_start3A_675 = tpu.memref_slice %arg8[%add3A_337, %dma_start3A_674] : memref<64x16384xf32, #tpu.memory_space<hbm>> -> memref<1x16384xf32, #tpu.memory_space<hbm>>
      %dma_start3A_676 = tpu.memref_squeeze %dma_start3A_675 : memref<1x16384xf32, #tpu.memory_space<hbm>> -> memref<16384xf32, #tpu.memory_space<hbm>>
      %dma_start3A_677 = arith.constant 0 : i32
      %dma_start3A_678 = tpu.memref_slice %arg8[%add3A_337, %dma_start3A_677] : memref<64x16384xf32, #tpu.memory_space<hbm>> -> memref<1x16384xf32, #tpu.memory_space<hbm>>
      %dma_start3A_679 = tpu.memref_squeeze %dma_start3A_678 : memref<1x16384xf32, #tpu.memory_space<hbm>> -> memref<16384xf32, #tpu.memory_space<hbm>>
      tpu.enqueue_dma source(%arg10 : memref<16384xf32, #tpu.memory_space<vmem>>) target(%dma_start3A_679 : memref<16384xf32, #tpu.memory_space<hbm>>) target_semaphore(%run_scoped3A : memref<!tpu.dma_semaphore, #tpu.memory_space<semaphore_mem>>)
      %dma_wait3A_680 = arith.constant 0 : i32
      %dma_wait3A_681 = tpu.memref_slice %arg8[%add3A_337, %dma_wait3A_680] : memref<64x16384xf32, #tpu.memory_space<hbm>> -> memref<1x16384xf32, #tpu.memory_space<hbm>>
      %dma_wait3A_682 = tpu.memref_squeeze %dma_wait3A_681 : memref<1x16384xf32, #tpu.memory_space<hbm>> -> memref<16384xf32, #tpu.memory_space<hbm>>
      %dma_wait3A_683 = arith.constant 0 : i32
      %dma_wait3A_684 = tpu.memref_slice %arg8[%add3A_337, %dma_wait3A_683] : memref<64x16384xf32, #tpu.memory_space<hbm>> -> memref<1x16384xf32, #tpu.memory_space<hbm>>
      %dma_wait3A_685 = tpu.memref_squeeze %dma_wait3A_684 : memref<1x16384xf32, #tpu.memory_space<hbm>> -> memref<16384xf32, #tpu.memory_space<hbm>>
      tpu.wait_dma2 semaphore(%run_scoped3A : memref<!tpu.dma_semaphore, #tpu.memory_space<semaphore_mem>>) src(%arg10 : memref<16384xf32, #tpu.memory_space<vmem>>) dst(%dma_wait3A_685 : memref<16384xf32, #tpu.memory_space<hbm>>)
      tpu.yield
    }) : () -> ()
    return
  }
}

</mosaic_0001>

<sc_bundles>
// kernel: kernel.3.cloned.1.call-start
scs
__scs_entry_jumppad:
0x0: {  	(pc) =	sbr.rel $0x88, $3  }
0x1: {  	(tag) =	ssettag $0x0;
	lr =	simm.s32 $0x1  }
0x2: {  	[smem:$0x3F9B] =	sst lr;
	_ =	strace $0xD0000000  }
0x3: {  	_ = 	snop  }
0x4: {  	_ = 	snop  }
0x5: {  	_ = 	snop  }
0x6: {  	_ = 	snop  }
0x7: {  	_ = 	snop  }
__scs_overlays_trampoline_lowered:
0x8: {  	[smem:$0x3FAA] =	sst s0  }
0x9: {  	[smem:$0x3FAB] =	sst s1  }
0xa: {  	[smem:$0x3FAC] =	sst s2  }
0xb: {  	[smem:$0x3FAD] =	sst s3  }
0xc: {  	[smem:$0x3FAE] =	sst s4  }
0xd: {  	[smem:$0x3FAF] =	sst s5  }
0xe: {  	[smem:$0x3FB0] =	sst s6  }
0xf: {  	[smem:$0x3FB1] =	sst s7  }
0x10: {  	[smem:$0x3FB2] =	sst s8  }
0x11: {  	[smem:$0x3FB3] =	sst s9;
	s0 =	simm.s32 @!p0 $0x0  }
0x12: {  	s1 =	sld [smem:$0x3F99];
	s0 =	simm.s32 @p0 $0x1  }
0x13: {  	[smem:$0x3FB4] =	sst s0;
	s0 =	simm.s32 @!p1 $0x0  }
0x14: {  	s2 =	sld [smem:$0x3F98];
	s0 =	simm.s32 @p1 $0x1  }
0x15: {  	[smem:$0x3FB5] =	sst s0;
	s0 =	simm.s32 @!p2 $0x0  }
0x16: {  	s3 =	sld [smem:$0x3FDB];
	s0 =	simm.s32 @p2 $0x1  }
0x17: {  	s4 =	simm.s32 $0x1BF5;
	[smem:$0x3FB7] =	sst s0  }
0x18: {  	s0 =	sld [smem:$0x3F9A];
	_ =	swait.ge [sflag:s4], $0x0  }
0x19: {  	s7 =	sld [smem:$0x3F9B]  }
0x1a: {  	s8 =	sadd.s32 $0xFFFFE003, lr  }
0x1b: {  	s9 =	sadd.s32 $0xFFFFFEF7, lr;
	s5 =	simm.s32 $0xFFFFFFFF;
	p2 =	slt.u32 s8, $0xFFFFF086  }
0x1c: {  	p1 =	slt.u32 s9, $0xF7A;
	s5 =	simm.s32 @!p2 $0x0  }
0x1d: {  	s5 =	simm.s32 @p1 $0x1;
	p0 =	seq.s32 s7, s2  }
0x1e: {  	s7 =	smul.u32 @!p0 $0xF7A, s2;
	p2 =	seq.s32 @!p0 s5, $0x0  }
0x1f: {  	s9 =	smul.u32 $0xF7A, s1;
	s8 =	simm.s32 @!p0 $0x1BF5;
	p2 =	por !p2, p0  }
0x20: {  	[sflag:s8] =	ssyncset.s32 @!p0 $0xFFFFF086;
	s6 =	sadd.s32 @!p0 s3, s7;
	s7 =	simm.s32 @!p0 $0x108  }
0x21: {  	s3 =	sadd.s32 s3, s9;
	s6 =	sadd.s32 @!p0 $0x88, s6;
	s7 =	simm.s32 @p2 $0x1082  }
0x22: {  	[simem:s7], [sflag:s8] =	dma.local @!p0 [hbm:s6], $0xF7A  }
0x23: {  	s9 =	sor.u32 $0xD0000000, s2;
	s6 =	simm.s32 $0x108;
	_ =	swait.ge @!p0 [sflag:s8], $0x0  }
0x24: {  	s3 =	sadd.s32 $0x88, s3;
	s6 =	simm.s32 @!p1 $0x1082;
	[sflag:s4] =	ssyncset.s32 $0xFFFFF086  }
0x25: {  	[simem:s6], [sflag:s4] =	dma.local [hbm:s3], $0xF7A  }
0x26: {  	[smem:$0x3F9B] =	sst s1;
	(tag) =	ssettag s2;
	_ =	strace s9  }
0x27: {  	s1 =	sld [smem:$0x3FAB]  }
0x28: {  	s2 =	sld [smem:$0x3FAC]  }
0x29: {  	s4 =	sld [smem:$0x3FAE]  }
0x2a: {  	p0 =	seq.s32 s5, $0x0;
	s5 =	sld [smem:$0x3FAF]  }
0x2b: {  	s6 =	sld [smem:$0x3FB0]  }
0x2c: {  	s7 =	sld [smem:$0x3FB1]  }
0x2d: {  	s3 =	simm.s32 $0x108;
	s8 =	sld [smem:$0x3FB2]  }
0x2e: {  	s3 =	simm.s32 @!p0 $0x1082;
	s9 =	sld [smem:$0x3FB3]  }
0x2f: {  	lr =	sadd.s32 s0, s3;
	s0 =	sld [smem:$0x3FAA]  }
0x30: {  	s3 =	sld [smem:$0x3FAD]  }
0x31: {  	[smem:$0x3FB6] =	sst s10  }
0x32: {  	s10 =	sld [smem:$0x3FB4];
	_ =	sdelay $0x3  }
0x33: {  	p0 =	seq.s32 s10, $0x1;
	s10 =	sld [smem:$0x3FB6];
	_ =	sdelay $0x3  }
0x34: {  	[smem:$0x3FB6] =	sst s10  }
0x35: {  	s10 =	sld [smem:$0x3FB5];
	_ =	sdelay $0x3  }
0x36: {  	p1 =	seq.s32 s10, $0x1;
	s10 =	sld [smem:$0x3FB6];
	_ =	sdelay $0x3  }
0x37: {  	[smem:$0x3FB6] =	sst s10  }
0x38: {  	s10 =	sld [smem:$0x3FB7]  }
0x39: {  	_ = 	snop;
	(pc) =	sbr.ind lr, $3  }
0x3a: {  	_ = 	snop  }
0x3b: {  	_ = 	snop  }
0x3c: {  	p2 =	seq.s32 s10, $0x1;
	s10 =	sld [smem:$0x3FB6]  }
0x3d: {  	_ =	shalt  }
0x3e: {  	_ =	shalt  }
0x3f: {  	_ =	shalt  }
0x40: {  	_ =	shalt  }
0x41: {  	_ =	shalt  }
0x42: {  	_ =	shalt  }
0x43: {  	_ =	shalt  }
0x44: {  	_ =	shalt  }
0x45: {  	_ =	shalt  }
0x46: {  	_ =	shalt  }
0x47: {  	_ =	shalt  }
0x48: {  	_ =	shalt  }
0x49: {  	_ =	shalt  }
0x4a: {  	_ =	shalt  }
0x4b: {  	_ =	shalt  }
0x4c: {  	_ =	shalt  }
0x4d: {  	_ =	shalt  }
0x4e: {  	_ =	shalt  }
0x4f: {  	_ =	shalt  }
0x50: {  	_ =	shalt  }
0x51: {  	_ =	shalt  }
0x52: {  	_ =	shalt  }
0x53: {  	_ =	shalt  }
0x54: {  	_ =	shalt  }
0x55: {  	_ =	shalt  }
0x56: {  	_ =	shalt  }
0x57: {  	_ =	shalt  }
0x58: {  	_ =	shalt  }
0x59: {  	_ =	shalt  }
0x5a: {  	_ =	shalt  }
0x5b: {  	_ =	shalt  }
0x5c: {  	_ =	shalt  }
0x5d: {  	_ =	shalt  }
0x5e: {  	_ =	shalt  }
0x5f: {  	_ =	shalt  }
0x60: {  	_ =	shalt  }
0x61: {  	_ =	shalt  }
0x62: {  	_ =	shalt  }
0x63: {  	_ =	shalt  }
0x64: {  	_ =	shalt  }
0x65: {  	_ =	shalt  }
0x66: {  	_ =	shalt  }
0x67: {  	_ =	shalt  }
0x68: {  	_ =	shalt  }
0x69: {  	_ =	shalt  }
0x6a: {  	_ =	shalt  }
0x6b: {  	_ =	shalt  }
0x6c: {  	_ =	shalt  }
0x6d: {  	_ =	shalt  }
0x6e: {  	_ =	shalt  }
0x6f: {  	_ =	shalt  }
0x70: {  	_ =	shalt  }
0x71: {  	_ =	shalt  }
0x72: {  	_ =	shalt  }
0x73: {  	_ =	shalt  }
0x74: {  	_ =	shalt  }
0x75: {  	_ =	shalt  }
0x76: {  	_ =	shalt  }
0x77: {  	_ =	shalt  }
0x78: {  	_ =	shalt  }
0x79: {  	_ =	shalt  }
0x7a: {  	_ =	shalt  }
0x7b: {  	_ =	shalt  }
0x7c: {  	_ =	shalt  }
0x7d: {  	_ =	shalt  }
0x7e: {  	_ =	shalt  }
0x7f: {  	_ =	shalt  }
0x80: {  	_ =	shalt  }
0x81: {  	_ =	shalt  }
0x82: {  	_ =	shalt  }
0x83: {  	_ =	shalt  }
0x84: {  	_ =	shalt  }
0x85: {  	_ =	shalt  }
0x86: {  	_ =	shalt  }
0x87: {  	_ =	shalt  }
.Lfunc_end0:
.L_simem_size_0:
called_computation_lowered:
.L_overlay_start_0:
0x88: {  	s2 =	sld [smem:$0x3FD9]  }
0x89: {  	s3 =	sld [smem:$0x3FFE];
	_ =	sdelay $0x1  }
0x8a: {  	s1 =	srdreg.scid  }
0x8b: {  	s0 =	sand.u32 $0x1, s1  }
0x8c: {  	s18 =	sshll.u32 s0, $0xA;
	s2 =	sadd.s32 s3, s2  }
0x8d: {  	s2 =	sadd.s32 s2, s18  }
0x8e: {  	[smem:$0x3FC2] =	sst s2  }
0x8f: {  	_ = 	snop  }
0x90: {  	s2 =	sld [smem:$0x3FC9]  }
0x91: {  	s19 =	sld [smem:$0x3FC8]  }
0x92: {  	s4 =	sld [smem:$0x3FC7]  }
0x93: {  	s5 =	sld [smem:$0x3FC6]  }
0x94: {  	s6 =	sld [smem:$0x3FC5]  }
0x95: {  	s7 =	sld [smem:$0x3FC4]  }
0x96: {  	s8 =	sld [smem:$0x3FD0];
	(tm) =	ssettm $0x1  }
0x97: {  	s9 =	sld [smem:$0x3FFB];
	_ =	sdelay $0x3  }
0x98: {  	_ =	strace s9  }
0x99: {  	s9 =	sld [smem:$0x3FFC];
	_ =	sdelay $0x3  }
0x9a: {  	_ =	strace s9  }
0x9b: {  	s9 =	sld [smem:$0x3FFD];
	_ =	sdelay $0x3  }
0x9c: {  	_ =	strace s9  }
0x9d: {  	_ =	strace $0x8FFFFFFF  }
0x9e: {  	s20 =	sld [smem:$0x3FDB];
	_ =	sdelay $0x1  }
0x9f: {  	s10 =	simm.s32 $_scs_section_size  }
0xa0: {  	s11 =	simm.s32 $_size__tile_overlayer_lowered;
	s12 =	simm.s32 $_tile_overlayer_lowered  }
0xa1: {  	s23 =	simm.s32 $0x1BFF;
	s22 =	sshll.u32 s12, $0x1;
	s9 =	sadd.s32 s10, s20  }
0xa2: {  	s13 =	simm.s32 $0x0;
	s21 =	sshll.u32 s11, $0x1;
	s11 =	sadd.s32 s22, s9  }
0xa3: {  	[timem:s13], [sflag:s23] =	dma.local [hbm:s11], s21  }
0xa4: {  	_ =	swait.ge [sflag:s23], s21  }
0xa5: {  	s10 =	ssub.s32 $0x0, s21;
	[sflag:s23] =	ssyncset.done $0x0  }
0xa6: {  	[sflag:s23] =	ssyncadd.s32 s10;
	_ =	sdelay $0x1  }
0xa7: {  	s24 =	simm.s32 $0x1B8B  }
0xa8: {  	_ =	swait.ge [sflag:s24], $0x1  }
0xa9: {  	[sflag:s24] =	ssyncset.done $0x0  }
0xaa: {  	s25 =	simm.s32 $0x1B8E;
	[sflag:s24] =	ssyncadd.s32 $0xFFFFFFFF  }
0xab: {  	s26 =	simm.s32 $execute0_lowered;
	[smem:$0x3FD2] =	sst s25  }
0xac: {  	s10 =	sshll.u32 s26, $0x1;
	_ =	strace $0x80000046;
	[dreg:$0x1] =	wrdreg $0xFFFFFFFF  }
0xad: {  	s28 =	simm.s32 $_size_execute0_lowered;
	s9 =	sadd.s32 s9, s10;
	[dreg:$0x0] =	wrdreg $0x0  }
0xae: {  	s10 =	sshll.u32 s28, $0x1;
	[dreg:$0x2] =	wrdreg s9  }
0xaf: {  	[dreg:$0x3] =	wrdreg s10  }
0xb0: {  	[dreg:$0x4] =	wrdreg $0xC0  }
0xb1: {  	_ =	task [dreg:s13], $0x5FFFF  }
0xb2: {  	[dreg:$0x1] =	wrdreg $0xFFFFFFFF  }
0xb3: {  	[dreg:$0x0] =	wrdreg $0x60  }
0xb4: {  	[dreg:$0x2] =	wrdreg s2  }
0xb5: {  	[dreg:$0x3] =	wrdreg s19  }
0xb6: {  	[dreg:$0x4] =	wrdreg s4  }
0xb7: {  	[dreg:$0x5] =	wrdreg s5  }
0xb8: {  	[dreg:$0x6] =	wrdreg s6  }
0xb9: {  	[dreg:$0x7] =	wrdreg s7  }
0xba: {  	[dreg:$0x8] =	wrdreg s8  }
0xbb: {  	[dreg:$0x9] =	wrdreg $0x9  }
0xbc: {  	_ =	task.clear_ibuf [dreg:s13], $0xAFFFF;
	_ =	strace $0x90000046  }
0xbd: {  	s29 =	simm.s32 $0x9;
	_ =	strace $0x80000048  }
0xbe: {  	_ =	swait.ge [sflag:s29], $0x1  }
0xbf: {  	[sflag:s29] =	ssyncadd.s32 $0xFFFFFFFF  }
0xc0: {  	_ =	strace $0x90000048  }
0xc1: {  	_ =	sfence  }
0xc2: {  	s30 =	sld [smem:$0x0];
	_ =	sdelay $0x2  }
0xc3: {  	s31 =	sshll.u32 s1, $0xD;
	s1 =	sshrl.u32 s1, $0x2  }
0xc4: {  	s3 =	sand.u32 $0x4000, s31;
	s1 =	sadd.s32 s1, s30  }
0xc5: {  	s0 =	sor.u32 s3, s0;
	s1 =	sshll.u32 s1, $0x11  }
0xc6: {  	s0 =	sor.u32 s1, s0  }
0xc7: {  	s0 =	sadd.s32 $0x8F2B, s0  }
0xc8: {  	[sflag:s0] =	ssyncadd.remote.s32 $0x1  }
0xc9: {  	_ =	sfence.sel $0xFFFF  }
0xca: {  	[dreg:$0x0] =	wrdreg $0xFFFFFFFF;
	(pc) =	sbr.abs _section_cstart, $3  }
0xcb: {  	[dreg:$0x1] =	wrdreg $0xFFFFFFFF  }
0xcc: {  	_ =	task.clear_ibuf [dreg:s13], $0x2FFFF;
	_ =	strace $0x9FFFFFFF  }
0xcd: {  	(tm) =	ssettm $0x7FFFFFFF  }
tec
execute0_lowered:
.L_overlay_start_1:
0x0: {  	(tag) =	ssettag $0x1  }
0x1: {  	s0 =	rddreg [dreg:$0x0]  }
0x2: {  	s1 =	rddreg [dreg:$0x1]  }
0x3: {  	s2 =	rddreg [dreg:$0x2]  }
0x4: {  	s3 =	rddreg [dreg:$0x3]  }
0x5: {  	s4 =	rddreg [dreg:$0x4]  }
0x6: {  	s6 =	rddreg [dreg:$0x5]  }
0x7: {  	s10 =	rddreg [dreg:$0x6]  }
0x8: {  	s5 =	srdreg.scid;
	s8 =	stileid.u32;
	s28 =	simm.s32 $0x2  }
0x9: {  	s29 =	simm.s32 $0x18700;
	s30 =	simm.s32 $0x3;
	s31 =	simm.s32 $0x0  }
0xa: {  	s7 =	sand.u32 $0x1, s5;
	s17 =	sshrl.u32 s8, $0x2;
	s21 =	sshll.u32 s8, $0x8  }
0xb: {  	s5 =	simm.s32 $0x0;
	s12 =	sadd.s32 $0x400, s1;
	s13 =	sadd.s32 $0x600, s1  }
0xc: {  	s15 =	sadd.s32 $0x200, s2;
	s16 =	sadd.s32 $0x400, s2;
	s22 =	sshll.u32 s7, $0x7  }
0xd: {  	s9 =	sand.u32 $0x300, s21;
	s11 =	smul.u32 $0xC3800, s17;
	[smem:$0x7FF] =	sst s5  }
0xe: {  	s7 =	ssub.s32 $0x2, s7;
	s19 =	sor.u32 $0x4, s17;
	s17 =	sshll.u32 s17, $0x11  }
0xf: {  	s18 =	sor.u32 s22, s9;
	_ =	strace $0x80000047;
	s23 =	sshrl.u32 s7, $0x1  }
0x10: {  	s9 =	sadd.s32 $0x600, s0;
	s20 =	smul.u32 $0xC3800, s19;
	s19 =	sshll.u32 s19, $0x11  }
0x11: {  	s8 =	sor.u32 s11, s18;
	s23 =	ssub.s32 s7, s23;
	s7 =	sadd.s32 $0x200, s0  }
0x12: {  	s11 =	sadd.s32 $0x200, s1;
	s17 =	sor.u32 s17, s18;
	s14 =	sshrl.u32 s8, $0x3  }
0x13: {  	s8 =	sadd.s32 $0x400, s0;
	s20 =	sor.u32 s18, s20;
	s21 =	sshrl.u32 s17, $0x3  }
0x14: {  	s17 =	sadd.s32 $0x600, s2;
	s23 =	smax.u32 s23, $0x1;
	s24 =	sadd.s32 s3, s14  }
0x15: {  	s25 =	sadd.s32 s4, s14;
	s14 =	sadd.s32 s6, s14;
	[dreg:$0x8] =	wrdreg s24  }
0x16: {  	s22 =	sshrl.u32 s20, $0x3;
	[dreg:$0x9] =	wrdreg s25;
	s24 =	sor.u32 s18, s19  }
0x17: {  	s18 =	sadd.s32 s10, s21;
	s19 =	sadd.s32 s3, s22;
	s20 =	sadd.s32 s4, s22  }
0x18: {  	s21 =	sadd.s32 s6, s22;
	s25 =	simm.s32 $0x400;
	s26 =	sshrl.u32 s24, $0x3  }
0x19: {  	s24 =	simm.s32 $0x80;
	s22 =	sadd.s32 s10, s26;
	s26 =	simm.s32 $0x1  }
.LBB2_1:
0x1a: {  	s3 =	rddreg [dreg:$0x8];
	s4 =	simm.s32 $0x10  }
0x1b: {  	[tilespmem:s5], [sflag:$0x1] =	stream.strided.gather [hbm4b:s3+s24], $0x18700, s25, s24, $0x38;
	[tilespmem:$0x1E700] =	vst v63  }
0x1c: {  	s10 =	sadd.s32 $0x0, s0;
	s6 =	simm.s32 $0x1C800;
	s3 =	simm.s32 $0x1C700  }
.LBB2_2:
0x1d: {  	[tilespmem:s3], [sflag:$0x2] =	stream.linear.gather [hbm4b:s10+s5], $0x80, $0x38;
	[tilespmem:$0x1E700] =	vst v63  }
0x1e: {  	s10 =	smov.u32 s4;
	s3 =	smov.u32 s6;
	p0 =	sne.s32 s4, $0x1F0  }
.Ltmp0:
0x1f: {  	s4 =	sadd.s32 $0x10, s4;
	(pc) =	sbr.rel @p0 .LBB2_2-.Ltmp0, $2  }
0x20: {  	_ =	sdelay $0x2  }
0x21: {  	s6 =	sadd.s32 $0x100, s6;
	s10 =	sadd.s32 s10, s0  }
0x22: {  	[tilespmem:s3], [sflag:$0x2] =	stream.linear.gather [hbm4b:s10+s5], $0x80, $0x38;
	[tilespmem:$0x1E700] =	vst v63  }
0x23: {  	s3 =	simm.s32 $0x1C780  }
0x24: {  	s4 =	simm.s32 $0x10;
	s10 =	sadd.s32 $0x0, s7;
	s6 =	simm.s32 $0x1C880  }
.LBB2_4:
0x25: {  	[tilespmem:s3], [sflag:$0x2] =	stream.linear.gather [hbm4b:s10+s5], $0x80, $0x38;
	[tilespmem:$0x1E700] =	vst v63  }
0x26: {  	s10 =	smov.u32 s4;
	s3 =	smov.u32 s6;
	p0 =	sne.s32 s4, $0x1F0  }
.Ltmp1:
0x27: {  	s4 =	sadd.s32 $0x10, s4;
	(pc) =	sbr.rel @p0 .LBB2_4-.Ltmp1, $2  }
0x28: {  	_ =	sdelay $0x2  }
0x29: {  	s6 =	sadd.s32 $0x100, s6;
	s10 =	sadd.s32 s10, s7  }
0x2a: {  	[tilespmem:s3], [sflag:$0x2] =	stream.linear.gather [hbm4b:s10+s5], $0x80, $0x38;
	[tilespmem:$0x1E700] =	vst v63  }
0x2b: {  	_ =	swait.ge [sflag:s26], $0x18700  }
0x2c: {  	[sflag:s26] =	ssyncset.done $0x0  }
0x2d: {  	[sflag:s26] =	ssyncadd.s32 $0xFFFE7900  }
0x2e: {  	_ =	swait.ge [sflag:s28], $0x1000  }
0x2f: {  	[sflag:s28] =	ssyncset.done $0x0  }
0x30: {  	s10 =	simm.s32 $0x1C740;
	[sflag:s28] =	ssyncadd.s32 $0xFFFFF000  }
0x31: {  	v0 =	vld [tilespmem:s10+$0x30]  }
0x32: {  	v1 =	vld [tilespmem:s10+$0xFFFFFFD0]  }
0x33: {  	v2 =	vld [tilespmem:s10+$0xFFFFFFE0]  }
0x34: {  	v3 =	vld [tilespmem:s10+$0xFFFFFFF0]  }
0x35: {  	v4 =	vld [tilespmem:s10+$0x0]  }
0x36: {  	v6 =	vld [tilespmem:s10+$0x10]  }
0x37: {  	v7 =	vld [tilespmem:s10+$0x20]  }
0x38: {  	v8 =	vld [tilespmem:s10+$0xFFFFFFC0]  }
0x39: {  	v9 =	vld.idx.msk [tilespmem:v0+s5+$0x0], $0xffff  }
0x3a: {  	v10 =	vld.idx.msk [tilespmem:v1+s5+$0x0], $0xffff  }
0x3b: {  	v5 =	vld.idx.msk [tilespmem:v2+s5+$0x0], $0xffff  }
0x3c: {  	v3 =	vld.idx.msk [tilespmem:v3+s5+$0x0], $0xffff  }
0x3d: {  	v0 =	vld.idx.msk [tilespmem:v4+s5+$0x0], $0xffff  }
0x3e: {  	s3 =	simm.s32 $0x18740;
	v1 =	vld.idx.msk [tilespmem:v6+s5+$0x0], $0xffff  }
0x3f: {  	v2 =	vld.idx.msk [tilespmem:v7+s5+$0x0], $0xffff;
	[tilespmem:s3+$0x30] =	vst v9  }
0x40: {  	s4 =	simm.s32 $0x0;
	s6 =	simm.s32 $0x1C840;
	v4 =	vld.idx.msk [tilespmem:v8+s5+$0x0], $0xffff;
	[tilespmem:s3+$0xFFFFFFD0] =	vst v10  }
.LBB2_6:
0x41: {  	v6 =	vld [tilespmem:s6+$0x30];
	s4 =	sadd.s32 $0x80, s4;
	[tilespmem:s3+$0xFFFFFFE0] =	vst v5  }
0x42: {  	v5 =	vld [tilespmem:s6+$0xFFFFFFD0];
	p0 =	slt.u32 s4, $0xF80;
	[tilespmem:s3+$0xFFFFFFF0] =	vst v3  }
0x43: {  	v3 =	vld [tilespmem:s6+$0xFFFFFFE0];
	[tilespmem:s3+$0x0] =	vst v0  }
0x44: {  	v0 =	vld [tilespmem:s6+$0xFFFFFFF0];
	[tilespmem:s3+$0x10] =	vst v1  }
0x45: {  	v1 =	vld [tilespmem:s6+$0x0];
	[tilespmem:s3+$0x20] =	vst v2  }
0x46: {  	v2 =	vld [tilespmem:s6+$0x10];
	[tilespmem:s3+$0xFFFFFFC0] =	vst v4  }
0x47: {  	v4 =	vld [tilespmem:s6+$0x20]  }
0x48: {  	v7 =	vld [tilespmem:s6+$0xFFFFFFC0]  }
0x49: {  	v6 =	vld.idx.msk [tilespmem:v6+s5+$0x0], $0xffff  }
0x4a: {  	v8 =	vld.idx.msk [tilespmem:v5+s5+$0x0], $0xffff  }
0x4b: {  	v5 =	vld.idx.msk [tilespmem:v3+s5+$0x0], $0xffff  }
.Ltmp2:
0x4c: {  	v3 =	vld.idx.msk [tilespmem:v0+s5+$0x0], $0xffff;
	(pc) =	sbr.rel @p0 .LBB2_6-.Ltmp2, $4  }
0x4d: {  	v0 =	vld.idx.msk [tilespmem:v1+s5+$0x0], $0xffff  }
0x4e: {  	s3 =	sadd.s32 $0x80, s3;
	v1 =	vld.idx.msk [tilespmem:v2+s5+$0x0], $0xffff  }
0x4f: {  	v2 =	vld.idx.msk [tilespmem:v4+s5+$0x0], $0xffff;
	[tilespmem:s3+$0x30] =	vst v6  }
0x50: {  	s6 =	sadd.s32 $0x100, s6;
	v4 =	vld.idx.msk [tilespmem:v7+s5+$0x0], $0xffff;
	[tilespmem:s3+$0xFFFFFFD0] =	vst v8  }
0x51: {  	[tilespmem:s3+$0xFFFFFFE0] =	vst v5  }
0x52: {  	[tilespmem:s3+$0xFFFFFFF0] =	vst v3  }
0x53: {  	[tilespmem:s3+$0x0] =	vst v0  }
0x54: {  	[tilespmem:s3+$0x10] =	vst v1  }
0x55: {  	s4 =	simm.s32 $0x1C700;
	[tilespmem:s3+$0x20] =	vst v2  }
0x56: {  	s10 =	sadd.s32 $0x0, s8;
	s6 =	simm.s32 $0x1C800;
	[tilespmem:s3+$0xFFFFFFC0] =	vst v4;
	s3 =	simm.s32 $0x10  }
.LBB2_8:
0x57: {  	[tilespmem:s4], [sflag:$0x2] =	stream.linear.gather [hbm4b:s10+s5], $0x80, $0x38;
	[tilespmem:$0x1E700] =	vst v63  }
0x58: {  	s10 =	smov.u32 s3;
	s4 =	smov.u32 s6;
	p0 =	sne.s32 s3, $0x1F0  }
.Ltmp3:
0x59: {  	s3 =	sadd.s32 $0x10, s3;
	(pc) =	sbr.rel @p0 .LBB2_8-.Ltmp3, $2  }
0x5a: {  	_ =	sdelay $0x2  }
0x5b: {  	s6 =	sadd.s32 $0x100, s6;
	s10 =	sadd.s32 s10, s8  }
0x5c: {  	[tilespmem:s4], [sflag:$0x2] =	stream.linear.gather [hbm4b:s10+s5], $0x80, $0x38;
	[tilespmem:$0x1E700] =	vst v63  }
0x5d: {  	_ =	swait.ge [sflag:s28], $0x1000  }
0x5e: {  	[sflag:s28] =	ssyncset.done $0x0  }
0x5f: {  	s3 =	simm.s32 $0x1C7F0;
	[sflag:s28] =	ssyncadd.s32 $0xFFFFF000  }
0x60: {  	v0 =	vld [tilespmem:s3+$0x0]  }
0x61: {  	v1 =	vld [tilespmem:s3+$0xFFFFFFA0]  }
0x62: {  	v2 =	vld [tilespmem:s3+$0xFFFFFFB0]  }
0x63: {  	v3 =	vld [tilespmem:s3+$0xFFFFFFC0]  }
0x64: {  	v4 =	vld [tilespmem:s3+$0xFFFFFFD0]  }
0x65: {  	v6 =	vld [tilespmem:s3+$0xFFFFFFE0]  }
0x66: {  	v7 =	vld [tilespmem:s3+$0xFFFFFFF0]  }
0x67: {  	v8 =	vld [tilespmem:s3+$0xFFFFFF90]  }
0x68: {  	v9 =	vld.idx.msk [tilespmem:v0+s5+$0x0], $0xffff  }
0x69: {  	v10 =	vld.idx.msk [tilespmem:v1+s5+$0x0], $0xffff  }
0x6a: {  	v5 =	vld.idx.msk [tilespmem:v2+s5+$0x0], $0xffff  }
0x6b: {  	v3 =	vld.idx.msk [tilespmem:v3+s5+$0x0], $0xffff  }
0x6c: {  	v0 =	vld.idx.msk [tilespmem:v4+s5+$0x0], $0xffff  }
0x6d: {  	s3 =	simm.s32 $0x19770;
	v1 =	vld.idx.msk [tilespmem:v6+s5+$0x0], $0xffff  }
0x6e: {  	v2 =	vld.idx.msk [tilespmem:v7+s5+$0x0], $0xffff;
	[tilespmem:s3+$0x0] =	vst v9  }
0x6f: {  	s4 =	simm.s32 $0x0;
	s6 =	simm.s32 $0x1C8F0;
	v4 =	vld.idx.msk [tilespmem:v8+s5+$0x0], $0xffff;
	[tilespmem:s3+$0xFFFFFFA0] =	vst v10  }
.LBB2_10:
0x70: {  	v6 =	vld [tilespmem:s6+$0x0];
	s4 =	sadd.s32 $0x80, s4;
	[tilespmem:s3+$0xFFFFFFB0] =	vst v5  }
0x71: {  	v5 =	vld [tilespmem:s6+$0xFFFFFFA0];
	p0 =	slt.u32 s4, $0xF80;
	[tilespmem:s3+$0xFFFFFFC0] =	vst v3  }
0x72: {  	v3 =	vld [tilespmem:s6+$0xFFFFFFB0];
	[tilespmem:s3+$0xFFFFFFD0] =	vst v0  }
0x73: {  	v0 =	vld [tilespmem:s6+$0xFFFFFFC0];
	[tilespmem:s3+$0xFFFFFFE0] =	vst v1  }
0x74: {  	v1 =	vld [tilespmem:s6+$0xFFFFFFD0];
	[tilespmem:s3+$0xFFFFFFF0] =	vst v2  }
0x75: {  	v2 =	vld [tilespmem:s6+$0xFFFFFFE0];
	[tilespmem:s3+$0xFFFFFF90] =	vst v4  }
0x76: {  	v4 =	vld [tilespmem:s6+$0xFFFFFFF0]  }
0x77: {  	v7 =	vld [tilespmem:s6+$0xFFFFFF90]  }
0x78: {  	v6 =	vld.idx.msk [tilespmem:v6+s5+$0x0], $0xffff  }
0x79: {  	v8 =	vld.idx.msk [tilespmem:v5+s5+$0x0], $0xffff  }
0x7a: {  	v5 =	vld.idx.msk [tilespmem:v3+s5+$0x0], $0xffff  }
.Ltmp4:
0x7b: {  	v3 =	vld.idx.msk [tilespmem:v0+s5+$0x0], $0xffff;
	(pc) =	sbr.rel @p0 .LBB2_10-.Ltmp4, $4  }
0x7c: {  	v0 =	vld.idx.msk [tilespmem:v1+s5+$0x0], $0xffff  }
0x7d: {  	s3 =	sadd.s32 $0x80, s3;
	v1 =	vld.idx.msk [tilespmem:v2+s5+$0x0], $0xffff  }
0x7e: {  	v2 =	vld.idx.msk [tilespmem:v4+s5+$0x0], $0xffff;
	[tilespmem:s3+$0x0] =	vst v6  }
0x7f: {  	s6 =	sadd.s32 $0x100, s6;
	v4 =	vld.idx.msk [tilespmem:v7+s5+$0x0], $0xffff;
	[tilespmem:s3+$0xFFFFFFA0] =	vst v8  }
0x80: {  	[tilespmem:s3+$0xFFFFFFB0] =	vst v5  }
0x81: {  	[tilespmem:s3+$0xFFFFFFC0] =	vst v3  }
0x82: {  	[tilespmem:s3+$0xFFFFFFD0] =	vst v0  }
0x83: {  	[tilespmem:s3+$0xFFFFFFE0] =	vst v1  }
0x84: {  	s4 =	simm.s32 $0x1C780;
	[tilespmem:s3+$0xFFFFFFF0] =	vst v2  }
0x85: {  	s10 =	sadd.s32 $0x0, s9;
	s6 =	simm.s32 $0x1C880;
	[tilespmem:s3+$0xFFFFFF90] =	vst v4;
	s3 =	simm.s32 $0x10  }
.LBB2_12:
0x86: {  	[tilespmem:s4], [sflag:$0x2] =	stream.linear.gather [hbm4b:s10+s5], $0x80, $0x38;
	[tilespmem:$0x1E700] =	vst v63  }
0x87: {  	s10 =	smov.u32 s3;
	s4 =	smov.u32 s6;
	p0 =	sne.s32 s3, $0x1F0  }
.Ltmp5:
0x88: {  	s3 =	sadd.s32 $0x10, s3;
	(pc) =	sbr.rel @p0 .LBB2_12-.Ltmp5, $2  }
0x89: {  	_ =	sdelay $0x2  }
0x8a: {  	s6 =	sadd.s32 $0x100, s6;
	s10 =	sadd.s32 s10, s9  }
0x8b: {  	[tilespmem:s4], [sflag:$0x2] =	stream.linear.gather [hbm4b:s10+s5], $0x80, $0x38;
	[tilespmem:$0x1E700] =	vst v63  }
0x8c: {  	_ =	swait.ge [sflag:s28], $0x1000  }
0x8d: {  	[sflag:s28] =	ssyncset.done $0x0  }
0x8e: {  	s3 =	simm.s32 $0x1C740;
	[sflag:s28] =	ssyncadd.s32 $0xFFFFF000  }
0x8f: {  	v0 =	vld [tilespmem:s3+$0x30]  }
0x90: {  	v1 =	vld [tilespmem:s3+$0xFFFFFFD0]  }
0x91: {  	v2 =	vld [tilespmem:s3+$0xFFFFFFE0]  }
0x92: {  	v3 =	vld [tilespmem:s3+$0xFFFFFFF0]  }
0x93: {  	v4 =	vld [tilespmem:s3+$0x0]  }
0x94: {  	v6 =	vld [tilespmem:s3+$0x10]  }
0x95: {  	v7 =	vld [tilespmem:s3+$0x20]  }
0x96: {  	v8 =	vld [tilespmem:s3+$0xFFFFFFC0]  }
0x97: {  	v9 =	vld.idx.msk [tilespmem:v0+s5+$0x0], $0xffff  }
0x98: {  	v10 =	vld.idx.msk [tilespmem:v1+s5+$0x0], $0xffff  }
0x99: {  	v5 =	vld.idx.msk [tilespmem:v2+s5+$0x0], $0xffff  }
0x9a: {  	v3 =	vld.idx.msk [tilespmem:v3+s5+$0x0], $0xffff  }
0x9b: {  	v0 =	vld.idx.msk [tilespmem:v4+s5+$0x0], $0xffff  }
0x9c: {  	s3 =	simm.s32 $0x1A770;
	v1 =	vld.idx.msk [tilespmem:v6+s5+$0x0], $0xffff  }
0x9d: {  	v2 =	vld.idx.msk [tilespmem:v7+s5+$0x0], $0xffff;
	[tilespmem:s3+$0x0] =	vst v9  }
0x9e: {  	s4 =	simm.s32 $0x0;
	s6 =	simm.s32 $0x1C840;
	v4 =	vld.idx.msk [tilespmem:v8+s5+$0x0], $0xffff;
	[tilespmem:s3+$0xFFFFFFA0] =	vst v10  }
.LBB2_14:
0x9f: {  	v6 =	vld [tilespmem:s6+$0x30];
	s4 =	sadd.s32 $0x80, s4;
	[tilespmem:s3+$0xFFFFFFB0] =	vst v5  }
0xa0: {  	v5 =	vld [tilespmem:s6+$0xFFFFFFD0];
	p0 =	slt.u32 s4, $0xF80;
	[tilespmem:s3+$0xFFFFFFC0] =	vst v3  }
0xa1: {  	v3 =	vld [tilespmem:s6+$0xFFFFFFE0];
	[tilespmem:s3+$0xFFFFFFD0] =	vst v0  }
0xa2: {  	v0 =	vld [tilespmem:s6+$0xFFFFFFF0];
	[tilespmem:s3+$0xFFFFFFE0] =	vst v1  }
0xa3: {  	v1 =	vld [tilespmem:s6+$0x0];
	[tilespmem:s3+$0xFFFFFFF0] =	vst v2  }
0xa4: {  	v2 =	vld [tilespmem:s6+$0x10];
	[tilespmem:s3+$0xFFFFFF90] =	vst v4  }
0xa5: {  	v4 =	vld [tilespmem:s6+$0x20]  }
0xa6: {  	v7 =	vld [tilespmem:s6+$0xFFFFFFC0]  }
0xa7: {  	v6 =	vld.idx.msk [tilespmem:v6+s5+$0x0], $0xffff  }
0xa8: {  	v8 =	vld.idx.msk [tilespmem:v5+s5+$0x0], $0xffff  }
0xa9: {  	v5 =	vld.idx.msk [tilespmem:v3+s5+$0x0], $0xffff  }
.Ltmp6:
0xaa: {  	v3 =	vld.idx.msk [tilespmem:v0+s5+$0x0], $0xffff;
	(pc) =	sbr.rel @p0 .LBB2_14-.Ltmp6, $4  }
0xab: {  	v0 =	vld.idx.msk [tilespmem:v1+s5+$0x0], $0xffff  }
0xac: {  	s3 =	sadd.s32 $0x80, s3;
	v1 =	vld.idx.msk [tilespmem:v2+s5+$0x0], $0xffff  }
0xad: {  	v2 =	vld.idx.msk [tilespmem:v4+s5+$0x0], $0xffff;
	[tilespmem:s3+$0x0] =	vst v6  }
0xae: {  	s6 =	sadd.s32 $0x100, s6;
	v4 =	vld.idx.msk [tilespmem:v7+s5+$0x0], $0xffff;
	[tilespmem:s3+$0xFFFFFFA0] =	vst v8  }
0xaf: {  	[tilespmem:s3+$0xFFFFFFB0] =	vst v5  }
0xb0: {  	[tilespmem:s3+$0xFFFFFFC0] =	vst v3  }
0xb1: {  	[tilespmem:s3+$0xFFFFFFD0] =	vst v0  }
0xb2: {  	[tilespmem:s3+$0xFFFFFFE0] =	vst v1  }
0xb3: {  	[tilespmem:s3+$0xFFFFFFF0] =	vst v2  }
0xb4: {  	[tilespmem:s3+$0xFFFFFF90] =	vst v4  }
0xb5: {  	_ =	swait.ge [sflag:s28], $0x1000  }
0xb6: {  	[sflag:s28] =	ssyncset.done $0x0  }
0xb7: {  	s10 =	simm.s32 $0x1C7F0;
	[sflag:s28] =	ssyncadd.s32 $0xFFFFF000  }
0xb8: {  	v0 =	vld [tilespmem:s10+$0x0]  }
0xb9: {  	v1 =	vld [tilespmem:s10+$0xFFFFFFA0]  }
0xba: {  	v2 =	vld [tilespmem:s10+$0xFFFFFFB0]  }
0xbb: {  	v3 =	vld [tilespmem:s10+$0xFFFFFFC0]  }
0xbc: {  	v4 =	vld [tilespmem:s10+$0xFFFFFFD0]  }
0xbd: {  	v6 =	vld [tilespmem:s10+$0xFFFFFFE0]  }
0xbe: {  	v7 =	vld [tilespmem:s10+$0xFFFFFFF0]  }
0xbf: {  	v8 =	vld [tilespmem:s10+$0xFFFFFF90]  }
0xc0: {  	v9 =	vld.idx.msk [tilespmem:v0+s5+$0x0], $0xffff  }
0xc1: {  	v10 =	vld.idx.msk [tilespmem:v1+s5+$0x0], $0xffff  }
0xc2: {  	v5 =	vld.idx.msk [tilespmem:v2+s5+$0x0], $0xffff  }
0xc3: {  	v3 =	vld.idx.msk [tilespmem:v3+s5+$0x0], $0xffff  }
0xc4: {  	v0 =	vld.idx.msk [tilespmem:v4+s5+$0x0], $0xffff  }
0xc5: {  	s3 =	simm.s32 $0x1B770;
	v1 =	vld.idx.msk [tilespmem:v6+s5+$0x0], $0xffff  }
0xc6: {  	v2 =	vld.idx.msk [tilespmem:v7+s5+$0x0], $0xffff;
	[tilespmem:s3+$0x0] =	vst v9  }
0xc7: {  	s4 =	simm.s32 $0x0;
	s6 =	simm.s32 $0x1C8F0;
	v4 =	vld.idx.msk [tilespmem:v8+s5+$0x0], $0xffff;
	[tilespmem:s3+$0xFFFFFFA0] =	vst v10  }
.LBB2_16:
0xc8: {  	v6 =	vld [tilespmem:s6+$0x0];
	s4 =	sadd.s32 $0x80, s4;
	[tilespmem:s3+$0xFFFFFFB0] =	vst v5  }
0xc9: {  	v5 =	vld [tilespmem:s6+$0xFFFFFFA0];
	p0 =	slt.u32 s4, $0xF80;
	[tilespmem:s3+$0xFFFFFFC0] =	vst v3  }
0xca: {  	v3 =	vld [tilespmem:s6+$0xFFFFFFB0];
	[tilespmem:s3+$0xFFFFFFD0] =	vst v0  }
0xcb: {  	v0 =	vld [tilespmem:s6+$0xFFFFFFC0];
	[tilespmem:s3+$0xFFFFFFE0] =	vst v1  }
0xcc: {  	v1 =	vld [tilespmem:s6+$0xFFFFFFD0];
	[tilespmem:s3+$0xFFFFFFF0] =	vst v2  }
0xcd: {  	v2 =	vld [tilespmem:s6+$0xFFFFFFE0];
	[tilespmem:s3+$0xFFFFFF90] =	vst v4  }
0xce: {  	v4 =	vld [tilespmem:s6+$0xFFFFFFF0]  }
0xcf: {  	v7 =	vld [tilespmem:s6+$0xFFFFFF90]  }
0xd0: {  	v6 =	vld.idx.msk [tilespmem:v6+s5+$0x0], $0xffff  }
0xd1: {  	v8 =	vld.idx.msk [tilespmem:v5+s5+$0x0], $0xffff  }
0xd2: {  	v5 =	vld.idx.msk [tilespmem:v3+s5+$0x0], $0xffff  }
.Ltmp7:
0xd3: {  	v3 =	vld.idx.msk [tilespmem:v0+s5+$0x0], $0xffff;
	(pc) =	sbr.rel @p0 .LBB2_16-.Ltmp7, $4  }
0xd4: {  	v0 =	vld.idx.msk [tilespmem:v1+s5+$0x0], $0xffff  }
0xd5: {  	s3 =	sadd.s32 $0x80, s3;
	v1 =	vld.idx.msk [tilespmem:v2+s5+$0x0], $0xffff  }
0xd6: {  	v2 =	vld.idx.msk [tilespmem:v4+s5+$0x0], $0xffff;
	[tilespmem:s3+$0x0] =	vst v6  }
0xd7: {  	s6 =	sadd.s32 $0x100, s6;
	v4 =	vld.idx.msk [tilespmem:v7+s5+$0x0], $0xffff;
	[tilespmem:s3+$0xFFFFFFA0] =	vst v8  }
0xd8: {  	[tilespmem:s3+$0xFFFFFFB0] =	vst v5  }
0xd9: {  	[tilespmem:s3+$0xFFFFFFC0] =	vst v3  }
0xda: {  	[tilespmem:s3+$0xFFFFFFD0] =	vst v0  }
0xdb: {  	[tilespmem:s3+$0xFFFFFFE0] =	vst v1  }
0xdc: {  	[tilespmem:s3+$0xFFFFFFF0] =	vst v2  }
0xdd: {  	[tilespmem:s3+$0xFFFFFF90] =	vst v4  }
0xde: {  	s10 =	simm.s32 $0x0;
	s6 =	simm.s32 $0x1C800;
	s4 =	rddreg [dreg:$0x9]  }
0xdf: {  	[tilespmem:s10], [sflag:$0x1] =	stream.strided.gather [hbm4b:s4+s24], $0x18700, s25, s24, $0x38;
	[tilespmem:$0x1E700] =	vst v63  }
0xe0: {  	s3 =	simm.s32 $0x1C700;
	s4 =	simm.s32 $0x10;
	s10 =	sadd.s32 $0x0, s1  }
.LBB2_18:
0xe1: {  	[tilespmem:s3], [sflag:$0x2] =	stream.linear.gather [hbm4b:s10+s5], $0x80, $0x38;
	[tilespmem:$0x1E700] =	vst v63  }
0xe2: {  	s10 =	smov.u32 s4;
	s3 =	smov.u32 s6;
	p0 =	sne.s32 s4, $0x1F0  }
.Ltmp8:
0xe3: {  	s4 =	sadd.s32 $0x10, s4;
	(pc) =	sbr.rel @p0 .LBB2_18-.Ltmp8, $2  }
0xe4: {  	_ =	sdelay $0x2  }
0xe5: {  	s6 =	sadd.s32 $0x100, s6;
	s10 =	sadd.s32 s10, s1  }
0xe6: {  	[tilespmem:s3], [sflag:$0x2] =	stream.linear.gather [hbm4b:s10+s5], $0x80, $0x38;
	[tilespmem:$0x1E700] =	vst v63  }
0xe7: {  	s3 =	simm.s32 $0x1C780  }
0xe8: {  	s4 =	simm.s32 $0x10;
	s10 =	sadd.s32 $0x0, s11;
	s6 =	simm.s32 $0x1C880  }
.LBB2_20:
0xe9: {  	[tilespmem:s3], [sflag:$0x2] =	stream.linear.gather [hbm4b:s10+s5], $0x80, $0x38;
	[tilespmem:$0x1E700] =	vst v63  }
0xea: {  	s10 =	smov.u32 s4;
	s3 =	smov.u32 s6;
	p0 =	sne.s32 s4, $0x1F0  }
.Ltmp9:
0xeb: {  	s4 =	sadd.s32 $0x10, s4;
	(pc) =	sbr.rel @p0 .LBB2_20-.Ltmp9, $2  }
0xec: {  	_ =	sdelay $0x2  }
0xed: {  	s6 =	sadd.s32 $0x100, s6;
	s10 =	sadd.s32 s10, s11  }
0xee: {  	[tilespmem:s3], [sflag:$0x2] =	stream.linear.gather [hbm4b:s10+s5], $0x80, $0x38;
	[tilespmem:$0x1E700] =	vst v63  }
0xef: {  	_ =	swait.ge [sflag:s26], $0x18700  }
0xf0: {  	[sflag:s26] =	ssyncset.done $0x0  }
0xf1: {  	[sflag:s26] =	ssyncadd.s32 $0xFFFE7900  }
0xf2: {  	_ =	swait.ge [sflag:s28], $0x1000  }
0xf3: {  	[sflag:s28] =	ssyncset.done $0x0  }
0xf4: {  	s10 =	simm.s32 $0x1C740;
	[sflag:s28] =	ssyncadd.s32 $0xFFFFF000  }
0xf5: {  	v0 =	vld [tilespmem:s10+$0x30]  }
0xf6: {  	v1 =	vld [tilespmem:s10+$0xFFFFFFD0]  }
0xf7: {  	v2 =	vld [tilespmem:s10+$0xFFFFFFE0]  }
0xf8: {  	v3 =	vld [tilespmem:s10+$0xFFFFFFF0]  }
0xf9: {  	v4 =	vld [tilespmem:s10+$0x0]  }
0xfa: {  	v5 =	vld [tilespmem:s10+$0x10]  }
0xfb: {  	v7 =	vld [tilespmem:s10+$0xFFFFFFC0]  }
0xfc: {  	v6 =	vld [tilespmem:s10+$0x20]  }
0xfd: {  	v0 =	vld.idx.msk [tilespmem:v0+s5+$0x0], $0xffff  }
0xfe: {  	v1 =	vld.idx.msk [tilespmem:v1+s5+$0x0], $0xffff  }
0xff: {  	v2 =	vld.idx.msk [tilespmem:v2+s5+$0x0], $0xffff  }
0x100: {  	v3 =	vld.idx.msk [tilespmem:v3+s5+$0x0], $0xffff  }
0x101: {  	v4 =	vld.idx.msk [tilespmem:v4+s5+$0x0], $0xffff  }
0x102: {  	v5 =	vld.idx.msk [tilespmem:v5+s5+$0x0], $0xffff  }
0x103: {  	v63 =	vld.idx.msk [tilespmem:v7+s5+$0x0], $0xffff  }
0x104: {  	s3 =	simm.s32 $0x18770;
	v6 =	vld.idx.msk [tilespmem:v6+s5+$0x0], $0xffff  }
0x105: {  	[tilespmem:s3+$0x0] =	vst.add.f32.msk $0xffff, v0  }
0x106: {  	[tilespmem:s3+$0xFFFFFFA0] =	vst.add.f32.msk $0xffff, v1  }
0x107: {  	[tilespmem:s3+$0xFFFFFFB0] =	vst.add.f32.msk $0xffff, v2  }
0x108: {  	[tilespmem:s3+$0xFFFFFFC0] =	vst.add.f32.msk $0xffff, v3  }
0x109: {  	[tilespmem:s3+$0xFFFFFFD0] =	vst.add.f32.msk $0xffff, v4  }
0x10a: {  	[tilespmem:s3+$0xFFFFFF90] =	vst.add.f32.msk $0xffff, v63  }
0x10b: {  	[tilespmem:s3+$0xFFFFFFE0] =	vst.add.f32.msk $0xffff, v5  }
0x10c: {  	s4 =	simm.s32 $0x0;
	s6 =	simm.s32 $0x1C840;
	[tilespmem:s3+$0xFFFFFFF0] =	vst.add.f32.msk $0xffff, v6  }
.LBB2_22:
0x10d: {  	v0 =	vld [tilespmem:s6+$0x30];
	s4 =	sadd.s32 $0x80, s4  }
0x10e: {  	v1 =	vld [tilespmem:s6+$0xFFFFFFD0];
	p0 =	slt.u32 s4, $0xF80  }
0x10f: {  	v2 =	vld [tilespmem:s6+$0xFFFFFFE0]  }
0x110: {  	v3 =	vld [tilespmem:s6+$0xFFFFFFF0]  }
0x111: {  	v4 =	vld [tilespmem:s6+$0x0]  }
0x112: {  	v5 =	vld [tilespmem:s6+$0x10]  }
0x113: {  	v6 =	vld [tilespmem:s6+$0x20]  }
0x114: {  	v7 =	vld [tilespmem:s6+$0xFFFFFFC0]  }
0x115: {  	v0 =	vld.idx.msk [tilespmem:v0+s5+$0x0], $0xffff  }
0x116: {  	v1 =	vld.idx.msk [tilespmem:v1+s5+$0x0], $0xffff  }
0x117: {  	v2 =	vld.idx.msk [tilespmem:v2+s5+$0x0], $0xffff  }
0x118: {  	v3 =	vld.idx.msk [tilespmem:v3+s5+$0x0], $0xffff  }
0x119: {  	v4 =	vld.idx.msk [tilespmem:v4+s5+$0x0], $0xffff  }
0x11a: {  	s3 =	sadd.s32 $0x80, s3;
	v5 =	vld.idx.msk [tilespmem:v5+s5+$0x0], $0xffff  }
0x11b: {  	[tilespmem:s3+$0x0] =	vst.add.f32.msk $0xffff, v0  }
0x11c: {  	v0 =	vld.idx.msk [tilespmem:v7+s5+$0x0], $0xffff  }
0x11d: {  	v6 =	vld.idx.msk [tilespmem:v6+s5+$0x0], $0xffff  }
0x11e: {  	[tilespmem:s3+$0xFFFFFFA0] =	vst.add.f32.msk $0xffff, v1  }
0x11f: {  	[tilespmem:s3+$0xFFFFFFB0] =	vst.add.f32.msk $0xffff, v2  }
.Ltmp10:
0x120: {  	[tilespmem:s3+$0xFFFFFFC0] =	vst.add.f32.msk $0xffff, v3;
	(pc) =	sbr.rel @p0 .LBB2_22-.Ltmp10, $4  }
0x121: {  	[tilespmem:s3+$0xFFFFFFD0] =	vst.add.f32.msk $0xffff, v4  }
0x122: {  	[tilespmem:s3+$0xFFFFFF90] =	vst.add.f32.msk $0xffff, v0  }
0x123: {  	[tilespmem:s3+$0xFFFFFFE0] =	vst.add.f32.msk $0xffff, v5  }
0x124: {  	s6 =	sadd.s32 $0x100, s6;
	[tilespmem:s3+$0xFFFFFFF0] =	vst.add.f32.msk $0xffff, v6  }
0x125: {  	s3 =	simm.s32 $0x1C700  }
0x126: {  	s4 =	simm.s32 $0x10;
	s10 =	sadd.s32 $0x0, s12;
	s6 =	simm.s32 $0x1C800  }
.LBB2_24:
0x127: {  	[tilespmem:s3], [sflag:$0x2] =	stream.linear.gather [hbm4b:s10+s5], $0x80, $0x38;
	[tilespmem:$0x1E700] =	vst v63  }
0x128: {  	s10 =	smov.u32 s4;
	s3 =	smov.u32 s6;
	p0 =	sne.s32 s4, $0x1F0  }
.Ltmp11:
0x129: {  	s4 =	sadd.s32 $0x10, s4;
	(pc) =	sbr.rel @p0 .LBB2_24-.Ltmp11, $2  }
0x12a: {  	_ =	sdelay $0x2  }
0x12b: {  	s6 =	sadd.s32 $0x100, s6;
	s10 =	sadd.s32 s10, s12  }
0x12c: {  	[tilespmem:s3], [sflag:$0x2] =	stream.linear.gather [hbm4b:s10+s5], $0x80, $0x38;
	[tilespmem:$0x1E700] =	vst v63  }
0x12d: {  	_ =	swait.ge [sflag:s28], $0x1000  }
0x12e: {  	[sflag:s28] =	ssyncset.done $0x0  }
0x12f: {  	s10 =	simm.s32 $0x1C7F0;
	[sflag:s28] =	ssyncadd.s32 $0xFFFFF000  }
0x130: {  	v0 =	vld [tilespmem:s10+$0x0]  }
0x131: {  	v1 =	vld [tilespmem:s10+$0xFFFFFFA0]  }
0x132: {  	v2 =	vld [tilespmem:s10+$0xFFFFFFB0]  }
0x133: {  	v3 =	vld [tilespmem:s10+$0xFFFFFFC0]  }
0x134: {  	v4 =	vld [tilespmem:s10+$0xFFFFFFD0]  }
0x135: {  	v5 =	vld [tilespmem:s10+$0xFFFFFFE0]  }
0x136: {  	v7 =	vld [tilespmem:s10+$0xFFFFFF90]  }
0x137: {  	v6 =	vld [tilespmem:s10+$0xFFFFFFF0]  }
0x138: {  	v0 =	vld.idx.msk [tilespmem:v0+s5+$0x0], $0xffff  }
0x139: {  	v1 =	vld.idx.msk [tilespmem:v1+s5+$0x0], $0xffff  }
0x13a: {  	v2 =	vld.idx.msk [tilespmem:v2+s5+$0x0], $0xffff  }
0x13b: {  	v3 =	vld.idx.msk [tilespmem:v3+s5+$0x0], $0xffff  }
0x13c: {  	v4 =	vld.idx.msk [tilespmem:v4+s5+$0x0], $0xffff  }
0x13d: {  	v5 =	vld.idx.msk [tilespmem:v5+s5+$0x0], $0xffff  }
0x13e: {  	v63 =	vld.idx.msk [tilespmem:v7+s5+$0x0], $0xffff  }
0x13f: {  	s3 =	simm.s32 $0x19770;
	v6 =	vld.idx.msk [tilespmem:v6+s5+$0x0], $0xffff  }
0x140: {  	[tilespmem:s3+$0x0] =	vst.add.f32.msk $0xffff, v0  }
0x141: {  	[tilespmem:s3+$0xFFFFFFA0] =	vst.add.f32.msk $0xffff, v1  }
0x142: {  	[tilespmem:s3+$0xFFFFFFB0] =	vst.add.f32.msk $0xffff, v2  }
0x143: {  	[tilespmem:s3+$0xFFFFFFC0] =	vst.add.f32.msk $0xffff, v3  }
0x144: {  	[tilespmem:s3+$0xFFFFFFD0] =	vst.add.f32.msk $0xffff, v4  }
0x145: {  	[tilespmem:s3+$0xFFFFFF90] =	vst.add.f32.msk $0xffff, v63  }
0x146: {  	[tilespmem:s3+$0xFFFFFFE0] =	vst.add.f32.msk $0xffff, v5  }
0x147: {  	s4 =	simm.s32 $0x0;
	s6 =	simm.s32 $0x1C8F0;
	[tilespmem:s3+$0xFFFFFFF0] =	vst.add.f32.msk $0xffff, v6  }
.LBB2_26:
0x148: {  	v0 =	vld [tilespmem:s6+$0x0];
	s4 =	sadd.s32 $0x80, s4  }
0x149: {  	v1 =	vld [tilespmem:s6+$0xFFFFFFA0];
	p0 =	slt.u32 s4, $0xF80  }
0x14a: {  	v2 =	vld [tilespmem:s6+$0xFFFFFFB0]  }
0x14b: {  	v3 =	vld [tilespmem:s6+$0xFFFFFFC0]  }
0x14c: {  	v4 =	vld [tilespmem:s6+$0xFFFFFFD0]  }
0x14d: {  	v5 =	vld [tilespmem:s6+$0xFFFFFFE0]  }
0x14e: {  	v6 =	vld [tilespmem:s6+$0xFFFFFFF0]  }
0x14f: {  	v7 =	vld [tilespmem:s6+$0xFFFFFF90]  }
0x150: {  	v0 =	vld.idx.msk [tilespmem:v0+s5+$0x0], $0xffff  }
0x151: {  	v1 =	vld.idx.msk [tilespmem:v1+s5+$0x0], $0xffff  }
0x152: {  	v2 =	vld.idx.msk [tilespmem:v2+s5+$0x0], $0xffff  }
0x153: {  	v3 =	vld.idx.msk [tilespmem:v3+s5+$0x0], $0xffff  }
0x154: {  	v4 =	vld.idx.msk [tilespmem:v4+s5+$0x0], $0xffff  }
0x155: {  	s3 =	sadd.s32 $0x80, s3;
	v5 =	vld.idx.msk [tilespmem:v5+s5+$0x0], $0xffff  }
0x156: {  	[tilespmem:s3+$0x0] =	vst.add.f32.msk $0xffff, v0  }
0x157: {  	v0 =	vld.idx.msk [tilespmem:v7+s5+$0x0], $0xffff  }
0x158: {  	v6 =	vld.idx.msk [tilespmem:v6+s5+$0x0], $0xffff  }
0x159: {  	[tilespmem:s3+$0xFFFFFFA0] =	vst.add.f32.msk $0xffff, v1  }
0x15a: {  	[tilespmem:s3+$0xFFFFFFB0] =	vst.add.f32.msk $0xffff, v2  }
.Ltmp12:
0x15b: {  	[tilespmem:s3+$0xFFFFFFC0] =	vst.add.f32.msk $0xffff, v3;
	(pc) =	sbr.rel @p0 .LBB2_26-.Ltmp12, $4  }
0x15c: {  	[tilespmem:s3+$0xFFFFFFD0] =	vst.add.f32.msk $0xffff, v4  }
0x15d: {  	[tilespmem:s3+$0xFFFFFF90] =	vst.add.f32.msk $0xffff, v0  }
0x15e: {  	[tilespmem:s3+$0xFFFFFFE0] =	vst.add.f32.msk $0xffff, v5  }
0x15f: {  	s6 =	sadd.s32 $0x100, s6;
	[tilespmem:s3+$0xFFFFFFF0] =	vst.add.f32.msk $0xffff, v6  }
0x160: {  	s3 =	simm.s32 $0x1C780  }
0x161: {  	s4 =	simm.s32 $0x10;
	s10 =	sadd.s32 $0x0, s13;
	s6 =	simm.s32 $0x1C880  }
.LBB2_28:
0x162: {  	[tilespmem:s3], [sflag:$0x2] =	stream.linear.gather [hbm4b:s10+s5], $0x80, $0x38;
	[tilespmem:$0x1E700] =	vst v63  }
0x163: {  	s10 =	smov.u32 s4;
	s3 =	smov.u32 s6;
	p0 =	sne.s32 s4, $0x1F0  }
.Ltmp13:
0x164: {  	s4 =	sadd.s32 $0x10, s4;
	(pc) =	sbr.rel @p0 .LBB2_28-.Ltmp13, $2  }
0x165: {  	_ =	sdelay $0x2  }
0x166: {  	s6 =	sadd.s32 $0x100, s6;
	s10 =	sadd.s32 s10, s13  }
0x167: {  	[tilespmem:s3], [sflag:$0x2] =	stream.linear.gather [hbm4b:s10+s5], $0x80, $0x38;
	[tilespmem:$0x1E700] =	vst v63  }
0x168: {  	_ =	swait.ge [sflag:s28], $0x1000  }
0x169: {  	[sflag:s28] =	ssyncset.done $0x0  }
0x16a: {  	s10 =	simm.s32 $0x1C740;
	[sflag:s28] =	ssyncadd.s32 $0xFFFFF000  }
0x16b: {  	v0 =	vld [tilespmem:s10+$0x30]  }
0x16c: {  	v1 =	vld [tilespmem:s10+$0xFFFFFFD0]  }
0x16d: {  	v2 =	vld [tilespmem:s10+$0xFFFFFFE0]  }
0x16e: {  	v3 =	vld [tilespmem:s10+$0xFFFFFFF0]  }
0x16f: {  	v4 =	vld [tilespmem:s10+$0x0]  }
0x170: {  	v5 =	vld [tilespmem:s10+$0x10]  }
0x171: {  	v7 =	vld [tilespmem:s10+$0xFFFFFFC0]  }
0x172: {  	v6 =	vld [tilespmem:s10+$0x20]  }
0x173: {  	v0 =	vld.idx.msk [tilespmem:v0+s5+$0x0], $0xffff  }
0x174: {  	v1 =	vld.idx.msk [tilespmem:v1+s5+$0x0], $0xffff  }
0x175: {  	v2 =	vld.idx.msk [tilespmem:v2+s5+$0x0], $0xffff  }
0x176: {  	v3 =	vld.idx.msk [tilespmem:v3+s5+$0x0], $0xffff  }
0x177: {  	v4 =	vld.idx.msk [tilespmem:v4+s5+$0x0], $0xffff  }
0x178: {  	v5 =	vld.idx.msk [tilespmem:v5+s5+$0x0], $0xffff  }
0x179: {  	v63 =	vld.idx.msk [tilespmem:v7+s5+$0x0], $0xffff  }
0x17a: {  	s3 =	simm.s32 $0x1A770;
	v6 =	vld.idx.msk [tilespmem:v6+s5+$0x0], $0xffff  }
0x17b: {  	[tilespmem:s3+$0x0] =	vst.add.f32.msk $0xffff, v0  }
0x17c: {  	[tilespmem:s3+$0xFFFFFFA0] =	vst.add.f32.msk $0xffff, v1  }
0x17d: {  	[tilespmem:s3+$0xFFFFFFB0] =	vst.add.f32.msk $0xffff, v2  }
0x17e: {  	[tilespmem:s3+$0xFFFFFFC0] =	vst.add.f32.msk $0xffff, v3  }
0x17f: {  	[tilespmem:s3+$0xFFFFFFD0] =	vst.add.f32.msk $0xffff, v4  }
0x180: {  	[tilespmem:s3+$0xFFFFFF90] =	vst.add.f32.msk $0xffff, v63  }
0x181: {  	[tilespmem:s3+$0xFFFFFFE0] =	vst.add.f32.msk $0xffff, v5  }
0x182: {  	s4 =	simm.s32 $0x0;
	s6 =	simm.s32 $0x1C840;
	[tilespmem:s3+$0xFFFFFFF0] =	vst.add.f32.msk $0xffff, v6  }
.LBB2_30:
0x183: {  	v0 =	vld [tilespmem:s6+$0x30];
	s4 =	sadd.s32 $0x80, s4  }
0x184: {  	v1 =	vld [tilespmem:s6+$0xFFFFFFD0];
	p0 =	slt.u32 s4, $0xF80  }
0x185: {  	v2 =	vld [tilespmem:s6+$0xFFFFFFE0]  }
0x186: {  	v3 =	vld [tilespmem:s6+$0xFFFFFFF0]  }
0x187: {  	v4 =	vld [tilespmem:s6+$0x0]  }
0x188: {  	v5 =	vld [tilespmem:s6+$0x10]  }
0x189: {  	v6 =	vld [tilespmem:s6+$0x20]  }
0x18a: {  	v7 =	vld [tilespmem:s6+$0xFFFFFFC0]  }
0x18b: {  	v0 =	vld.idx.msk [tilespmem:v0+s5+$0x0], $0xffff  }
0x18c: {  	v1 =	vld.idx.msk [tilespmem:v1+s5+$0x0], $0xffff  }
0x18d: {  	v2 =	vld.idx.msk [tilespmem:v2+s5+$0x0], $0xffff  }
0x18e: {  	v3 =	vld.idx.msk [tilespmem:v3+s5+$0x0], $0xffff  }
0x18f: {  	v4 =	vld.idx.msk [tilespmem:v4+s5+$0x0], $0xffff  }
0x190: {  	s3 =	sadd.s32 $0x80, s3;
	v5 =	vld.idx.msk [tilespmem:v5+s5+$0x0], $0xffff  }
0x191: {  	[tilespmem:s3+$0x0] =	vst.add.f32.msk $0xffff, v0  }
0x192: {  	v0 =	vld.idx.msk [tilespmem:v7+s5+$0x0], $0xffff  }
0x193: {  	v6 =	vld.idx.msk [tilespmem:v6+s5+$0x0], $0xffff  }
0x194: {  	[tilespmem:s3+$0xFFFFFFA0] =	vst.add.f32.msk $0xffff, v1  }
0x195: {  	[tilespmem:s3+$0xFFFFFFB0] =	vst.add.f32.msk $0xffff, v2  }
.Ltmp14:
0x196: {  	[tilespmem:s3+$0xFFFFFFC0] =	vst.add.f32.msk $0xffff, v3;
	(pc) =	sbr.rel @p0 .LBB2_30-.Ltmp14, $4  }
0x197: {  	[tilespmem:s3+$0xFFFFFFD0] =	vst.add.f32.msk $0xffff, v4  }
0x198: {  	[tilespmem:s3+$0xFFFFFF90] =	vst.add.f32.msk $0xffff, v0  }
0x199: {  	[tilespmem:s3+$0xFFFFFFE0] =	vst.add.f32.msk $0xffff, v5  }
0x19a: {  	s6 =	sadd.s32 $0x100, s6;
	[tilespmem:s3+$0xFFFFFFF0] =	vst.add.f32.msk $0xffff, v6  }
0x19b: {  	_ =	swait.ge [sflag:s28], $0x1000  }
0x19c: {  	[sflag:s28] =	ssyncset.done $0x0  }
0x19d: {  	s3 =	simm.s32 $0x1C7F0;
	[sflag:s28] =	ssyncadd.s32 $0xFFFFF000  }
0x19e: {  	v0 =	vld [tilespmem:s3+$0x0]  }
0x19f: {  	v1 =	vld [tilespmem:s3+$0xFFFFFFA0]  }
0x1a0: {  	v2 =	vld [tilespmem:s3+$0xFFFFFFB0]  }
0x1a1: {  	v3 =	vld [tilespmem:s3+$0xFFFFFFC0]  }
0x1a2: {  	v4 =	vld [tilespmem:s3+$0xFFFFFFD0]  }
0x1a3: {  	v5 =	vld [tilespmem:s3+$0xFFFFFFE0]  }
0x1a4: {  	v7 =	vld [tilespmem:s3+$0xFFFFFF90]  }
0x1a5: {  	v6 =	vld [tilespmem:s3+$0xFFFFFFF0]  }
0x1a6: {  	v0 =	vld.idx.msk [tilespmem:v0+s5+$0x0], $0xffff  }
0x1a7: {  	v1 =	vld.idx.msk [tilespmem:v1+s5+$0x0], $0xffff  }
0x1a8: {  	v2 =	vld.idx.msk [tilespmem:v2+s5+$0x0], $0xffff  }
0x1a9: {  	v3 =	vld.idx.msk [tilespmem:v3+s5+$0x0], $0xffff  }
0x1aa: {  	v4 =	vld.idx.msk [tilespmem:v4+s5+$0x0], $0xffff  }
0x1ab: {  	v5 =	vld.idx.msk [tilespmem:v5+s5+$0x0], $0xffff  }
0x1ac: {  	v63 =	vld.idx.msk [tilespmem:v7+s5+$0x0], $0xffff  }
0x1ad: {  	s3 =	simm.s32 $0x1B770;
	v6 =	vld.idx.msk [tilespmem:v6+s5+$0x0], $0xffff  }
0x1ae: {  	[tilespmem:s3+$0x0] =	vst.add.f32.msk $0xffff, v0  }
0x1af: {  	[tilespmem:s3+$0xFFFFFFA0] =	vst.add.f32.msk $0xffff, v1  }
0x1b0: {  	[tilespmem:s3+$0xFFFFFFB0] =	vst.add.f32.msk $0xffff, v2  }
0x1b1: {  	[tilespmem:s3+$0xFFFFFFC0] =	vst.add.f32.msk $0xffff, v3  }
0x1b2: {  	[tilespmem:s3+$0xFFFFFFD0] =	vst.add.f32.msk $0xffff, v4  }
0x1b3: {  	[tilespmem:s3+$0xFFFFFF90] =	vst.add.f32.msk $0xffff, v63  }
0x1b4: {  	[tilespmem:s3+$0xFFFFFFE0] =	vst.add.f32.msk $0xffff, v5  }
0x1b5: {  	s4 =	simm.s32 $0x0;
	s6 =	simm.s32 $0x1C8F0;
	[tilespmem:s3+$0xFFFFFFF0] =	vst.add.f32.msk $0xffff, v6  }
.LBB2_32:
0x1b6: {  	v0 =	vld [tilespmem:s6+$0x0];
	s4 =	sadd.s32 $0x80, s4  }
0x1b7: {  	v1 =	vld [tilespmem:s6+$0xFFFFFFA0];
	p0 =	slt.u32 s4, $0xF80  }
0x1b8: {  	v2 =	vld [tilespmem:s6+$0xFFFFFFB0]  }
0x1b9: {  	v3 =	vld [tilespmem:s6+$0xFFFFFFC0]  }
0x1ba: {  	v4 =	vld [tilespmem:s6+$0xFFFFFFD0]  }
0x1bb: {  	v5 =	vld [tilespmem:s6+$0xFFFFFFE0]  }
0x1bc: {  	v6 =	vld [tilespmem:s6+$0xFFFFFFF0]  }
0x1bd: {  	v7 =	vld [tilespmem:s6+$0xFFFFFF90]  }
0x1be: {  	v0 =	vld.idx.msk [tilespmem:v0+s5+$0x0], $0xffff  }
0x1bf: {  	v1 =	vld.idx.msk [tilespmem:v1+s5+$0x0], $0xffff  }
0x1c0: {  	v2 =	vld.idx.msk [tilespmem:v2+s5+$0x0], $0xffff  }
0x1c1: {  	v3 =	vld.idx.msk [tilespmem:v3+s5+$0x0], $0xffff  }
0x1c2: {  	v4 =	vld.idx.msk [tilespmem:v4+s5+$0x0], $0xffff  }
0x1c3: {  	s3 =	sadd.s32 $0x80, s3;
	v5 =	vld.idx.msk [tilespmem:v5+s5+$0x0], $0xffff  }
0x1c4: {  	[tilespmem:s3+$0x0] =	vst.add.f32.msk $0xffff, v0  }
0x1c5: {  	v0 =	vld.idx.msk [tilespmem:v7+s5+$0x0], $0xffff  }
0x1c6: {  	v6 =	vld.idx.msk [tilespmem:v6+s5+$0x0], $0xffff  }
0x1c7: {  	[tilespmem:s3+$0xFFFFFFA0] =	vst.add.f32.msk $0xffff, v1  }
0x1c8: {  	[tilespmem:s3+$0xFFFFFFB0] =	vst.add.f32.msk $0xffff, v2  }
.Ltmp15:
0x1c9: {  	[tilespmem:s3+$0xFFFFFFC0] =	vst.add.f32.msk $0xffff, v3;
	(pc) =	sbr.rel @p0 .LBB2_32-.Ltmp15, $4  }
0x1ca: {  	[tilespmem:s3+$0xFFFFFFD0] =	vst.add.f32.msk $0xffff, v4  }
0x1cb: {  	[tilespmem:s3+$0xFFFFFF90] =	vst.add.f32.msk $0xffff, v0  }
0x1cc: {  	[tilespmem:s3+$0xFFFFFFE0] =	vst.add.f32.msk $0xffff, v5  }
0x1cd: {  	s6 =	sadd.s32 $0x100, s6;
	[tilespmem:s3+$0xFFFFFFF0] =	vst.add.f32.msk $0xffff, v6  }
0x1ce: {  	s3 =	simm.s32 $0x0;
	s4 =	simm.s32 $0x10  }
0x1cf: {  	[tilespmem:s3], [sflag:$0x1] =	stream.strided.gather [hbm4b:s14+s24], $0x18700, s25, s24, $0x38;
	[tilespmem:$0x1E700] =	vst v63  }
0x1d0: {  	s10 =	sadd.s32 $0x0, s2;
	s6 =	simm.s32 $0x1C800;
	s3 =	simm.s32 $0x1C700  }
.LBB2_34:
0x1d1: {  	[tilespmem:s3], [sflag:$0x2] =	stream.linear.gather [hbm4b:s10+s5], $0x80, $0x38;
	[tilespmem:$0x1E700] =	vst v63  }
0x1d2: {  	s10 =	smov.u32 s4;
	s3 =	smov.u32 s6;
	p0 =	sne.s32 s4, $0x1F0  }
.Ltmp16:
0x1d3: {  	s4 =	sadd.s32 $0x10, s4;
	(pc) =	sbr.rel @p0 .LBB2_34-.Ltmp16, $2  }
0x1d4: {  	_ =	sdelay $0x2  }
0x1d5: {  	s6 =	sadd.s32 $0x100, s6;
	s10 =	sadd.s32 s10, s2  }
0x1d6: {  	[tilespmem:s3], [sflag:$0x2] =	stream.linear.gather [hbm4b:s10+s5], $0x80, $0x38;
	[tilespmem:$0x1E700] =	vst v63  }
0x1d7: {  	s3 =	simm.s32 $0x1C780  }
0x1d8: {  	s4 =	simm.s32 $0x10;
	s10 =	sadd.s32 $0x0, s15;
	s6 =	simm.s32 $0x1C880  }
.LBB2_36:
0x1d9: {  	[tilespmem:s3], [sflag:$0x2] =	stream.linear.gather [hbm4b:s10+s5], $0x80, $0x38;
	[tilespmem:$0x1E700] =	vst v63  }
0x1da: {  	s10 =	smov.u32 s4;
	s3 =	smov.u32 s6;
	p0 =	sne.s32 s4, $0x1F0  }
.Ltmp17:
0x1db: {  	s4 =	sadd.s32 $0x10, s4;
	(pc) =	sbr.rel @p0 .LBB2_36-.Ltmp17, $2  }
0x1dc: {  	_ =	sdelay $0x2  }
0x1dd: {  	s6 =	sadd.s32 $0x100, s6;
	s10 =	sadd.s32 s10, s15  }
0x1de: {  	[tilespmem:s3], [sflag:$0x2] =	stream.linear.gather [hbm4b:s10+s5], $0x80, $0x38;
	[tilespmem:$0x1E700] =	vst v63  }
0x1df: {  	_ =	swait.ge [sflag:s26], $0x18700  }
0x1e0: {  	[sflag:s26] =	ssyncset.done $0x0  }
0x1e1: {  	[sflag:s26] =	ssyncadd.s32 $0xFFFE7900  }
0x1e2: {  	_ =	swait.ge [sflag:s28], $0x1000  }
0x1e3: {  	[sflag:s28] =	ssyncset.done $0x0  }
0x1e4: {  	s10 =	simm.s32 $0x1C740;
	[sflag:s28] =	ssyncadd.s32 $0xFFFFF000  }
0x1e5: {  	v0 =	vld [tilespmem:s10+$0x30]  }
0x1e6: {  	v1 =	vld [tilespmem:s10+$0xFFFFFFD0]  }
0x1e7: {  	v2 =	vld [tilespmem:s10+$0xFFFFFFE0]  }
0x1e8: {  	v3 =	vld [tilespmem:s10+$0xFFFFFFF0]  }
0x1e9: {  	v4 =	vld [tilespmem:s10+$0x0]  }
0x1ea: {  	v5 =	vld [tilespmem:s10+$0x10]  }
0x1eb: {  	v7 =	vld [tilespmem:s10+$0xFFFFFFC0]  }
0x1ec: {  	v6 =	vld [tilespmem:s10+$0x20]  }
0x1ed: {  	v0 =	vld.idx.msk [tilespmem:v0+s5+$0x0], $0xffff  }
0x1ee: {  	v1 =	vld.idx.msk [tilespmem:v1+s5+$0x0], $0xffff  }
0x1ef: {  	v2 =	vld.idx.msk [tilespmem:v2+s5+$0x0], $0xffff  }
0x1f0: {  	v3 =	vld.idx.msk [tilespmem:v3+s5+$0x0], $0xffff  }
0x1f1: {  	v4 =	vld.idx.msk [tilespmem:v4+s5+$0x0], $0xffff  }
0x1f2: {  	v5 =	vld.idx.msk [tilespmem:v5+s5+$0x0], $0xffff  }
0x1f3: {  	v63 =	vld.idx.msk [tilespmem:v7+s5+$0x0], $0xffff  }
0x1f4: {  	s3 =	simm.s32 $0x18770;
	v6 =	vld.idx.msk [tilespmem:v6+s5+$0x0], $0xffff  }
0x1f5: {  	[tilespmem:s3+$0x0] =	vst.add.f32.msk $0xffff, v0  }
0x1f6: {  	[tilespmem:s3+$0xFFFFFFA0] =	vst.add.f32.msk $0xffff, v1  }
0x1f7: {  	[tilespmem:s3+$0xFFFFFFB0] =	vst.add.f32.msk $0xffff, v2  }
0x1f8: {  	[tilespmem:s3+$0xFFFFFFC0] =	vst.add.f32.msk $0xffff, v3  }
0x1f9: {  	[tilespmem:s3+$0xFFFFFFD0] =	vst.add.f32.msk $0xffff, v4  }
0x1fa: {  	[tilespmem:s3+$0xFFFFFF90] =	vst.add.f32.msk $0xffff, v63  }
0x1fb: {  	[tilespmem:s3+$0xFFFFFFE0] =	vst.add.f32.msk $0xffff, v5  }
0x1fc: {  	s4 =	simm.s32 $0x0;
	s6 =	simm.s32 $0x1C840;
	[tilespmem:s3+$0xFFFFFFF0] =	vst.add.f32.msk $0xffff, v6  }
.LBB2_38:
0x1fd: {  	v0 =	vld [tilespmem:s6+$0x30];
	s4 =	sadd.s32 $0x80, s4  }
0x1fe: {  	v1 =	vld [tilespmem:s6+$0xFFFFFFD0];
	p0 =	slt.u32 s4, $0xF80  }
0x1ff: {  	v2 =	vld [tilespmem:s6+$0xFFFFFFE0]  }
0x200: {  	v3 =	vld [tilespmem:s6+$0xFFFFFFF0]  }
0x201: {  	v4 =	vld [tilespmem:s6+$0x0]  }
0x202: {  	v5 =	vld [tilespmem:s6+$0x10]  }
0x203: {  	v6 =	vld [tilespmem:s6+$0x20]  }
0x204: {  	v7 =	vld [tilespmem:s6+$0xFFFFFFC0]  }
0x205: {  	v0 =	vld.idx.msk [tilespmem:v0+s5+$0x0], $0xffff  }
0x206: {  	v1 =	vld.idx.msk [tilespmem:v1+s5+$0x0], $0xffff  }
0x207: {  	v2 =	vld.idx.msk [tilespmem:v2+s5+$0x0], $0xffff  }
0x208: {  	v3 =	vld.idx.msk [tilespmem:v3+s5+$0x0], $0xffff  }
0x209: {  	v4 =	vld.idx.msk [tilespmem:v4+s5+$0x0], $0xffff  }
0x20a: {  	s3 =	sadd.s32 $0x80, s3;
	v5 =	vld.idx.msk [tilespmem:v5+s5+$0x0], $0xffff  }
0x20b: {  	[tilespmem:s3+$0x0] =	vst.add.f32.msk $0xffff, v0  }
0x20c: {  	v0 =	vld.idx.msk [tilespmem:v7+s5+$0x0], $0xffff  }
0x20d: {  	v6 =	vld.idx.msk [tilespmem:v6+s5+$0x0], $0xffff  }
0x20e: {  	[tilespmem:s3+$0xFFFFFFA0] =	vst.add.f32.msk $0xffff, v1  }
0x20f: {  	[tilespmem:s3+$0xFFFFFFB0] =	vst.add.f32.msk $0xffff, v2  }
.Ltmp18:
0x210: {  	[tilespmem:s3+$0xFFFFFFC0] =	vst.add.f32.msk $0xffff, v3;
	(pc) =	sbr.rel @p0 .LBB2_38-.Ltmp18, $4  }
0x211: {  	[tilespmem:s3+$0xFFFFFFD0] =	vst.add.f32.msk $0xffff, v4  }
0x212: {  	[tilespmem:s3+$0xFFFFFF90] =	vst.add.f32.msk $0xffff, v0  }
0x213: {  	[tilespmem:s3+$0xFFFFFFE0] =	vst.add.f32.msk $0xffff, v5  }
0x214: {  	s6 =	sadd.s32 $0x100, s6;
	[tilespmem:s3+$0xFFFFFFF0] =	vst.add.f32.msk $0xffff, v6  }
0x215: {  	s3 =	simm.s32 $0x1C700  }
0x216: {  	s4 =	simm.s32 $0x10;
	s10 =	sadd.s32 $0x0, s16;
	s6 =	simm.s32 $0x1C800  }
.LBB2_40:
0x217: {  	[tilespmem:s3], [sflag:$0x2] =	stream.linear.gather [hbm4b:s10+s5], $0x80, $0x38;
	[tilespmem:$0x1E700] =	vst v63  }
0x218: {  	s10 =	smov.u32 s4;
	s3 =	smov.u32 s6;
	p0 =	sne.s32 s4, $0x1F0  }
.Ltmp19:
0x219: {  	s4 =	sadd.s32 $0x10, s4;
	(pc) =	sbr.rel @p0 .LBB2_40-.Ltmp19, $2  }
0x21a: {  	_ =	sdelay $0x2  }
0x21b: {  	s6 =	sadd.s32 $0x100, s6;
	s10 =	sadd.s32 s10, s16  }
0x21c: {  	[tilespmem:s3], [sflag:$0x2] =	stream.linear.gather [hbm4b:s10+s5], $0x80, $0x38;
	[tilespmem:$0x1E700] =	vst v63  }
0x21d: {  	_ =	swait.ge [sflag:s28], $0x1000  }
0x21e: {  	[sflag:s28] =	ssyncset.done $0x0  }
0x21f: {  	s10 =	simm.s32 $0x1C7F0;
	[sflag:s28] =	ssyncadd.s32 $0xFFFFF000  }
0x220: {  	v0 =	vld [tilespmem:s10+$0x0]  }
0x221: {  	v1 =	vld [tilespmem:s10+$0xFFFFFFA0]  }
0x222: {  	v2 =	vld [tilespmem:s10+$0xFFFFFFB0]  }
0x223: {  	v3 =	vld [tilespmem:s10+$0xFFFFFFC0]  }
0x224: {  	v4 =	vld [tilespmem:s10+$0xFFFFFFD0]  }
0x225: {  	v5 =	vld [tilespmem:s10+$0xFFFFFFE0]  }
0x226: {  	v7 =	vld [tilespmem:s10+$0xFFFFFF90]  }
0x227: {  	v6 =	vld [tilespmem:s10+$0xFFFFFFF0]  }
0x228: {  	v0 =	vld.idx.msk [tilespmem:v0+s5+$0x0], $0xffff  }
0x229: {  	v1 =	vld.idx.msk [tilespmem:v1+s5+$0x0], $0xffff  }
0x22a: {  	v2 =	vld.idx.msk [tilespmem:v2+s5+$0x0], $0xffff  }
0x22b: {  	v3 =	vld.idx.msk [tilespmem:v3+s5+$0x0], $0xffff  }
0x22c: {  	v4 =	vld.idx.msk [tilespmem:v4+s5+$0x0], $0xffff  }
0x22d: {  	v5 =	vld.idx.msk [tilespmem:v5+s5+$0x0], $0xffff  }
0x22e: {  	v63 =	vld.idx.msk [tilespmem:v7+s5+$0x0], $0xffff  }
0x22f: {  	s3 =	simm.s32 $0x19770;
	v6 =	vld.idx.msk [tilespmem:v6+s5+$0x0], $0xffff  }
0x230: {  	[tilespmem:s3+$0x0] =	vst.add.f32.msk $0xffff, v0  }
0x231: {  	[tilespmem:s3+$0xFFFFFFA0] =	vst.add.f32.msk $0xffff, v1  }
0x232: {  	[tilespmem:s3+$0xFFFFFFB0] =	vst.add.f32.msk $0xffff, v2  }
0x233: {  	[tilespmem:s3+$0xFFFFFFC0] =	vst.add.f32.msk $0xffff, v3  }
0x234: {  	[tilespmem:s3+$0xFFFFFFD0] =	vst.add.f32.msk $0xffff, v4  }
0x235: {  	[tilespmem:s3+$0xFFFFFF90] =	vst.add.f32.msk $0xffff, v63  }
0x236: {  	[tilespmem:s3+$0xFFFFFFE0] =	vst.add.f32.msk $0xffff, v5  }
0x237: {  	s4 =	simm.s32 $0x0;
	s6 =	simm.s32 $0x1C8F0;
	[tilespmem:s3+$0xFFFFFFF0] =	vst.add.f32.msk $0xffff, v6  }
.LBB2_42:
0x238: {  	v0 =	vld [tilespmem:s6+$0x0];
	s4 =	sadd.s32 $0x80, s4  }
0x239: {  	v1 =	vld [tilespmem:s6+$0xFFFFFFA0];
	p0 =	slt.u32 s4, $0xF80  }
0x23a: {  	v2 =	vld [tilespmem:s6+$0xFFFFFFB0]  }
0x23b: {  	v3 =	vld [tilespmem:s6+$0xFFFFFFC0]  }
0x23c: {  	v4 =	vld [tilespmem:s6+$0xFFFFFFD0]  }
0x23d: {  	v5 =	vld [tilespmem:s6+$0xFFFFFFE0]  }
0x23e: {  	v6 =	vld [tilespmem:s6+$0xFFFFFFF0]  }
0x23f: {  	v7 =	vld [tilespmem:s6+$0xFFFFFF90]  }
0x240: {  	v0 =	vld.idx.msk [tilespmem:v0+s5+$0x0], $0xffff  }
0x241: {  	v1 =	vld.idx.msk [tilespmem:v1+s5+$0x0], $0xffff  }
0x242: {  	v2 =	vld.idx.msk [tilespmem:v2+s5+$0x0], $0xffff  }
0x243: {  	v3 =	vld.idx.msk [tilespmem:v3+s5+$0x0], $0xffff  }
0x244: {  	v4 =	vld.idx.msk [tilespmem:v4+s5+$0x0], $0xffff  }
0x245: {  	s3 =	sadd.s32 $0x80, s3;
	v5 =	vld.idx.msk [tilespmem:v5+s5+$0x0], $0xffff  }
0x246: {  	[tilespmem:s3+$0x0] =	vst.add.f32.msk $0xffff, v0  }
0x247: {  	v0 =	vld.idx.msk [tilespmem:v7+s5+$0x0], $0xffff  }
0x248: {  	v6 =	vld.idx.msk [tilespmem:v6+s5+$0x0], $0xffff  }
0x249: {  	[tilespmem:s3+$0xFFFFFFA0] =	vst.add.f32.msk $0xffff, v1  }
0x24a: {  	[tilespmem:s3+$0xFFFFFFB0] =	vst.add.f32.msk $0xffff, v2  }
.Ltmp20:
0x24b: {  	[tilespmem:s3+$0xFFFFFFC0] =	vst.add.f32.msk $0xffff, v3;
	(pc) =	sbr.rel @p0 .LBB2_42-.Ltmp20, $4  }
0x24c: {  	[tilespmem:s3+$0xFFFFFFD0] =	vst.add.f32.msk $0xffff, v4  }
0x24d: {  	[tilespmem:s3+$0xFFFFFF90] =	vst.add.f32.msk $0xffff, v0  }
0x24e: {  	[tilespmem:s3+$0xFFFFFFE0] =	vst.add.f32.msk $0xffff, v5  }
0x24f: {  	s6 =	sadd.s32 $0x100, s6;
	[tilespmem:s3+$0xFFFFFFF0] =	vst.add.f32.msk $0xffff, v6  }
0x250: {  	s3 =	simm.s32 $0x1C780  }
0x251: {  	s4 =	simm.s32 $0x10;
	s10 =	sadd.s32 $0x0, s17;
	s6 =	simm.s32 $0x1C880  }
.LBB2_44:
0x252: {  	[tilespmem:s3], [sflag:$0x2] =	stream.linear.gather [hbm4b:s10+s5], $0x80, $0x38;
	[tilespmem:$0x1E700] =	vst v63  }
0x253: {  	s10 =	smov.u32 s4;
	s3 =	smov.u32 s6;
	p0 =	sne.s32 s4, $0x1F0  }
.Ltmp21:
0x254: {  	s4 =	sadd.s32 $0x10, s4;
	(pc) =	sbr.rel @p0 .LBB2_44-.Ltmp21, $2  }
0x255: {  	_ =	sdelay $0x2  }
0x256: {  	s6 =	sadd.s32 $0x100, s6;
	s10 =	sadd.s32 s10, s17  }
0x257: {  	[tilespmem:s3], [sflag:$0x2] =	stream.linear.gather [hbm4b:s10+s5], $0x80, $0x38;
	[tilespmem:$0x1E700] =	vst v63  }
0x258: {  	_ =	swait.ge [sflag:s28], $0x1000  }
0x259: {  	[sflag:s28] =	ssyncset.done $0x0  }
0x25a: {  	s10 =	simm.s32 $0x1C740;
	[sflag:s28] =	ssyncadd.s32 $0xFFFFF000  }
0x25b: {  	v0 =	vld [tilespmem:s10+$0x30]  }
0x25c: {  	v1 =	vld [tilespmem:s10+$0xFFFFFFD0]  }
0x25d: {  	v2 =	vld [tilespmem:s10+$0xFFFFFFE0]  }
0x25e: {  	v3 =	vld [tilespmem:s10+$0xFFFFFFF0]  }
0x25f: {  	v4 =	vld [tilespmem:s10+$0x0]  }
0x260: {  	v5 =	vld [tilespmem:s10+$0x10]  }
0x261: {  	v7 =	vld [tilespmem:s10+$0xFFFFFFC0]  }
0x262: {  	v6 =	vld [tilespmem:s10+$0x20]  }
0x263: {  	v0 =	vld.idx.msk [tilespmem:v0+s5+$0x0], $0xffff  }
0x264: {  	v1 =	vld.idx.msk [tilespmem:v1+s5+$0x0], $0xffff  }
0x265: {  	v2 =	vld.idx.msk [tilespmem:v2+s5+$0x0], $0xffff  }
0x266: {  	v3 =	vld.idx.msk [tilespmem:v3+s5+$0x0], $0xffff  }
0x267: {  	v4 =	vld.idx.msk [tilespmem:v4+s5+$0x0], $0xffff  }
0x268: {  	v5 =	vld.idx.msk [tilespmem:v5+s5+$0x0], $0xffff  }
0x269: {  	v63 =	vld.idx.msk [tilespmem:v7+s5+$0x0], $0xffff  }
0x26a: {  	s3 =	simm.s32 $0x1A770;
	v6 =	vld.idx.msk [tilespmem:v6+s5+$0x0], $0xffff  }
0x26b: {  	[tilespmem:s3+$0x0] =	vst.add.f32.msk $0xffff, v0  }
0x26c: {  	[tilespmem:s3+$0xFFFFFFA0] =	vst.add.f32.msk $0xffff, v1  }
0x26d: {  	[tilespmem:s3+$0xFFFFFFB0] =	vst.add.f32.msk $0xffff, v2  }
0x26e: {  	[tilespmem:s3+$0xFFFFFFC0] =	vst.add.f32.msk $0xffff, v3  }
0x26f: {  	[tilespmem:s3+$0xFFFFFFD0] =	vst.add.f32.msk $0xffff, v4  }
0x270: {  	[tilespmem:s3+$0xFFFFFF90] =	vst.add.f32.msk $0xffff, v63  }
0x271: {  	[tilespmem:s3+$0xFFFFFFE0] =	vst.add.f32.msk $0xffff, v5  }
0x272: {  	s4 =	simm.s32 $0x0;
	s6 =	simm.s32 $0x1C840;
	[tilespmem:s3+$0xFFFFFFF0] =	vst.add.f32.msk $0xffff, v6  }
.LBB2_46:
0x273: {  	v0 =	vld [tilespmem:s6+$0x30];
	s4 =	sadd.s32 $0x80, s4  }
0x274: {  	v1 =	vld [tilespmem:s6+$0xFFFFFFD0];
	p0 =	slt.u32 s4, $0xF80  }
0x275: {  	v2 =	vld [tilespmem:s6+$0xFFFFFFE0]  }
0x276: {  	v3 =	vld [tilespmem:s6+$0xFFFFFFF0]  }
0x277: {  	v4 =	vld [tilespmem:s6+$0x0]  }
0x278: {  	v5 =	vld [tilespmem:s6+$0x10]  }
0x279: {  	v6 =	vld [tilespmem:s6+$0x20]  }
0x27a: {  	v7 =	vld [tilespmem:s6+$0xFFFFFFC0]  }
0x27b: {  	v0 =	vld.idx.msk [tilespmem:v0+s5+$0x0], $0xffff  }
0x27c: {  	v1 =	vld.idx.msk [tilespmem:v1+s5+$0x0], $0xffff  }
0x27d: {  	v2 =	vld.idx.msk [tilespmem:v2+s5+$0x0], $0xffff  }
0x27e: {  	v3 =	vld.idx.msk [tilespmem:v3+s5+$0x0], $0xffff  }
0x27f: {  	v4 =	vld.idx.msk [tilespmem:v4+s5+$0x0], $0xffff  }
0x280: {  	s3 =	sadd.s32 $0x80, s3;
	v5 =	vld.idx.msk [tilespmem:v5+s5+$0x0], $0xffff  }
0x281: {  	[tilespmem:s3+$0x0] =	vst.add.f32.msk $0xffff, v0  }
0x282: {  	v0 =	vld.idx.msk [tilespmem:v7+s5+$0x0], $0xffff  }
0x283: {  	v6 =	vld.idx.msk [tilespmem:v6+s5+$0x0], $0xffff  }
0x284: {  	[tilespmem:s3+$0xFFFFFFA0] =	vst.add.f32.msk $0xffff, v1  }
0x285: {  	[tilespmem:s3+$0xFFFFFFB0] =	vst.add.f32.msk $0xffff, v2  }
.Ltmp22:
0x286: {  	[tilespmem:s3+$0xFFFFFFC0] =	vst.add.f32.msk $0xffff, v3;
	(pc) =	sbr.rel @p0 .LBB2_46-.Ltmp22, $4  }
0x287: {  	[tilespmem:s3+$0xFFFFFFD0] =	vst.add.f32.msk $0xffff, v4  }
0x288: {  	[tilespmem:s3+$0xFFFFFF90] =	vst.add.f32.msk $0xffff, v0  }
0x289: {  	[tilespmem:s3+$0xFFFFFFE0] =	vst.add.f32.msk $0xffff, v5  }
0x28a: {  	s6 =	sadd.s32 $0x100, s6;
	[tilespmem:s3+$0xFFFFFFF0] =	vst.add.f32.msk $0xffff, v6  }
0x28b: {  	_ =	swait.ge [sflag:s28], $0x1000  }
0x28c: {  	[sflag:s28] =	ssyncset.done $0x0  }
0x28d: {  	s3 =	simm.s32 $0x1C7F0;
	[sflag:s28] =	ssyncadd.s32 $0xFFFFF000  }
0x28e: {  	v0 =	vld [tilespmem:s3+$0x0]  }
0x28f: {  	v1 =	vld [tilespmem:s3+$0xFFFFFFA0]  }
0x290: {  	v2 =	vld [tilespmem:s3+$0xFFFFFFB0]  }
0x291: {  	v3 =	vld [tilespmem:s3+$0xFFFFFFC0]  }
0x292: {  	v4 =	vld [tilespmem:s3+$0xFFFFFFD0]  }
0x293: {  	v5 =	vld [tilespmem:s3+$0xFFFFFFE0]  }
0x294: {  	v7 =	vld [tilespmem:s3+$0xFFFFFF90]  }
0x295: {  	v6 =	vld [tilespmem:s3+$0xFFFFFFF0]  }
0x296: {  	v0 =	vld.idx.msk [tilespmem:v0+s5+$0x0], $0xffff  }
0x297: {  	v1 =	vld.idx.msk [tilespmem:v1+s5+$0x0], $0xffff  }
0x298: {  	v2 =	vld.idx.msk [tilespmem:v2+s5+$0x0], $0xffff  }
0x299: {  	v3 =	vld.idx.msk [tilespmem:v3+s5+$0x0], $0xffff  }
0x29a: {  	v4 =	vld.idx.msk [tilespmem:v4+s5+$0x0], $0xffff  }
0x29b: {  	v5 =	vld.idx.msk [tilespmem:v5+s5+$0x0], $0xffff  }
0x29c: {  	v63 =	vld.idx.msk [tilespmem:v7+s5+$0x0], $0xffff  }
0x29d: {  	s3 =	simm.s32 $0x1B770;
	v6 =	vld.idx.msk [tilespmem:v6+s5+$0x0], $0xffff  }
0x29e: {  	[tilespmem:s3+$0x0] =	vst.add.f32.msk $0xffff, v0  }
0x29f: {  	[tilespmem:s3+$0xFFFFFFA0] =	vst.add.f32.msk $0xffff, v1  }
0x2a0: {  	[tilespmem:s3+$0xFFFFFFB0] =	vst.add.f32.msk $0xffff, v2  }
0x2a1: {  	[tilespmem:s3+$0xFFFFFFC0] =	vst.add.f32.msk $0xffff, v3  }
0x2a2: {  	[tilespmem:s3+$0xFFFFFFD0] =	vst.add.f32.msk $0xffff, v4  }
0x2a3: {  	[tilespmem:s3+$0xFFFFFF90] =	vst.add.f32.msk $0xffff, v63  }
0x2a4: {  	[tilespmem:s3+$0xFFFFFFE0] =	vst.add.f32.msk $0xffff, v5  }
0x2a5: {  	s4 =	simm.s32 $0x0;
	s6 =	simm.s32 $0x1C8F0;
	[tilespmem:s3+$0xFFFFFFF0] =	vst.add.f32.msk $0xffff, v6  }
.LBB2_48:
0x2a6: {  	v0 =	vld [tilespmem:s6+$0x0];
	s4 =	sadd.s32 $0x80, s4  }
0x2a7: {  	v1 =	vld [tilespmem:s6+$0xFFFFFFA0];
	p0 =	slt.u32 s4, $0xF80  }
0x2a8: {  	v2 =	vld [tilespmem:s6+$0xFFFFFFB0]  }
0x2a9: {  	v3 =	vld [tilespmem:s6+$0xFFFFFFC0]  }
0x2aa: {  	v4 =	vld [tilespmem:s6+$0xFFFFFFD0]  }
0x2ab: {  	v5 =	vld [tilespmem:s6+$0xFFFFFFE0]  }
0x2ac: {  	v6 =	vld [tilespmem:s6+$0xFFFFFFF0]  }
0x2ad: {  	v7 =	vld [tilespmem:s6+$0xFFFFFF90]  }
0x2ae: {  	v0 =	vld.idx.msk [tilespmem:v0+s5+$0x0], $0xffff  }
0x2af: {  	v1 =	vld.idx.msk [tilespmem:v1+s5+$0x0], $0xffff  }
0x2b0: {  	v2 =	vld.idx.msk [tilespmem:v2+s5+$0x0], $0xffff  }
0x2b1: {  	v3 =	vld.idx.msk [tilespmem:v3+s5+$0x0], $0xffff  }
0x2b2: {  	v4 =	vld.idx.msk [tilespmem:v4+s5+$0x0], $0xffff  }
0x2b3: {  	s3 =	sadd.s32 $0x80, s3;
	v5 =	vld.idx.msk [tilespmem:v5+s5+$0x0], $0xffff  }
0x2b4: {  	[tilespmem:s3+$0x0] =	vst.add.f32.msk $0xffff, v0  }
0x2b5: {  	v0 =	vld.idx.msk [tilespmem:v7+s5+$0x0], $0xffff  }
0x2b6: {  	v6 =	vld.idx.msk [tilespmem:v6+s5+$0x0], $0xffff  }
0x2b7: {  	[tilespmem:s3+$0xFFFFFFA0] =	vst.add.f32.msk $0xffff, v1  }
0x2b8: {  	[tilespmem:s3+$0xFFFFFFB0] =	vst.add.f32.msk $0xffff, v2  }
.Ltmp23:
0x2b9: {  	[tilespmem:s3+$0xFFFFFFC0] =	vst.add.f32.msk $0xffff, v3;
	(pc) =	sbr.rel @p0 .LBB2_48-.Ltmp23, $4  }
0x2ba: {  	[tilespmem:s3+$0xFFFFFFD0] =	vst.add.f32.msk $0xffff, v4  }
0x2bb: {  	[tilespmem:s3+$0xFFFFFF90] =	vst.add.f32.msk $0xffff, v0  }
0x2bc: {  	[tilespmem:s3+$0xFFFFFFE0] =	vst.add.f32.msk $0xffff, v5  }
0x2bd: {  	s6 =	sadd.s32 $0x100, s6;
	[tilespmem:s3+$0xFFFFFFF0] =	vst.add.f32.msk $0xffff, v6  }
0x2be: {  	[hbm4b:s18+s24] =	stream.strided.scatter [tilespmem:s29], [sflag:$0x3], $0x4000, s25, s24, $0x38;
	[tilespmem:$0x1E700] =	vst v63  }
0x2bf: {  	_ =	swait.ge [sflag:s30], $0x4000  }
0x2c0: {  	s3 =	simm.s32 $0x0;
	[sflag:s30] =	ssyncset.done $0x0  }
0x2c1: {  	s4 =	simm.s32 $0x1C700;
	s6 =	simm.s32 $0x0;
	[sflag:s30] =	ssyncadd.s32 $0xFFFFC000  }
0x2c2: {  	[tilespmem:s3], [sflag:$0x1] =	stream.strided.gather [hbm4b:s19+s24], $0x18700, s25, s24, $0x38;
	[tilespmem:$0x1E700] =	vst v63  }
.LBB2_50:
0x2c3: {  	p0 =	sne.s32 s6, $0x1F0  }
.Ltmp24:
0x2c4: {  	_ = 	snop;
	(pc) =	sbr.rel @p0 .LBB2_50-.Ltmp24, $4  }
0x2c5: {  	_ = 	snop  }
0x2c6: {  	s10 =	sadd.s32 s6, s0  }
0x2c7: {  	[tilespmem:s4], [sflag:$0x2] =	stream.linear.gather [hbm4b:s10+s3], $0x80, $0x38;
	[tilespmem:$0x1E700] =	vst v63  }
0x2c8: {  	s6 =	sadd.s32 $0x10, s6;
	s4 =	sadd.s32 $0x100, s4  }
0x2c9: {  	s3 =	simm.s32 $0x1C780  }
0x2ca: {  	s4 =	simm.s32 $0x10;
	s10 =	sadd.s32 $0x0, s7;
	s6 =	simm.s32 $0x1C880  }
.LBB2_52:
0x2cb: {  	[tilespmem:s3], [sflag:$0x2] =	stream.linear.gather [hbm4b:s10+s5], $0x80, $0x38;
	[tilespmem:$0x1E700] =	vst v63  }
0x2cc: {  	s10 =	smov.u32 s4;
	s3 =	smov.u32 s6;
	p0 =	sne.s32 s4, $0x1F0  }
.Ltmp25:
0x2cd: {  	s4 =	sadd.s32 $0x10, s4;
	(pc) =	sbr.rel @p0 .LBB2_52-.Ltmp25, $2  }
0x2ce: {  	_ =	sdelay $0x2  }
0x2cf: {  	s6 =	sadd.s32 $0x100, s6;
	s10 =	sadd.s32 s10, s7  }
0x2d0: {  	[tilespmem:s3], [sflag:$0x2] =	stream.linear.gather [hbm4b:s10+s5], $0x80, $0x38;
	[tilespmem:$0x1E700] =	vst v63  }
0x2d1: {  	_ =	swait.ge [sflag:s26], $0x18700  }
0x2d2: {  	[sflag:s26] =	ssyncset.done $0x0  }
0x2d3: {  	[sflag:s26] =	ssyncadd.s32 $0xFFFE7900  }
0x2d4: {  	_ =	swait.ge [sflag:s28], $0x1000  }
0x2d5: {  	[sflag:s28] =	ssyncset.done $0x0  }
0x2d6: {  	s10 =	simm.s32 $0x1C740;
	[sflag:s28] =	ssyncadd.s32 $0xFFFFF000  }
0x2d7: {  	v0 =	vld [tilespmem:s10+$0x30]  }
0x2d8: {  	v1 =	vld [tilespmem:s10+$0xFFFFFFD0]  }
0x2d9: {  	v2 =	vld [tilespmem:s10+$0xFFFFFFE0]  }
0x2da: {  	v3 =	vld [tilespmem:s10+$0xFFFFFFF0]  }
0x2db: {  	v5 =	vld [tilespmem:s10+$0x0]  }
0x2dc: {  	v6 =	vld [tilespmem:s10+$0x10]  }
0x2dd: {  	v7 =	vld [tilespmem:s10+$0x20]  }
0x2de: {  	s4 =	simm.s32 $0x0;
	v8 =	vld [tilespmem:s10+$0xFFFFFFC0]  }
0x2df: {  	v9 =	vld.idx.msk [tilespmem:v0+s4+$0x0], $0xffff  }
0x2e0: {  	v10 =	vld.idx.msk [tilespmem:v1+s4+$0x0], $0xffff  }
0x2e1: {  	v4 =	vld.idx.msk [tilespmem:v2+s4+$0x0], $0xffff  }
0x2e2: {  	v3 =	vld.idx.msk [tilespmem:v3+s4+$0x0], $0xffff  }
0x2e3: {  	v0 =	vld.idx.msk [tilespmem:v5+s4+$0x0], $0xffff  }
0x2e4: {  	s3 =	simm.s32 $0x18740;
	v1 =	vld.idx.msk [tilespmem:v6+s4+$0x0], $0xffff  }
0x2e5: {  	v2 =	vld.idx.msk [tilespmem:v7+s4+$0x0], $0xffff;
	[tilespmem:s3+$0x30] =	vst v9  }
0x2e6: {  	s6 =	simm.s32 $0x0;
	s29 =	simm.s32 $0x1C840;
	v5 =	vld.idx.msk [tilespmem:v8+s4+$0x0], $0xffff;
	[tilespmem:s3+$0xFFFFFFD0] =	vst v10  }
.LBB2_54:
0x2e7: {  	v6 =	vld [tilespmem:s29+$0x30];
	s6 =	sadd.s32 $0x80, s6;
	[tilespmem:s3+$0xFFFFFFE0] =	vst v4  }
0x2e8: {  	v4 =	vld [tilespmem:s29+$0xFFFFFFD0];
	p0 =	slt.u32 s6, $0xF80;
	[tilespmem:s3+$0xFFFFFFF0] =	vst v3  }
0x2e9: {  	v3 =	vld [tilespmem:s29+$0xFFFFFFE0];
	[tilespmem:s3+$0x0] =	vst v0  }
0x2ea: {  	v0 =	vld [tilespmem:s29+$0xFFFFFFF0];
	[tilespmem:s3+$0x10] =	vst v1  }
0x2eb: {  	v1 =	vld [tilespmem:s29+$0x0];
	[tilespmem:s3+$0x20] =	vst v2  }
0x2ec: {  	v2 =	vld [tilespmem:s29+$0x10];
	[tilespmem:s3+$0xFFFFFFC0] =	vst v5  }
0x2ed: {  	v5 =	vld [tilespmem:s29+$0x20]  }
0x2ee: {  	v7 =	vld [tilespmem:s29+$0xFFFFFFC0]  }
0x2ef: {  	v6 =	vld.idx.msk [tilespmem:v6+s4+$0x0], $0xffff  }
0x2f0: {  	v8 =	vld.idx.msk [tilespmem:v4+s4+$0x0], $0xffff  }
0x2f1: {  	v4 =	vld.idx.msk [tilespmem:v3+s4+$0x0], $0xffff  }
.Ltmp26:
0x2f2: {  	v3 =	vld.idx.msk [tilespmem:v0+s4+$0x0], $0xffff;
	(pc) =	sbr.rel @p0 .LBB2_54-.Ltmp26, $4  }
0x2f3: {  	v0 =	vld.idx.msk [tilespmem:v1+s4+$0x0], $0xffff  }
0x2f4: {  	s3 =	sadd.s32 $0x80, s3;
	v1 =	vld.idx.msk [tilespmem:v2+s4+$0x0], $0xffff  }
0x2f5: {  	s10 =	simm.s32 $0x1C700;
	v2 =	vld.idx.msk [tilespmem:v5+s4+$0x0], $0xffff;
	[tilespmem:s3+$0x30] =	vst v6  }
0x2f6: {  	s29 =	sadd.s32 $0x100, s29;
	v5 =	vld.idx.msk [tilespmem:v7+s4+$0x0], $0xffff;
	[tilespmem:s3+$0xFFFFFFD0] =	vst v8  }
0x2f7: {  	[tilespmem:s3+$0xFFFFFFE0] =	vst v4  }
0x2f8: {  	[tilespmem:s3+$0xFFFFFFF0] =	vst v3  }
0x2f9: {  	[tilespmem:s3+$0x0] =	vst v0  }
0x2fa: {  	[tilespmem:s3+$0x10] =	vst v1  }
0x2fb: {  	[tilespmem:s3+$0x20] =	vst v2  }
0x2fc: {  	s6 =	sadd.s32 $0x0, s8;
	s4 =	simm.s32 $0x1C800;
	[tilespmem:s3+$0xFFFFFFC0] =	vst v5;
	s3 =	simm.s32 $0x10  }
.LBB2_56:
0x2fd: {  	[tilespmem:s10], [sflag:$0x2] =	stream.linear.gather [hbm4b:s6+s5], $0x80, $0x38;
	[tilespmem:$0x1E700] =	vst v63  }
0x2fe: {  	s6 =	smov.u32 s3;
	s10 =	smov.u32 s4;
	p0 =	sne.s32 s3, $0x1F0  }
.Ltmp27:
0x2ff: {  	s3 =	sadd.s32 $0x10, s3;
	(pc) =	sbr.rel @p0 .LBB2_56-.Ltmp27, $2  }
0x300: {  	_ =	sdelay $0x2  }
0x301: {  	s4 =	sadd.s32 $0x100, s4;
	s6 =	sadd.s32 s6, s8  }
0x302: {  	[tilespmem:s10], [sflag:$0x2] =	stream.linear.gather [hbm4b:s6+s5], $0x80, $0x38;
	[tilespmem:$0x1E700] =	vst v63  }
0x303: {  	_ =	swait.ge [sflag:s28], $0x1000  }
0x304: {  	[sflag:s28] =	ssyncset.done $0x0  }
0x305: {  	s3 =	simm.s32 $0x1C7F0;
	[sflag:s28] =	ssyncadd.s32 $0xFFFFF000  }
0x306: {  	v0 =	vld [tilespmem:s3+$0x0]  }
0x307: {  	v1 =	vld [tilespmem:s3+$0xFFFFFFA0]  }
0x308: {  	v2 =	vld [tilespmem:s3+$0xFFFFFFB0]  }
0x309: {  	v3 =	vld [tilespmem:s3+$0xFFFFFFC0]  }
0x30a: {  	v5 =	vld [tilespmem:s3+$0xFFFFFFD0]  }
0x30b: {  	v6 =	vld [tilespmem:s3+$0xFFFFFFE0]  }
0x30c: {  	v7 =	vld [tilespmem:s3+$0xFFFFFFF0]  }
0x30d: {  	s4 =	simm.s32 $0x0;
	v8 =	vld [tilespmem:s3+$0xFFFFFF90]  }
0x30e: {  	v9 =	vld.idx.msk [tilespmem:v0+s4+$0x0], $0xffff  }
0x30f: {  	v10 =	vld.idx.msk [tilespmem:v1+s4+$0x0], $0xffff  }
0x310: {  	v4 =	vld.idx.msk [tilespmem:v2+s4+$0x0], $0xffff  }
0x311: {  	v3 =	vld.idx.msk [tilespmem:v3+s4+$0x0], $0xffff  }
0x312: {  	v0 =	vld.idx.msk [tilespmem:v5+s4+$0x0], $0xffff  }
0x313: {  	s3 =	simm.s32 $0x19770;
	v1 =	vld.idx.msk [tilespmem:v6+s4+$0x0], $0xffff  }
0x314: {  	v2 =	vld.idx.msk [tilespmem:v7+s4+$0x0], $0xffff;
	[tilespmem:s3+$0x0] =	vst v9  }
0x315: {  	s6 =	simm.s32 $0x0;
	s29 =	simm.s32 $0x1C8F0;
	v5 =	vld.idx.msk [tilespmem:v8+s4+$0x0], $0xffff;
	[tilespmem:s3+$0xFFFFFFA0] =	vst v10  }
.LBB2_58:
0x316: {  	v6 =	vld [tilespmem:s29+$0x0];
	s6 =	sadd.s32 $0x80, s6;
	[tilespmem:s3+$0xFFFFFFB0] =	vst v4  }
0x317: {  	v4 =	vld [tilespmem:s29+$0xFFFFFFA0];
	p0 =	slt.u32 s6, $0xF80;
	[tilespmem:s3+$0xFFFFFFC0] =	vst v3  }
0x318: {  	v3 =	vld [tilespmem:s29+$0xFFFFFFB0];
	[tilespmem:s3+$0xFFFFFFD0] =	vst v0  }
0x319: {  	v0 =	vld [tilespmem:s29+$0xFFFFFFC0];
	[tilespmem:s3+$0xFFFFFFE0] =	vst v1  }
0x31a: {  	v1 =	vld [tilespmem:s29+$0xFFFFFFD0];
	[tilespmem:s3+$0xFFFFFFF0] =	vst v2  }
0x31b: {  	v2 =	vld [tilespmem:s29+$0xFFFFFFE0];
	[tilespmem:s3+$0xFFFFFF90] =	vst v5  }
0x31c: {  	v5 =	vld [tilespmem:s29+$0xFFFFFFF0]  }
0x31d: {  	v7 =	vld [tilespmem:s29+$0xFFFFFF90]  }
0x31e: {  	v6 =	vld.idx.msk [tilespmem:v6+s4+$0x0], $0xffff  }
0x31f: {  	v8 =	vld.idx.msk [tilespmem:v4+s4+$0x0], $0xffff  }
0x320: {  	v4 =	vld.idx.msk [tilespmem:v3+s4+$0x0], $0xffff  }
.Ltmp28:
0x321: {  	v3 =	vld.idx.msk [tilespmem:v0+s4+$0x0], $0xffff;
	(pc) =	sbr.rel @p0 .LBB2_58-.Ltmp28, $4  }
0x322: {  	v0 =	vld.idx.msk [tilespmem:v1+s4+$0x0], $0xffff  }
0x323: {  	s3 =	sadd.s32 $0x80, s3;
	v1 =	vld.idx.msk [tilespmem:v2+s4+$0x0], $0xffff  }
0x324: {  	s10 =	simm.s32 $0x1C780;
	v2 =	vld.idx.msk [tilespmem:v5+s4+$0x0], $0xffff;
	[tilespmem:s3+$0x0] =	vst v6  }
0x325: {  	s29 =	sadd.s32 $0x100, s29;
	v5 =	vld.idx.msk [tilespmem:v7+s4+$0x0], $0xffff;
	[tilespmem:s3+$0xFFFFFFA0] =	vst v8  }
0x326: {  	[tilespmem:s3+$0xFFFFFFB0] =	vst v4  }
0x327: {  	[tilespmem:s3+$0xFFFFFFC0] =	vst v3  }
0x328: {  	[tilespmem:s3+$0xFFFFFFD0] =	vst v0  }
0x329: {  	[tilespmem:s3+$0xFFFFFFE0] =	vst v1  }
0x32a: {  	[tilespmem:s3+$0xFFFFFFF0] =	vst v2  }
0x32b: {  	s6 =	sadd.s32 $0x0, s9;
	s4 =	simm.s32 $0x1C880;
	[tilespmem:s3+$0xFFFFFF90] =	vst v5;
	s3 =	simm.s32 $0x10  }
.LBB2_60:
0x32c: {  	[tilespmem:s10], [sflag:$0x2] =	stream.linear.gather [hbm4b:s6+s5], $0x80, $0x38;
	[tilespmem:$0x1E700] =	vst v63  }
0x32d: {  	s6 =	smov.u32 s3;
	s10 =	smov.u32 s4;
	p0 =	sne.s32 s3, $0x1F0  }
.Ltmp29:
0x32e: {  	s3 =	sadd.s32 $0x10, s3;
	(pc) =	sbr.rel @p0 .LBB2_60-.Ltmp29, $2  }
0x32f: {  	_ =	sdelay $0x2  }
0x330: {  	s4 =	sadd.s32 $0x100, s4;
	s6 =	sadd.s32 s6, s9  }
0x331: {  	[tilespmem:s10], [sflag:$0x2] =	stream.linear.gather [hbm4b:s6+s5], $0x80, $0x38;
	[tilespmem:$0x1E700] =	vst v63  }
0x332: {  	_ =	swait.ge [sflag:s28], $0x1000  }
0x333: {  	[sflag:s28] =	ssyncset.done $0x0  }
0x334: {  	s3 =	simm.s32 $0x1C740;
	[sflag:s28] =	ssyncadd.s32 $0xFFFFF000  }
0x335: {  	v0 =	vld [tilespmem:s3+$0x30]  }
0x336: {  	v1 =	vld [tilespmem:s3+$0xFFFFFFD0]  }
0x337: {  	v2 =	vld [tilespmem:s3+$0xFFFFFFE0]  }
0x338: {  	v3 =	vld [tilespmem:s3+$0xFFFFFFF0]  }
0x339: {  	v4 =	vld [tilespmem:s3+$0x0]  }
0x33a: {  	v6 =	vld [tilespmem:s3+$0x10]  }
0x33b: {  	v7 =	vld [tilespmem:s3+$0x20]  }
0x33c: {  	v8 =	vld [tilespmem:s3+$0xFFFFFFC0]  }
0x33d: {  	v9 =	vld.idx.msk [tilespmem:v0+s5+$0x0], $0xffff  }
0x33e: {  	v10 =	vld.idx.msk [tilespmem:v1+s5+$0x0], $0xffff  }
0x33f: {  	v5 =	vld.idx.msk [tilespmem:v2+s5+$0x0], $0xffff  }
0x340: {  	v3 =	vld.idx.msk [tilespmem:v3+s5+$0x0], $0xffff  }
0x341: {  	v0 =	vld.idx.msk [tilespmem:v4+s5+$0x0], $0xffff  }
0x342: {  	s3 =	simm.s32 $0x1A770;
	v1 =	vld.idx.msk [tilespmem:v6+s5+$0x0], $0xffff  }
0x343: {  	v2 =	vld.idx.msk [tilespmem:v7+s5+$0x0], $0xffff;
	[tilespmem:s3+$0x0] =	vst v9  }
0x344: {  	s4 =	simm.s32 $0x0;
	s6 =	simm.s32 $0x1C840;
	v4 =	vld.idx.msk [tilespmem:v8+s5+$0x0], $0xffff;
	[tilespmem:s3+$0xFFFFFFA0] =	vst v10  }
.LBB2_62:
0x345: {  	v6 =	vld [tilespmem:s6+$0x30];
	s4 =	sadd.s32 $0x80, s4;
	[tilespmem:s3+$0xFFFFFFB0] =	vst v5  }
0x346: {  	v5 =	vld [tilespmem:s6+$0xFFFFFFD0];
	p0 =	slt.u32 s4, $0xF80;
	[tilespmem:s3+$0xFFFFFFC0] =	vst v3  }
0x347: {  	v3 =	vld [tilespmem:s6+$0xFFFFFFE0];
	[tilespmem:s3+$0xFFFFFFD0] =	vst v0  }
0x348: {  	v0 =	vld [tilespmem:s6+$0xFFFFFFF0];
	[tilespmem:s3+$0xFFFFFFE0] =	vst v1  }
0x349: {  	v1 =	vld [tilespmem:s6+$0x0];
	[tilespmem:s3+$0xFFFFFFF0] =	vst v2  }
0x34a: {  	v2 =	vld [tilespmem:s6+$0x10];
	[tilespmem:s3+$0xFFFFFF90] =	vst v4  }
0x34b: {  	v4 =	vld [tilespmem:s6+$0x20]  }
0x34c: {  	v7 =	vld [tilespmem:s6+$0xFFFFFFC0]  }
0x34d: {  	v6 =	vld.idx.msk [tilespmem:v6+s5+$0x0], $0xffff  }
0x34e: {  	v8 =	vld.idx.msk [tilespmem:v5+s5+$0x0], $0xffff  }
0x34f: {  	v5 =	vld.idx.msk [tilespmem:v3+s5+$0x0], $0xffff  }
.Ltmp30:
0x350: {  	v3 =	vld.idx.msk [tilespmem:v0+s5+$0x0], $0xffff;
	(pc) =	sbr.rel @p0 .LBB2_62-.Ltmp30, $4  }
0x351: {  	v0 =	vld.idx.msk [tilespmem:v1+s5+$0x0], $0xffff  }
0x352: {  	s3 =	sadd.s32 $0x80, s3;
	v1 =	vld.idx.msk [tilespmem:v2+s5+$0x0], $0xffff  }
0x353: {  	v2 =	vld.idx.msk [tilespmem:v4+s5+$0x0], $0xffff;
	[tilespmem:s3+$0x0] =	vst v6  }
0x354: {  	s6 =	sadd.s32 $0x100, s6;
	v4 =	vld.idx.msk [tilespmem:v7+s5+$0x0], $0xffff;
	[tilespmem:s3+$0xFFFFFFA0] =	vst v8  }
0x355: {  	[tilespmem:s3+$0xFFFFFFB0] =	vst v5  }
0x356: {  	[tilespmem:s3+$0xFFFFFFC0] =	vst v3  }
0x357: {  	[tilespmem:s3+$0xFFFFFFD0] =	vst v0  }
0x358: {  	[tilespmem:s3+$0xFFFFFFE0] =	vst v1  }
0x359: {  	[tilespmem:s3+$0xFFFFFFF0] =	vst v2  }
0x35a: {  	[tilespmem:s3+$0xFFFFFF90] =	vst v4  }
0x35b: {  	_ =	swait.ge [sflag:s28], $0x1000  }
0x35c: {  	[sflag:s28] =	ssyncset.done $0x0  }
0x35d: {  	s29 =	simm.s32 $0x1C7F0;
	[sflag:s28] =	ssyncadd.s32 $0xFFFFF000  }
0x35e: {  	v0 =	vld [tilespmem:s29+$0x0]  }
0x35f: {  	v1 =	vld [tilespmem:s29+$0xFFFFFFA0]  }
0x360: {  	v2 =	vld [tilespmem:s29+$0xFFFFFFB0]  }
0x361: {  	v3 =	vld [tilespmem:s29+$0xFFFFFFC0]  }
0x362: {  	v4 =	vld [tilespmem:s29+$0xFFFFFFD0]  }
0x363: {  	v6 =	vld [tilespmem:s29+$0xFFFFFFE0]  }
0x364: {  	v7 =	vld [tilespmem:s29+$0xFFFFFFF0]  }
0x365: {  	v8 =	vld [tilespmem:s29+$0xFFFFFF90]  }
0x366: {  	v9 =	vld.idx.msk [tilespmem:v0+s5+$0x0], $0xffff  }
0x367: {  	v10 =	vld.idx.msk [tilespmem:v1+s5+$0x0], $0xffff  }
0x368: {  	v5 =	vld.idx.msk [tilespmem:v2+s5+$0x0], $0xffff  }
0x369: {  	v3 =	vld.idx.msk [tilespmem:v3+s5+$0x0], $0xffff  }
0x36a: {  	v0 =	vld.idx.msk [tilespmem:v4+s5+$0x0], $0xffff  }
0x36b: {  	s3 =	simm.s32 $0x1B770;
	v1 =	vld.idx.msk [tilespmem:v6+s5+$0x0], $0xffff  }
0x36c: {  	v2 =	vld.idx.msk [tilespmem:v7+s5+$0x0], $0xffff;
	[tilespmem:s3+$0x0] =	vst v9  }
0x36d: {  	s4 =	simm.s32 $0x0;
	s6 =	simm.s32 $0x1C8F0;
	v4 =	vld.idx.msk [tilespmem:v8+s5+$0x0], $0xffff;
	[tilespmem:s3+$0xFFFFFFA0] =	vst v10  }
.LBB2_64:
0x36e: {  	v6 =	vld [tilespmem:s6+$0x0];
	s4 =	sadd.s32 $0x80, s4;
	[tilespmem:s3+$0xFFFFFFB0] =	vst v5  }
0x36f: {  	v5 =	vld [tilespmem:s6+$0xFFFFFFA0];
	p0 =	slt.u32 s4, $0xF80;
	[tilespmem:s3+$0xFFFFFFC0] =	vst v3  }
0x370: {  	v3 =	vld [tilespmem:s6+$0xFFFFFFB0];
	[tilespmem:s3+$0xFFFFFFD0] =	vst v0  }
0x371: {  	v0 =	vld [tilespmem:s6+$0xFFFFFFC0];
	[tilespmem:s3+$0xFFFFFFE0] =	vst v1  }
0x372: {  	v1 =	vld [tilespmem:s6+$0xFFFFFFD0];
	[tilespmem:s3+$0xFFFFFFF0] =	vst v2  }
0x373: {  	v2 =	vld [tilespmem:s6+$0xFFFFFFE0];
	[tilespmem:s3+$0xFFFFFF90] =	vst v4  }
0x374: {  	v4 =	vld [tilespmem:s6+$0xFFFFFFF0]  }
0x375: {  	v7 =	vld [tilespmem:s6+$0xFFFFFF90]  }
0x376: {  	v6 =	vld.idx.msk [tilespmem:v6+s5+$0x0], $0xffff  }
0x377: {  	v8 =	vld.idx.msk [tilespmem:v5+s5+$0x0], $0xffff  }
0x378: {  	v5 =	vld.idx.msk [tilespmem:v3+s5+$0x0], $0xffff  }
.Ltmp31:
0x379: {  	v3 =	vld.idx.msk [tilespmem:v0+s5+$0x0], $0xffff;
	(pc) =	sbr.rel @p0 .LBB2_64-.Ltmp31, $4  }
0x37a: {  	v0 =	vld.idx.msk [tilespmem:v1+s5+$0x0], $0xffff  }
0x37b: {  	s3 =	sadd.s32 $0x80, s3;
	v1 =	vld.idx.msk [tilespmem:v2+s5+$0x0], $0xffff  }
0x37c: {  	v2 =	vld.idx.msk [tilespmem:v4+s5+$0x0], $0xffff;
	[tilespmem:s3+$0x0] =	vst v6  }
0x37d: {  	s6 =	sadd.s32 $0x100, s6;
	v4 =	vld.idx.msk [tilespmem:v7+s5+$0x0], $0xffff;
	[tilespmem:s3+$0xFFFFFFA0] =	vst v8  }
0x37e: {  	[tilespmem:s3+$0xFFFFFFB0] =	vst v5  }
0x37f: {  	[tilespmem:s3+$0xFFFFFFC0] =	vst v3  }
0x380: {  	[tilespmem:s3+$0xFFFFFFD0] =	vst v0  }
0x381: {  	[tilespmem:s3+$0xFFFFFFE0] =	vst v1  }
0x382: {  	[tilespmem:s3+$0xFFFFFFF0] =	vst v2  }
0x383: {  	s4 =	simm.s32 $0x1C700;
	s6 =	simm.s32 $0x0;
	[tilespmem:s3+$0xFFFFFF90] =	vst v4;
	s3 =	simm.s32 $0x0  }
0x384: {  	[tilespmem:s3], [sflag:$0x1] =	stream.strided.gather [hbm4b:s20+s24], $0x18700, s25, s24, $0x38;
	[tilespmem:$0x1E700] =	vst v63  }
.LBB2_66:
0x385: {  	p0 =	sne.s32 s6, $0x1F0  }
.Ltmp32:
0x386: {  	_ = 	snop;
	(pc) =	sbr.rel @p0 .LBB2_66-.Ltmp32, $4  }
0x387: {  	_ = 	snop  }
0x388: {  	s10 =	sadd.s32 s6, s1  }
0x389: {  	[tilespmem:s4], [sflag:$0x2] =	stream.linear.gather [hbm4b:s10+s3], $0x80, $0x38;
	[tilespmem:$0x1E700] =	vst v63  }
0x38a: {  	s6 =	sadd.s32 $0x10, s6;
	s4 =	sadd.s32 $0x100, s4  }
0x38b: {  	s3 =	simm.s32 $0x1C780  }
0x38c: {  	s4 =	simm.s32 $0x10;
	s10 =	sadd.s32 $0x0, s11;
	s6 =	simm.s32 $0x1C880  }
.LBB2_68:
0x38d: {  	[tilespmem:s3], [sflag:$0x2] =	stream.linear.gather [hbm4b:s10+s5], $0x80, $0x38;
	[tilespmem:$0x1E700] =	vst v63  }
0x38e: {  	s10 =	smov.u32 s4;
	s3 =	smov.u32 s6;
	p0 =	sne.s32 s4, $0x1F0  }
.Ltmp33:
0x38f: {  	s4 =	sadd.s32 $0x10, s4;
	(pc) =	sbr.rel @p0 .LBB2_68-.Ltmp33, $2  }
0x390: {  	_ =	sdelay $0x2  }
0x391: {  	s6 =	sadd.s32 $0x100, s6;
	s10 =	sadd.s32 s10, s11  }
0x392: {  	[tilespmem:s3], [sflag:$0x2] =	stream.linear.gather [hbm4b:s10+s5], $0x80, $0x38;
	[tilespmem:$0x1E700] =	vst v63  }
0x393: {  	_ =	swait.ge [sflag:s26], $0x18700  }
0x394: {  	[sflag:s26] =	ssyncset.done $0x0  }
0x395: {  	[sflag:s26] =	ssyncadd.s32 $0xFFFE7900  }
0x396: {  	_ =	swait.ge [sflag:s28], $0x1000  }
0x397: {  	[sflag:s28] =	ssyncset.done $0x0  }
0x398: {  	s10 =	simm.s32 $0x1C740;
	[sflag:s28] =	ssyncadd.s32 $0xFFFFF000  }
0x399: {  	v0 =	vld [tilespmem:s10+$0x30]  }
0x39a: {  	v1 =	vld [tilespmem:s10+$0xFFFFFFD0]  }
0x39b: {  	v2 =	vld [tilespmem:s10+$0xFFFFFFE0]  }
0x39c: {  	v3 =	vld [tilespmem:s10+$0xFFFFFFF0]  }
0x39d: {  	v4 =	vld [tilespmem:s10+$0x0]  }
0x39e: {  	v5 =	vld [tilespmem:s10+$0x10]  }
0x39f: {  	v7 =	vld [tilespmem:s10+$0xFFFFFFC0]  }
0x3a0: {  	s4 =	simm.s32 $0x0;
	v6 =	vld [tilespmem:s10+$0x20]  }
0x3a1: {  	v0 =	vld.idx.msk [tilespmem:v0+s4+$0x0], $0xffff  }
0x3a2: {  	v1 =	vld.idx.msk [tilespmem:v1+s4+$0x0], $0xffff  }
0x3a3: {  	v2 =	vld.idx.msk [tilespmem:v2+s4+$0x0], $0xffff  }
0x3a4: {  	v3 =	vld.idx.msk [tilespmem:v3+s4+$0x0], $0xffff  }
0x3a5: {  	v4 =	vld.idx.msk [tilespmem:v4+s4+$0x0], $0xffff  }
0x3a6: {  	v5 =	vld.idx.msk [tilespmem:v5+s4+$0x0], $0xffff  }
0x3a7: {  	v63 =	vld.idx.msk [tilespmem:v7+s4+$0x0], $0xffff  }
0x3a8: {  	s3 =	simm.s32 $0x18770;
	v6 =	vld.idx.msk [tilespmem:v6+s4+$0x0], $0xffff  }
0x3a9: {  	[tilespmem:s3+$0x0] =	vst.add.f32.msk $0xffff, v0  }
0x3aa: {  	[tilespmem:s3+$0xFFFFFFA0] =	vst.add.f32.msk $0xffff, v1  }
0x3ab: {  	[tilespmem:s3+$0xFFFFFFB0] =	vst.add.f32.msk $0xffff, v2  }
0x3ac: {  	[tilespmem:s3+$0xFFFFFFC0] =	vst.add.f32.msk $0xffff, v3  }
0x3ad: {  	[tilespmem:s3+$0xFFFFFFD0] =	vst.add.f32.msk $0xffff, v4  }
0x3ae: {  	[tilespmem:s3+$0xFFFFFF90] =	vst.add.f32.msk $0xffff, v63  }
0x3af: {  	[tilespmem:s3+$0xFFFFFFE0] =	vst.add.f32.msk $0xffff, v5  }
0x3b0: {  	s29 =	simm.s32 $0x0;
	s6 =	simm.s32 $0x1C840;
	[tilespmem:s3+$0xFFFFFFF0] =	vst.add.f32.msk $0xffff, v6  }
.LBB2_70:
0x3b1: {  	v0 =	vld [tilespmem:s6+$0x30];
	s29 =	sadd.s32 $0x80, s29  }
0x3b2: {  	v1 =	vld [tilespmem:s6+$0xFFFFFFD0];
	p0 =	slt.u32 s29, $0xF80  }
0x3b3: {  	v2 =	vld [tilespmem:s6+$0xFFFFFFE0]  }
0x3b4: {  	v3 =	vld [tilespmem:s6+$0xFFFFFFF0]  }
0x3b5: {  	v4 =	vld [tilespmem:s6+$0x0]  }
0x3b6: {  	v5 =	vld [tilespmem:s6+$0x10]  }
0x3b7: {  	v6 =	vld [tilespmem:s6+$0x20]  }
0x3b8: {  	v7 =	vld [tilespmem:s6+$0xFFFFFFC0]  }
0x3b9: {  	v0 =	vld.idx.msk [tilespmem:v0+s4+$0x0], $0xffff  }
0x3ba: {  	v1 =	vld.idx.msk [tilespmem:v1+s4+$0x0], $0xffff  }
0x3bb: {  	v2 =	vld.idx.msk [tilespmem:v2+s4+$0x0], $0xffff  }
0x3bc: {  	v3 =	vld.idx.msk [tilespmem:v3+s4+$0x0], $0xffff  }
0x3bd: {  	v4 =	vld.idx.msk [tilespmem:v4+s4+$0x0], $0xffff  }
0x3be: {  	s3 =	sadd.s32 $0x80, s3;
	v5 =	vld.idx.msk [tilespmem:v5+s4+$0x0], $0xffff  }
0x3bf: {  	s10 =	simm.s32 $0x1C700;
	[tilespmem:s3+$0x0] =	vst.add.f32.msk $0xffff, v0  }
0x3c0: {  	v0 =	vld.idx.msk [tilespmem:v7+s4+$0x0], $0xffff  }
0x3c1: {  	v6 =	vld.idx.msk [tilespmem:v6+s4+$0x0], $0xffff  }
0x3c2: {  	[tilespmem:s3+$0xFFFFFFA0] =	vst.add.f32.msk $0xffff, v1  }
0x3c3: {  	[tilespmem:s3+$0xFFFFFFB0] =	vst.add.f32.msk $0xffff, v2  }
.Ltmp34:
0x3c4: {  	[tilespmem:s3+$0xFFFFFFC0] =	vst.add.f32.msk $0xffff, v3;
	(pc) =	sbr.rel @p0 .LBB2_70-.Ltmp34, $4  }
0x3c5: {  	[tilespmem:s3+$0xFFFFFFD0] =	vst.add.f32.msk $0xffff, v4  }
0x3c6: {  	[tilespmem:s3+$0xFFFFFF90] =	vst.add.f32.msk $0xffff, v0  }
0x3c7: {  	[tilespmem:s3+$0xFFFFFFE0] =	vst.add.f32.msk $0xffff, v5  }
0x3c8: {  	s6 =	sadd.s32 $0x100, s6;
	[tilespmem:s3+$0xFFFFFFF0] =	vst.add.f32.msk $0xffff, v6  }
0x3c9: {  	s3 =	simm.s32 $0x10;
	s6 =	sadd.s32 $0x0, s12;
	s4 =	simm.s32 $0x1C800  }
.LBB2_72:
0x3ca: {  	[tilespmem:s10], [sflag:$0x2] =	stream.linear.gather [hbm4b:s6+s5], $0x80, $0x38;
	[tilespmem:$0x1E700] =	vst v63  }
0x3cb: {  	s6 =	smov.u32 s3;
	s10 =	smov.u32 s4;
	p0 =	sne.s32 s3, $0x1F0  }
.Ltmp35:
0x3cc: {  	s3 =	sadd.s32 $0x10, s3;
	(pc) =	sbr.rel @p0 .LBB2_72-.Ltmp35, $2  }
0x3cd: {  	_ =	sdelay $0x2  }
0x3ce: {  	s4 =	sadd.s32 $0x100, s4;
	s6 =	sadd.s32 s6, s12  }
0x3cf: {  	[tilespmem:s10], [sflag:$0x2] =	stream.linear.gather [hbm4b:s6+s5], $0x80, $0x38;
	[tilespmem:$0x1E700] =	vst v63  }
0x3d0: {  	_ =	swait.ge [sflag:s28], $0x1000  }
0x3d1: {  	[sflag:s28] =	ssyncset.done $0x0  }
0x3d2: {  	s3 =	simm.s32 $0x1C7F0;
	[sflag:s28] =	ssyncadd.s32 $0xFFFFF000  }
0x3d3: {  	v0 =	vld [tilespmem:s3+$0x0]  }
0x3d4: {  	v1 =	vld [tilespmem:s3+$0xFFFFFFA0]  }
0x3d5: {  	v2 =	vld [tilespmem:s3+$0xFFFFFFB0]  }
0x3d6: {  	v3 =	vld [tilespmem:s3+$0xFFFFFFC0]  }
0x3d7: {  	v4 =	vld [tilespmem:s3+$0xFFFFFFD0]  }
0x3d8: {  	v5 =	vld [tilespmem:s3+$0xFFFFFFE0]  }
0x3d9: {  	v7 =	vld [tilespmem:s3+$0xFFFFFF90]  }
0x3da: {  	s4 =	simm.s32 $0x0;
	v6 =	vld [tilespmem:s3+$0xFFFFFFF0]  }
0x3db: {  	v0 =	vld.idx.msk [tilespmem:v0+s4+$0x0], $0xffff  }
0x3dc: {  	v1 =	vld.idx.msk [tilespmem:v1+s4+$0x0], $0xffff  }
0x3dd: {  	v2 =	vld.idx.msk [tilespmem:v2+s4+$0x0], $0xffff  }
0x3de: {  	v3 =	vld.idx.msk [tilespmem:v3+s4+$0x0], $0xffff  }
0x3df: {  	v4 =	vld.idx.msk [tilespmem:v4+s4+$0x0], $0xffff  }
0x3e0: {  	v5 =	vld.idx.msk [tilespmem:v5+s4+$0x0], $0xffff  }
0x3e1: {  	v63 =	vld.idx.msk [tilespmem:v7+s4+$0x0], $0xffff  }
0x3e2: {  	s3 =	simm.s32 $0x19770;
	v6 =	vld.idx.msk [tilespmem:v6+s4+$0x0], $0xffff  }
0x3e3: {  	[tilespmem:s3+$0x0] =	vst.add.f32.msk $0xffff, v0  }
0x3e4: {  	[tilespmem:s3+$0xFFFFFFA0] =	vst.add.f32.msk $0xffff, v1  }
0x3e5: {  	[tilespmem:s3+$0xFFFFFFB0] =	vst.add.f32.msk $0xffff, v2  }
0x3e6: {  	[tilespmem:s3+$0xFFFFFFC0] =	vst.add.f32.msk $0xffff, v3  }
0x3e7: {  	[tilespmem:s3+$0xFFFFFFD0] =	vst.add.f32.msk $0xffff, v4  }
0x3e8: {  	[tilespmem:s3+$0xFFFFFF90] =	vst.add.f32.msk $0xffff, v63  }
0x3e9: {  	[tilespmem:s3+$0xFFFFFFE0] =	vst.add.f32.msk $0xffff, v5  }
0x3ea: {  	s29 =	simm.s32 $0x0;
	s6 =	simm.s32 $0x1C8F0;
	[tilespmem:s3+$0xFFFFFFF0] =	vst.add.f32.msk $0xffff, v6  }
.LBB2_74:
0x3eb: {  	v0 =	vld [tilespmem:s6+$0x0];
	s29 =	sadd.s32 $0x80, s29  }
0x3ec: {  	v1 =	vld [tilespmem:s6+$0xFFFFFFA0];
	p0 =	slt.u32 s29, $0xF80  }
0x3ed: {  	v2 =	vld [tilespmem:s6+$0xFFFFFFB0]  }
0x3ee: {  	v3 =	vld [tilespmem:s6+$0xFFFFFFC0]  }
0x3ef: {  	v4 =	vld [tilespmem:s6+$0xFFFFFFD0]  }
0x3f0: {  	v5 =	vld [tilespmem:s6+$0xFFFFFFE0]  }
0x3f1: {  	v6 =	vld [tilespmem:s6+$0xFFFFFFF0]  }
0x3f2: {  	v7 =	vld [tilespmem:s6+$0xFFFFFF90]  }
0x3f3: {  	v0 =	vld.idx.msk [tilespmem:v0+s4+$0x0], $0xffff  }
0x3f4: {  	v1 =	vld.idx.msk [tilespmem:v1+s4+$0x0], $0xffff  }
0x3f5: {  	v2 =	vld.idx.msk [tilespmem:v2+s4+$0x0], $0xffff  }
0x3f6: {  	v3 =	vld.idx.msk [tilespmem:v3+s4+$0x0], $0xffff  }
0x3f7: {  	v4 =	vld.idx.msk [tilespmem:v4+s4+$0x0], $0xffff  }
0x3f8: {  	s3 =	sadd.s32 $0x80, s3;
	v5 =	vld.idx.msk [tilespmem:v5+s4+$0x0], $0xffff  }
0x3f9: {  	s10 =	simm.s32 $0x1C780;
	[tilespmem:s3+$0x0] =	vst.add.f32.msk $0xffff, v0  }
0x3fa: {  	v0 =	vld.idx.msk [tilespmem:v7+s4+$0x0], $0xffff  }
0x3fb: {  	v6 =	vld.idx.msk [tilespmem:v6+s4+$0x0], $0xffff  }
0x3fc: {  	[tilespmem:s3+$0xFFFFFFA0] =	vst.add.f32.msk $0xffff, v1  }
0x3fd: {  	[tilespmem:s3+$0xFFFFFFB0] =	vst.add.f32.msk $0xffff, v2  }
.Ltmp36:
0x3fe: {  	[tilespmem:s3+$0xFFFFFFC0] =	vst.add.f32.msk $0xffff, v3;
	(pc) =	sbr.rel @p0 .LBB2_74-.Ltmp36, $4  }
0x3ff: {  	[tilespmem:s3+$0xFFFFFFD0] =	vst.add.f32.msk $0xffff, v4  }
0x400: {  	[tilespmem:s3+$0xFFFFFF90] =	vst.add.f32.msk $0xffff, v0  }
0x401: {  	[tilespmem:s3+$0xFFFFFFE0] =	vst.add.f32.msk $0xffff, v5  }
0x402: {  	s6 =	sadd.s32 $0x100, s6;
	[tilespmem:s3+$0xFFFFFFF0] =	vst.add.f32.msk $0xffff, v6  }
0x403: {  	s3 =	simm.s32 $0x10;
	s6 =	sadd.s32 $0x0, s13;
	s4 =	simm.s32 $0x1C880  }
.LBB2_76:
0x404: {  	[tilespmem:s10], [sflag:$0x2] =	stream.linear.gather [hbm4b:s6+s5], $0x80, $0x38;
	[tilespmem:$0x1E700] =	vst v63  }
0x405: {  	s6 =	smov.u32 s3;
	s10 =	smov.u32 s4;
	p0 =	sne.s32 s3, $0x1F0  }
.Ltmp37:
0x406: {  	s3 =	sadd.s32 $0x10, s3;
	(pc) =	sbr.rel @p0 .LBB2_76-.Ltmp37, $2  }
0x407: {  	_ =	sdelay $0x2  }
0x408: {  	s4 =	sadd.s32 $0x100, s4;
	s6 =	sadd.s32 s6, s13  }
0x409: {  	[tilespmem:s10], [sflag:$0x2] =	stream.linear.gather [hbm4b:s6+s5], $0x80, $0x38;
	[tilespmem:$0x1E700] =	vst v63  }
0x40a: {  	_ =	swait.ge [sflag:s28], $0x1000  }
0x40b: {  	[sflag:s28] =	ssyncset.done $0x0  }
0x40c: {  	s3 =	simm.s32 $0x1C740;
	[sflag:s28] =	ssyncadd.s32 $0xFFFFF000  }
0x40d: {  	v0 =	vld [tilespmem:s3+$0x30]  }
0x40e: {  	v1 =	vld [tilespmem:s3+$0xFFFFFFD0]  }
0x40f: {  	v2 =	vld [tilespmem:s3+$0xFFFFFFE0]  }
0x410: {  	v3 =	vld [tilespmem:s3+$0xFFFFFFF0]  }
0x411: {  	v4 =	vld [tilespmem:s3+$0x0]  }
0x412: {  	v5 =	vld [tilespmem:s3+$0x10]  }
0x413: {  	v7 =	vld [tilespmem:s3+$0xFFFFFFC0]  }
0x414: {  	v6 =	vld [tilespmem:s3+$0x20]  }
0x415: {  	v0 =	vld.idx.msk [tilespmem:v0+s5+$0x0], $0xffff  }
0x416: {  	v1 =	vld.idx.msk [tilespmem:v1+s5+$0x0], $0xffff  }
0x417: {  	v2 =	vld.idx.msk [tilespmem:v2+s5+$0x0], $0xffff  }
0x418: {  	v3 =	vld.idx.msk [tilespmem:v3+s5+$0x0], $0xffff  }
0x419: {  	v4 =	vld.idx.msk [tilespmem:v4+s5+$0x0], $0xffff  }
0x41a: {  	v5 =	vld.idx.msk [tilespmem:v5+s5+$0x0], $0xffff  }
0x41b: {  	v63 =	vld.idx.msk [tilespmem:v7+s5+$0x0], $0xffff  }
0x41c: {  	s3 =	simm.s32 $0x1A770;
	v6 =	vld.idx.msk [tilespmem:v6+s5+$0x0], $0xffff  }
0x41d: {  	[tilespmem:s3+$0x0] =	vst.add.f32.msk $0xffff, v0  }
0x41e: {  	[tilespmem:s3+$0xFFFFFFA0] =	vst.add.f32.msk $0xffff, v1  }
0x41f: {  	[tilespmem:s3+$0xFFFFFFB0] =	vst.add.f32.msk $0xffff, v2  }
0x420: {  	[tilespmem:s3+$0xFFFFFFC0] =	vst.add.f32.msk $0xffff, v3  }
0x421: {  	[tilespmem:s3+$0xFFFFFFD0] =	vst.add.f32.msk $0xffff, v4  }
0x422: {  	[tilespmem:s3+$0xFFFFFF90] =	vst.add.f32.msk $0xffff, v63  }
0x423: {  	[tilespmem:s3+$0xFFFFFFE0] =	vst.add.f32.msk $0xffff, v5  }
0x424: {  	s4 =	simm.s32 $0x0;
	s6 =	simm.s32 $0x1C840;
	[tilespmem:s3+$0xFFFFFFF0] =	vst.add.f32.msk $0xffff, v6  }
.LBB2_78:
0x425: {  	v0 =	vld [tilespmem:s6+$0x30];
	s4 =	sadd.s32 $0x80, s4  }
0x426: {  	v1 =	vld [tilespmem:s6+$0xFFFFFFD0];
	p0 =	slt.u32 s4, $0xF80  }
0x427: {  	v2 =	vld [tilespmem:s6+$0xFFFFFFE0]  }
0x428: {  	v3 =	vld [tilespmem:s6+$0xFFFFFFF0]  }
0x429: {  	v4 =	vld [tilespmem:s6+$0x0]  }
0x42a: {  	v5 =	vld [tilespmem:s6+$0x10]  }
0x42b: {  	v6 =	vld [tilespmem:s6+$0x20]  }
0x42c: {  	v7 =	vld [tilespmem:s6+$0xFFFFFFC0]  }
0x42d: {  	v0 =	vld.idx.msk [tilespmem:v0+s5+$0x0], $0xffff  }
0x42e: {  	v1 =	vld.idx.msk [tilespmem:v1+s5+$0x0], $0xffff  }
0x42f: {  	v2 =	vld.idx.msk [tilespmem:v2+s5+$0x0], $0xffff  }
0x430: {  	v3 =	vld.idx.msk [tilespmem:v3+s5+$0x0], $0xffff  }
0x431: {  	v4 =	vld.idx.msk [tilespmem:v4+s5+$0x0], $0xffff  }
0x432: {  	s3 =	sadd.s32 $0x80, s3;
	v5 =	vld.idx.msk [tilespmem:v5+s5+$0x0], $0xffff  }
0x433: {  	[tilespmem:s3+$0x0] =	vst.add.f32.msk $0xffff, v0  }
0x434: {  	v0 =	vld.idx.msk [tilespmem:v7+s5+$0x0], $0xffff  }
0x435: {  	v6 =	vld.idx.msk [tilespmem:v6+s5+$0x0], $0xffff  }
0x436: {  	[tilespmem:s3+$0xFFFFFFA0] =	vst.add.f32.msk $0xffff, v1  }
0x437: {  	[tilespmem:s3+$0xFFFFFFB0] =	vst.add.f32.msk $0xffff, v2  }
.Ltmp38:
0x438: {  	[tilespmem:s3+$0xFFFFFFC0] =	vst.add.f32.msk $0xffff, v3;
	(pc) =	sbr.rel @p0 .LBB2_78-.Ltmp38, $4  }
0x439: {  	[tilespmem:s3+$0xFFFFFFD0] =	vst.add.f32.msk $0xffff, v4  }
0x43a: {  	[tilespmem:s3+$0xFFFFFF90] =	vst.add.f32.msk $0xffff, v0  }
0x43b: {  	[tilespmem:s3+$0xFFFFFFE0] =	vst.add.f32.msk $0xffff, v5  }
0x43c: {  	s6 =	sadd.s32 $0x100, s6;
	[tilespmem:s3+$0xFFFFFFF0] =	vst.add.f32.msk $0xffff, v6  }
0x43d: {  	_ =	swait.ge [sflag:s28], $0x1000  }
0x43e: {  	[sflag:s28] =	ssyncset.done $0x0  }
0x43f: {  	s3 =	simm.s32 $0x1C7F0;
	[sflag:s28] =	ssyncadd.s32 $0xFFFFF000  }
0x440: {  	v0 =	vld [tilespmem:s3+$0x0]  }
0x441: {  	v1 =	vld [tilespmem:s3+$0xFFFFFFA0]  }
0x442: {  	v2 =	vld [tilespmem:s3+$0xFFFFFFB0]  }
0x443: {  	v3 =	vld [tilespmem:s3+$0xFFFFFFC0]  }
0x444: {  	v4 =	vld [tilespmem:s3+$0xFFFFFFD0]  }
0x445: {  	v5 =	vld [tilespmem:s3+$0xFFFFFFE0]  }
0x446: {  	v7 =	vld [tilespmem:s3+$0xFFFFFF90]  }
0x447: {  	v6 =	vld [tilespmem:s3+$0xFFFFFFF0]  }
0x448: {  	v0 =	vld.idx.msk [tilespmem:v0+s5+$0x0], $0xffff  }
0x449: {  	v1 =	vld.idx.msk [tilespmem:v1+s5+$0x0], $0xffff  }
0x44a: {  	v2 =	vld.idx.msk [tilespmem:v2+s5+$0x0], $0xffff  }
0x44b: {  	v3 =	vld.idx.msk [tilespmem:v3+s5+$0x0], $0xffff  }
0x44c: {  	v4 =	vld.idx.msk [tilespmem:v4+s5+$0x0], $0xffff  }
0x44d: {  	v5 =	vld.idx.msk [tilespmem:v5+s5+$0x0], $0xffff  }
0x44e: {  	v63 =	vld.idx.msk [tilespmem:v7+s5+$0x0], $0xffff  }
0x44f: {  	s3 =	simm.s32 $0x1B770;
	v6 =	vld.idx.msk [tilespmem:v6+s5+$0x0], $0xffff  }
0x450: {  	[tilespmem:s3+$0x0] =	vst.add.f32.msk $0xffff, v0  }
0x451: {  	[tilespmem:s3+$0xFFFFFFA0] =	vst.add.f32.msk $0xffff, v1  }
0x452: {  	[tilespmem:s3+$0xFFFFFFB0] =	vst.add.f32.msk $0xffff, v2  }
0x453: {  	[tilespmem:s3+$0xFFFFFFC0] =	vst.add.f32.msk $0xffff, v3  }
0x454: {  	[tilespmem:s3+$0xFFFFFFD0] =	vst.add.f32.msk $0xffff, v4  }
0x455: {  	[tilespmem:s3+$0xFFFFFF90] =	vst.add.f32.msk $0xffff, v63  }
0x456: {  	[tilespmem:s3+$0xFFFFFFE0] =	vst.add.f32.msk $0xffff, v5  }
0x457: {  	s4 =	simm.s32 $0x0;
	s6 =	simm.s32 $0x1C8F0;
	[tilespmem:s3+$0xFFFFFFF0] =	vst.add.f32.msk $0xffff, v6  }
.LBB2_80:
0x458: {  	v0 =	vld [tilespmem:s6+$0x0];
	s4 =	sadd.s32 $0x80, s4  }
0x459: {  	v1 =	vld [tilespmem:s6+$0xFFFFFFA0];
	p0 =	slt.u32 s4, $0xF80  }
0x45a: {  	v2 =	vld [tilespmem:s6+$0xFFFFFFB0]  }
0x45b: {  	v3 =	vld [tilespmem:s6+$0xFFFFFFC0]  }
0x45c: {  	v4 =	vld [tilespmem:s6+$0xFFFFFFD0]  }
0x45d: {  	v5 =	vld [tilespmem:s6+$0xFFFFFFE0]  }
0x45e: {  	v6 =	vld [tilespmem:s6+$0xFFFFFFF0]  }
0x45f: {  	v7 =	vld [tilespmem:s6+$0xFFFFFF90]  }
0x460: {  	v0 =	vld.idx.msk [tilespmem:v0+s5+$0x0], $0xffff  }
0x461: {  	v1 =	vld.idx.msk [tilespmem:v1+s5+$0x0], $0xffff  }
0x462: {  	v2 =	vld.idx.msk [tilespmem:v2+s5+$0x0], $0xffff  }
0x463: {  	v3 =	vld.idx.msk [tilespmem:v3+s5+$0x0], $0xffff  }
0x464: {  	v4 =	vld.idx.msk [tilespmem:v4+s5+$0x0], $0xffff  }
0x465: {  	s3 =	sadd.s32 $0x80, s3;
	v5 =	vld.idx.msk [tilespmem:v5+s5+$0x0], $0xffff  }
0x466: {  	[tilespmem:s3+$0x0] =	vst.add.f32.msk $0xffff, v0  }
0x467: {  	v0 =	vld.idx.msk [tilespmem:v7+s5+$0x0], $0xffff  }
0x468: {  	v6 =	vld.idx.msk [tilespmem:v6+s5+$0x0], $0xffff  }
0x469: {  	[tilespmem:s3+$0xFFFFFFA0] =	vst.add.f32.msk $0xffff, v1  }
0x46a: {  	[tilespmem:s3+$0xFFFFFFB0] =	vst.add.f32.msk $0xffff, v2  }
.Ltmp39:
0x46b: {  	[tilespmem:s3+$0xFFFFFFC0] =	vst.add.f32.msk $0xffff, v3;
	(pc) =	sbr.rel @p0 .LBB2_80-.Ltmp39, $4  }
0x46c: {  	[tilespmem:s3+$0xFFFFFFD0] =	vst.add.f32.msk $0xffff, v4  }
0x46d: {  	[tilespmem:s3+$0xFFFFFF90] =	vst.add.f32.msk $0xffff, v0  }
0x46e: {  	[tilespmem:s3+$0xFFFFFFE0] =	vst.add.f32.msk $0xffff, v5  }
0x46f: {  	s6 =	sadd.s32 $0x100, s6;
	[tilespmem:s3+$0xFFFFFFF0] =	vst.add.f32.msk $0xffff, v6  }
0x470: {  	s3 =	simm.s32 $0x0;
	s4 =	simm.s32 $0x1C700;
	s6 =	simm.s32 $0x0  }
0x471: {  	[tilespmem:s3], [sflag:$0x1] =	stream.strided.gather [hbm4b:s21+s24], $0x18700, s25, s24, $0x38;
	[tilespmem:$0x1E700] =	vst v63  }
.LBB2_82:
0x472: {  	p0 =	sne.s32 s6, $0x1F0  }
.Ltmp40:
0x473: {  	_ = 	snop;
	(pc) =	sbr.rel @p0 .LBB2_82-.Ltmp40, $4  }
0x474: {  	_ = 	snop  }
0x475: {  	s10 =	sadd.s32 s6, s2  }
0x476: {  	[tilespmem:s4], [sflag:$0x2] =	stream.linear.gather [hbm4b:s10+s3], $0x80, $0x38;
	[tilespmem:$0x1E700] =	vst v63  }
0x477: {  	s6 =	sadd.s32 $0x10, s6;
	s4 =	sadd.s32 $0x100, s4  }
0x478: {  	s3 =	simm.s32 $0x1C780  }
0x479: {  	s4 =	simm.s32 $0x10;
	s10 =	sadd.s32 $0x0, s15;
	s6 =	simm.s32 $0x1C880  }
.LBB2_84:
0x47a: {  	[tilespmem:s3], [sflag:$0x2] =	stream.linear.gather [hbm4b:s10+s5], $0x80, $0x38;
	[tilespmem:$0x1E700] =	vst v63  }
0x47b: {  	s10 =	smov.u32 s4;
	s3 =	smov.u32 s6;
	p0 =	sne.s32 s4, $0x1F0  }
.Ltmp41:
0x47c: {  	s4 =	sadd.s32 $0x10, s4;
	(pc) =	sbr.rel @p0 .LBB2_84-.Ltmp41, $2  }
0x47d: {  	_ =	sdelay $0x2  }
0x47e: {  	s6 =	sadd.s32 $0x100, s6;
	s10 =	sadd.s32 s10, s15  }
0x47f: {  	[tilespmem:s3], [sflag:$0x2] =	stream.linear.gather [hbm4b:s10+s5], $0x80, $0x38;
	[tilespmem:$0x1E700] =	vst v63  }
0x480: {  	_ =	swait.ge [sflag:s26], $0x18700  }
0x481: {  	[sflag:s26] =	ssyncset.done $0x0  }
0x482: {  	[sflag:s26] =	ssyncadd.s32 $0xFFFE7900  }
0x483: {  	_ =	swait.ge [sflag:s28], $0x1000  }
0x484: {  	[sflag:s28] =	ssyncset.done $0x0  }
0x485: {  	s10 =	simm.s32 $0x1C740;
	[sflag:s28] =	ssyncadd.s32 $0xFFFFF000  }
0x486: {  	v0 =	vld [tilespmem:s10+$0x30]  }
0x487: {  	v1 =	vld [tilespmem:s10+$0xFFFFFFD0]  }
0x488: {  	v2 =	vld [tilespmem:s10+$0xFFFFFFE0]  }
0x489: {  	v3 =	vld [tilespmem:s10+$0xFFFFFFF0]  }
0x48a: {  	v4 =	vld [tilespmem:s10+$0x0]  }
0x48b: {  	v5 =	vld [tilespmem:s10+$0x10]  }
0x48c: {  	v7 =	vld [tilespmem:s10+$0xFFFFFFC0]  }
0x48d: {  	s4 =	simm.s32 $0x0;
	v6 =	vld [tilespmem:s10+$0x20]  }
0x48e: {  	v0 =	vld.idx.msk [tilespmem:v0+s4+$0x0], $0xffff  }
0x48f: {  	v1 =	vld.idx.msk [tilespmem:v1+s4+$0x0], $0xffff  }
0x490: {  	v2 =	vld.idx.msk [tilespmem:v2+s4+$0x0], $0xffff  }
0x491: {  	v3 =	vld.idx.msk [tilespmem:v3+s4+$0x0], $0xffff  }
0x492: {  	v4 =	vld.idx.msk [tilespmem:v4+s4+$0x0], $0xffff  }
0x493: {  	v5 =	vld.idx.msk [tilespmem:v5+s4+$0x0], $0xffff  }
0x494: {  	v63 =	vld.idx.msk [tilespmem:v7+s4+$0x0], $0xffff  }
0x495: {  	s3 =	simm.s32 $0x18770;
	v6 =	vld.idx.msk [tilespmem:v6+s4+$0x0], $0xffff  }
0x496: {  	[tilespmem:s3+$0x0] =	vst.add.f32.msk $0xffff, v0  }
0x497: {  	[tilespmem:s3+$0xFFFFFFA0] =	vst.add.f32.msk $0xffff, v1  }
0x498: {  	[tilespmem:s3+$0xFFFFFFB0] =	vst.add.f32.msk $0xffff, v2  }
0x499: {  	[tilespmem:s3+$0xFFFFFFC0] =	vst.add.f32.msk $0xffff, v3  }
0x49a: {  	[tilespmem:s3+$0xFFFFFFD0] =	vst.add.f32.msk $0xffff, v4  }
0x49b: {  	[tilespmem:s3+$0xFFFFFF90] =	vst.add.f32.msk $0xffff, v63  }
0x49c: {  	[tilespmem:s3+$0xFFFFFFE0] =	vst.add.f32.msk $0xffff, v5  }
0x49d: {  	s29 =	simm.s32 $0x0;
	s6 =	simm.s32 $0x1C840;
	[tilespmem:s3+$0xFFFFFFF0] =	vst.add.f32.msk $0xffff, v6  }
.LBB2_86:
0x49e: {  	v0 =	vld [tilespmem:s6+$0x30];
	s29 =	sadd.s32 $0x80, s29  }
0x49f: {  	v1 =	vld [tilespmem:s6+$0xFFFFFFD0];
	p0 =	slt.u32 s29, $0xF80  }
0x4a0: {  	v2 =	vld [tilespmem:s6+$0xFFFFFFE0]  }
0x4a1: {  	v3 =	vld [tilespmem:s6+$0xFFFFFFF0]  }
0x4a2: {  	v4 =	vld [tilespmem:s6+$0x0]  }
0x4a3: {  	v5 =	vld [tilespmem:s6+$0x10]  }
0x4a4: {  	v6 =	vld [tilespmem:s6+$0x20]  }
0x4a5: {  	v7 =	vld [tilespmem:s6+$0xFFFFFFC0]  }
0x4a6: {  	v0 =	vld.idx.msk [tilespmem:v0+s4+$0x0], $0xffff  }
0x4a7: {  	v1 =	vld.idx.msk [tilespmem:v1+s4+$0x0], $0xffff  }
0x4a8: {  	v2 =	vld.idx.msk [tilespmem:v2+s4+$0x0], $0xffff  }
0x4a9: {  	v3 =	vld.idx.msk [tilespmem:v3+s4+$0x0], $0xffff  }
0x4aa: {  	v4 =	vld.idx.msk [tilespmem:v4+s4+$0x0], $0xffff  }
0x4ab: {  	s3 =	sadd.s32 $0x80, s3;
	v5 =	vld.idx.msk [tilespmem:v5+s4+$0x0], $0xffff  }
0x4ac: {  	s10 =	simm.s32 $0x1C700;
	[tilespmem:s3+$0x0] =	vst.add.f32.msk $0xffff, v0  }
0x4ad: {  	v0 =	vld.idx.msk [tilespmem:v7+s4+$0x0], $0xffff  }
0x4ae: {  	v6 =	vld.idx.msk [tilespmem:v6+s4+$0x0], $0xffff  }
0x4af: {  	[tilespmem:s3+$0xFFFFFFA0] =	vst.add.f32.msk $0xffff, v1  }
0x4b0: {  	[tilespmem:s3+$0xFFFFFFB0] =	vst.add.f32.msk $0xffff, v2  }
.Ltmp42:
0x4b1: {  	[tilespmem:s3+$0xFFFFFFC0] =	vst.add.f32.msk $0xffff, v3;
	(pc) =	sbr.rel @p0 .LBB2_86-.Ltmp42, $4  }
0x4b2: {  	[tilespmem:s3+$0xFFFFFFD0] =	vst.add.f32.msk $0xffff, v4  }
0x4b3: {  	[tilespmem:s3+$0xFFFFFF90] =	vst.add.f32.msk $0xffff, v0  }
0x4b4: {  	[tilespmem:s3+$0xFFFFFFE0] =	vst.add.f32.msk $0xffff, v5  }
0x4b5: {  	s6 =	sadd.s32 $0x100, s6;
	[tilespmem:s3+$0xFFFFFFF0] =	vst.add.f32.msk $0xffff, v6  }
0x4b6: {  	s3 =	simm.s32 $0x10;
	s6 =	sadd.s32 $0x0, s16;
	s4 =	simm.s32 $0x1C800  }
.LBB2_88:
0x4b7: {  	[tilespmem:s10], [sflag:$0x2] =	stream.linear.gather [hbm4b:s6+s5], $0x80, $0x38;
	[tilespmem:$0x1E700] =	vst v63  }
0x4b8: {  	s6 =	smov.u32 s3;
	s10 =	smov.u32 s4;
	p0 =	sne.s32 s3, $0x1F0  }
.Ltmp43:
0x4b9: {  	s3 =	sadd.s32 $0x10, s3;
	(pc) =	sbr.rel @p0 .LBB2_88-.Ltmp43, $2  }
0x4ba: {  	_ =	sdelay $0x2  }
0x4bb: {  	s4 =	sadd.s32 $0x100, s4;
	s6 =	sadd.s32 s6, s16  }
0x4bc: {  	[tilespmem:s10], [sflag:$0x2] =	stream.linear.gather [hbm4b:s6+s5], $0x80, $0x38;
	[tilespmem:$0x1E700] =	vst v63  }
0x4bd: {  	_ =	swait.ge [sflag:s28], $0x1000  }
0x4be: {  	[sflag:s28] =	ssyncset.done $0x0  }
0x4bf: {  	s3 =	simm.s32 $0x1C7F0;
	[sflag:s28] =	ssyncadd.s32 $0xFFFFF000  }
0x4c0: {  	v0 =	vld [tilespmem:s3+$0x0]  }
0x4c1: {  	v1 =	vld [tilespmem:s3+$0xFFFFFFA0]  }
0x4c2: {  	v2 =	vld [tilespmem:s3+$0xFFFFFFB0]  }
0x4c3: {  	v3 =	vld [tilespmem:s3+$0xFFFFFFC0]  }
0x4c4: {  	v4 =	vld [tilespmem:s3+$0xFFFFFFD0]  }
0x4c5: {  	v5 =	vld [tilespmem:s3+$0xFFFFFFE0]  }
0x4c6: {  	v7 =	vld [tilespmem:s3+$0xFFFFFF90]  }
0x4c7: {  	s4 =	simm.s32 $0x0;
	v6 =	vld [tilespmem:s3+$0xFFFFFFF0]  }
0x4c8: {  	v0 =	vld.idx.msk [tilespmem:v0+s4+$0x0], $0xffff  }
0x4c9: {  	v1 =	vld.idx.msk [tilespmem:v1+s4+$0x0], $0xffff  }
0x4ca: {  	v2 =	vld.idx.msk [tilespmem:v2+s4+$0x0], $0xffff  }
0x4cb: {  	v3 =	vld.idx.msk [tilespmem:v3+s4+$0x0], $0xffff  }
0x4cc: {  	v4 =	vld.idx.msk [tilespmem:v4+s4+$0x0], $0xffff  }
0x4cd: {  	v5 =	vld.idx.msk [tilespmem:v5+s4+$0x0], $0xffff  }
0x4ce: {  	v63 =	vld.idx.msk [tilespmem:v7+s4+$0x0], $0xffff  }
0x4cf: {  	s3 =	simm.s32 $0x19770;
	v6 =	vld.idx.msk [tilespmem:v6+s4+$0x0], $0xffff  }
0x4d0: {  	[tilespmem:s3+$0x0] =	vst.add.f32.msk $0xffff, v0  }
0x4d1: {  	[tilespmem:s3+$0xFFFFFFA0] =	vst.add.f32.msk $0xffff, v1  }
0x4d2: {  	[tilespmem:s3+$0xFFFFFFB0] =	vst.add.f32.msk $0xffff, v2  }
0x4d3: {  	[tilespmem:s3+$0xFFFFFFC0] =	vst.add.f32.msk $0xffff, v3  }
0x4d4: {  	[tilespmem:s3+$0xFFFFFFD0] =	vst.add.f32.msk $0xffff, v4  }
0x4d5: {  	[tilespmem:s3+$0xFFFFFF90] =	vst.add.f32.msk $0xffff, v63  }
0x4d6: {  	[tilespmem:s3+$0xFFFFFFE0] =	vst.add.f32.msk $0xffff, v5  }
0x4d7: {  	s29 =	simm.s32 $0x0;
	s6 =	simm.s32 $0x1C8F0;
	[tilespmem:s3+$0xFFFFFFF0] =	vst.add.f32.msk $0xffff, v6  }
.LBB2_90:
0x4d8: {  	v0 =	vld [tilespmem:s6+$0x0];
	s29 =	sadd.s32 $0x80, s29  }
0x4d9: {  	v1 =	vld [tilespmem:s6+$0xFFFFFFA0];
	p0 =	slt.u32 s29, $0xF80  }
0x4da: {  	v2 =	vld [tilespmem:s6+$0xFFFFFFB0]  }
0x4db: {  	v3 =	vld [tilespmem:s6+$0xFFFFFFC0]  }
0x4dc: {  	v4 =	vld [tilespmem:s6+$0xFFFFFFD0]  }
0x4dd: {  	v5 =	vld [tilespmem:s6+$0xFFFFFFE0]  }
0x4de: {  	v6 =	vld [tilespmem:s6+$0xFFFFFFF0]  }
0x4df: {  	v7 =	vld [tilespmem:s6+$0xFFFFFF90]  }
0x4e0: {  	v0 =	vld.idx.msk [tilespmem:v0+s4+$0x0], $0xffff  }
0x4e1: {  	v1 =	vld.idx.msk [tilespmem:v1+s4+$0x0], $0xffff  }
0x4e2: {  	v2 =	vld.idx.msk [tilespmem:v2+s4+$0x0], $0xffff  }
0x4e3: {  	v3 =	vld.idx.msk [tilespmem:v3+s4+$0x0], $0xffff  }
0x4e4: {  	v4 =	vld.idx.msk [tilespmem:v4+s4+$0x0], $0xffff  }
0x4e5: {  	s3 =	sadd.s32 $0x80, s3;
	v5 =	vld.idx.msk [tilespmem:v5+s4+$0x0], $0xffff  }
0x4e6: {  	s10 =	simm.s32 $0x1C780;
	[tilespmem:s3+$0x0] =	vst.add.f32.msk $0xffff, v0  }
0x4e7: {  	v0 =	vld.idx.msk [tilespmem:v7+s4+$0x0], $0xffff  }
0x4e8: {  	v6 =	vld.idx.msk [tilespmem:v6+s4+$0x0], $0xffff  }
0x4e9: {  	[tilespmem:s3+$0xFFFFFFA0] =	vst.add.f32.msk $0xffff, v1  }
0x4ea: {  	[tilespmem:s3+$0xFFFFFFB0] =	vst.add.f32.msk $0xffff, v2  }
.Ltmp44:
0x4eb: {  	[tilespmem:s3+$0xFFFFFFC0] =	vst.add.f32.msk $0xffff, v3;
	(pc) =	sbr.rel @p0 .LBB2_90-.Ltmp44, $4  }
0x4ec: {  	[tilespmem:s3+$0xFFFFFFD0] =	vst.add.f32.msk $0xffff, v4  }
0x4ed: {  	[tilespmem:s3+$0xFFFFFF90] =	vst.add.f32.msk $0xffff, v0  }
0x4ee: {  	[tilespmem:s3+$0xFFFFFFE0] =	vst.add.f32.msk $0xffff, v5  }
0x4ef: {  	s6 =	sadd.s32 $0x100, s6;
	[tilespmem:s3+$0xFFFFFFF0] =	vst.add.f32.msk $0xffff, v6  }
0x4f0: {  	s3 =	simm.s32 $0x10;
	s6 =	sadd.s32 $0x0, s17;
	s4 =	simm.s32 $0x1C880  }
.LBB2_92:
0x4f1: {  	[tilespmem:s10], [sflag:$0x2] =	stream.linear.gather [hbm4b:s6+s5], $0x80, $0x38;
	[tilespmem:$0x1E700] =	vst v63  }
0x4f2: {  	s6 =	smov.u32 s3;
	s10 =	smov.u32 s4;
	p0 =	sne.s32 s3, $0x1F0  }
.Ltmp45:
0x4f3: {  	s3 =	sadd.s32 $0x10, s3;
	(pc) =	sbr.rel @p0 .LBB2_92-.Ltmp45, $2  }
0x4f4: {  	_ =	sdelay $0x2  }
0x4f5: {  	s4 =	sadd.s32 $0x100, s4;
	s6 =	sadd.s32 s6, s17  }
0x4f6: {  	[tilespmem:s10], [sflag:$0x2] =	stream.linear.gather [hbm4b:s6+s5], $0x80, $0x38;
	[tilespmem:$0x1E700] =	vst v63  }
0x4f7: {  	_ =	swait.ge [sflag:s28], $0x1000  }
0x4f8: {  	[sflag:s28] =	ssyncset.done $0x0  }
0x4f9: {  	s3 =	simm.s32 $0x1C740;
	[sflag:s28] =	ssyncadd.s32 $0xFFFFF000  }
0x4fa: {  	v0 =	vld [tilespmem:s3+$0x30]  }
0x4fb: {  	v1 =	vld [tilespmem:s3+$0xFFFFFFD0]  }
0x4fc: {  	v2 =	vld [tilespmem:s3+$0xFFFFFFE0]  }
0x4fd: {  	v3 =	vld [tilespmem:s3+$0xFFFFFFF0]  }
0x4fe: {  	v4 =	vld [tilespmem:s3+$0x0]  }
0x4ff: {  	v5 =	vld [tilespmem:s3+$0x10]  }
0x500: {  	v7 =	vld [tilespmem:s3+$0xFFFFFFC0]  }
0x501: {  	v6 =	vld [tilespmem:s3+$0x20]  }
0x502: {  	v0 =	vld.idx.msk [tilespmem:v0+s5+$0x0], $0xffff  }
0x503: {  	v1 =	vld.idx.msk [tilespmem:v1+s5+$0x0], $0xffff  }
0x504: {  	v2 =	vld.idx.msk [tilespmem:v2+s5+$0x0], $0xffff  }
0x505: {  	v3 =	vld.idx.msk [tilespmem:v3+s5+$0x0], $0xffff  }
0x506: {  	v4 =	vld.idx.msk [tilespmem:v4+s5+$0x0], $0xffff  }
0x507: {  	v5 =	vld.idx.msk [tilespmem:v5+s5+$0x0], $0xffff  }
0x508: {  	v63 =	vld.idx.msk [tilespmem:v7+s5+$0x0], $0xffff  }
0x509: {  	s3 =	simm.s32 $0x1A770;
	v6 =	vld.idx.msk [tilespmem:v6+s5+$0x0], $0xffff  }
0x50a: {  	[tilespmem:s3+$0x0] =	vst.add.f32.msk $0xffff, v0  }
0x50b: {  	[tilespmem:s3+$0xFFFFFFA0] =	vst.add.f32.msk $0xffff, v1  }
0x50c: {  	[tilespmem:s3+$0xFFFFFFB0] =	vst.add.f32.msk $0xffff, v2  }
0x50d: {  	[tilespmem:s3+$0xFFFFFFC0] =	vst.add.f32.msk $0xffff, v3  }
0x50e: {  	[tilespmem:s3+$0xFFFFFFD0] =	vst.add.f32.msk $0xffff, v4  }
0x50f: {  	[tilespmem:s3+$0xFFFFFF90] =	vst.add.f32.msk $0xffff, v63  }
0x510: {  	[tilespmem:s3+$0xFFFFFFE0] =	vst.add.f32.msk $0xffff, v5  }
0x511: {  	s4 =	simm.s32 $0x0;
	s6 =	simm.s32 $0x1C840;
	s29 =	simm.s32 $0x18700;
	[tilespmem:s3+$0xFFFFFFF0] =	vst.add.f32.msk $0xffff, v6  }
.LBB2_94:
0x512: {  	v0 =	vld [tilespmem:s6+$0x30];
	s4 =	sadd.s32 $0x80, s4  }
0x513: {  	v1 =	vld [tilespmem:s6+$0xFFFFFFD0];
	p0 =	slt.u32 s4, $0xF80  }
0x514: {  	v2 =	vld [tilespmem:s6+$0xFFFFFFE0]  }
0x515: {  	v3 =	vld [tilespmem:s6+$0xFFFFFFF0]  }
0x516: {  	v4 =	vld [tilespmem:s6+$0x0]  }
0x517: {  	v5 =	vld [tilespmem:s6+$0x10]  }
0x518: {  	v6 =	vld [tilespmem:s6+$0x20]  }
0x519: {  	v7 =	vld [tilespmem:s6+$0xFFFFFFC0]  }
0x51a: {  	v0 =	vld.idx.msk [tilespmem:v0+s5+$0x0], $0xffff  }
0x51b: {  	v1 =	vld.idx.msk [tilespmem:v1+s5+$0x0], $0xffff  }
0x51c: {  	v2 =	vld.idx.msk [tilespmem:v2+s5+$0x0], $0xffff  }
0x51d: {  	v3 =	vld.idx.msk [tilespmem:v3+s5+$0x0], $0xffff  }
0x51e: {  	v4 =	vld.idx.msk [tilespmem:v4+s5+$0x0], $0xffff  }
0x51f: {  	s3 =	sadd.s32 $0x80, s3;
	v5 =	vld.idx.msk [tilespmem:v5+s5+$0x0], $0xffff  }
0x520: {  	[tilespmem:s3+$0x0] =	vst.add.f32.msk $0xffff, v0  }
0x521: {  	v0 =	vld.idx.msk [tilespmem:v7+s5+$0x0], $0xffff  }
0x522: {  	v6 =	vld.idx.msk [tilespmem:v6+s5+$0x0], $0xffff  }
0x523: {  	[tilespmem:s3+$0xFFFFFFA0] =	vst.add.f32.msk $0xffff, v1  }
0x524: {  	[tilespmem:s3+$0xFFFFFFB0] =	vst.add.f32.msk $0xffff, v2  }
.Ltmp46:
0x525: {  	[tilespmem:s3+$0xFFFFFFC0] =	vst.add.f32.msk $0xffff, v3;
	(pc) =	sbr.rel @p0 .LBB2_94-.Ltmp46, $4  }
0x526: {  	[tilespmem:s3+$0xFFFFFFD0] =	vst.add.f32.msk $0xffff, v4  }
0x527: {  	[tilespmem:s3+$0xFFFFFF90] =	vst.add.f32.msk $0xffff, v0  }
0x528: {  	[tilespmem:s3+$0xFFFFFFE0] =	vst.add.f32.msk $0xffff, v5  }
0x529: {  	s6 =	sadd.s32 $0x100, s6;
	[tilespmem:s3+$0xFFFFFFF0] =	vst.add.f32.msk $0xffff, v6  }
0x52a: {  	_ =	swait.ge [sflag:s28], $0x1000  }
0x52b: {  	[sflag:s28] =	ssyncset.done $0x0  }
0x52c: {  	s3 =	simm.s32 $0x1C7F0;
	[sflag:s28] =	ssyncadd.s32 $0xFFFFF000  }
0x52d: {  	v0 =	vld [tilespmem:s3+$0x0]  }
0x52e: {  	v1 =	vld [tilespmem:s3+$0xFFFFFFA0]  }
0x52f: {  	v2 =	vld [tilespmem:s3+$0xFFFFFFB0]  }
0x530: {  	v3 =	vld [tilespmem:s3+$0xFFFFFFC0]  }
0x531: {  	v4 =	vld [tilespmem:s3+$0xFFFFFFD0]  }
0x532: {  	v5 =	vld [tilespmem:s3+$0xFFFFFFE0]  }
0x533: {  	v7 =	vld [tilespmem:s3+$0xFFFFFF90]  }
0x534: {  	v6 =	vld [tilespmem:s3+$0xFFFFFFF0]  }
0x535: {  	v0 =	vld.idx.msk [tilespmem:v0+s5+$0x0], $0xffff  }
0x536: {  	v1 =	vld.idx.msk [tilespmem:v1+s5+$0x0], $0xffff  }
0x537: {  	v2 =	vld.idx.msk [tilespmem:v2+s5+$0x0], $0xffff  }
0x538: {  	v3 =	vld.idx.msk [tilespmem:v3+s5+$0x0], $0xffff  }
0x539: {  	v4 =	vld.idx.msk [tilespmem:v4+s5+$0x0], $0xffff  }
0x53a: {  	v5 =	vld.idx.msk [tilespmem:v5+s5+$0x0], $0xffff  }
0x53b: {  	v63 =	vld.idx.msk [tilespmem:v7+s5+$0x0], $0xffff  }
0x53c: {  	s3 =	simm.s32 $0x1B770;
	v6 =	vld.idx.msk [tilespmem:v6+s5+$0x0], $0xffff  }
0x53d: {  	[tilespmem:s3+$0x0] =	vst.add.f32.msk $0xffff, v0  }
0x53e: {  	[tilespmem:s3+$0xFFFFFFA0] =	vst.add.f32.msk $0xffff, v1  }
0x53f: {  	[tilespmem:s3+$0xFFFFFFB0] =	vst.add.f32.msk $0xffff, v2  }
0x540: {  	[tilespmem:s3+$0xFFFFFFC0] =	vst.add.f32.msk $0xffff, v3  }
0x541: {  	[tilespmem:s3+$0xFFFFFFD0] =	vst.add.f32.msk $0xffff, v4  }
0x542: {  	[tilespmem:s3+$0xFFFFFF90] =	vst.add.f32.msk $0xffff, v63  }
0x543: {  	[tilespmem:s3+$0xFFFFFFE0] =	vst.add.f32.msk $0xffff, v5  }
0x544: {  	s4 =	simm.s32 $0x0;
	s6 =	simm.s32 $0x1C8F0;
	[tilespmem:s3+$0xFFFFFFF0] =	vst.add.f32.msk $0xffff, v6  }
.LBB2_96:
0x545: {  	v0 =	vld [tilespmem:s6+$0x0];
	s4 =	sadd.s32 $0x80, s4  }
0x546: {  	v1 =	vld [tilespmem:s6+$0xFFFFFFA0];
	p0 =	slt.u32 s4, $0xF80  }
0x547: {  	v2 =	vld [tilespmem:s6+$0xFFFFFFB0]  }
0x548: {  	v3 =	vld [tilespmem:s6+$0xFFFFFFC0]  }
0x549: {  	v4 =	vld [tilespmem:s6+$0xFFFFFFD0]  }
0x54a: {  	v5 =	vld [tilespmem:s6+$0xFFFFFFE0]  }
0x54b: {  	v6 =	vld [tilespmem:s6+$0xFFFFFFF0]  }
0x54c: {  	v7 =	vld [tilespmem:s6+$0xFFFFFF90]  }
0x54d: {  	v0 =	vld.idx.msk [tilespmem:v0+s5+$0x0], $0xffff  }
0x54e: {  	v1 =	vld.idx.msk [tilespmem:v1+s5+$0x0], $0xffff  }
0x54f: {  	v2 =	vld.idx.msk [tilespmem:v2+s5+$0x0], $0xffff  }
0x550: {  	v3 =	vld.idx.msk [tilespmem:v3+s5+$0x0], $0xffff  }
0x551: {  	v4 =	vld.idx.msk [tilespmem:v4+s5+$0x0], $0xffff  }
0x552: {  	s3 =	sadd.s32 $0x80, s3;
	v5 =	vld.idx.msk [tilespmem:v5+s5+$0x0], $0xffff  }
0x553: {  	[tilespmem:s3+$0x0] =	vst.add.f32.msk $0xffff, v0  }
0x554: {  	v0 =	vld.idx.msk [tilespmem:v7+s5+$0x0], $0xffff  }
0x555: {  	v6 =	vld.idx.msk [tilespmem:v6+s5+$0x0], $0xffff  }
0x556: {  	[tilespmem:s3+$0xFFFFFFA0] =	vst.add.f32.msk $0xffff, v1  }
0x557: {  	[tilespmem:s3+$0xFFFFFFB0] =	vst.add.f32.msk $0xffff, v2  }
.Ltmp47:
0x558: {  	[tilespmem:s3+$0xFFFFFFC0] =	vst.add.f32.msk $0xffff, v3;
	(pc) =	sbr.rel @p0 .LBB2_96-.Ltmp47, $4  }
0x559: {  	[tilespmem:s3+$0xFFFFFFD0] =	vst.add.f32.msk $0xffff, v4  }
0x55a: {  	[tilespmem:s3+$0xFFFFFF90] =	vst.add.f32.msk $0xffff, v0  }
0x55b: {  	[tilespmem:s3+$0xFFFFFFE0] =	vst.add.f32.msk $0xffff, v5  }
0x55c: {  	s6 =	sadd.s32 $0x100, s6;
	[tilespmem:s3+$0xFFFFFFF0] =	vst.add.f32.msk $0xffff, v6  }
0x55d: {  	s31 =	sadd.s32 $0x1, s31  }
0x55e: {  	p0 =	sne.s32 s31, s23  }
.Ltmp48:
0x55f: {  	_ = 	snop;
	(pc) =	sbr.rel @p0 .LBB2_1-.Ltmp48, $4  }
0x560: {  	[hbm4b:s22+s24] =	stream.strided.scatter [tilespmem:s29], [sflag:$0x3], $0x4000, s25, s24, $0x38;
	[tilespmem:$0x1E700] =	vst v63  }
0x561: {  	_ =	swait.ge [sflag:s30], $0x4000  }
0x562: {  	[sflag:s30] =	ssyncset.done $0x0  }
0x563: {  	[sflag:s30] =	ssyncadd.s32 $0xFFFFC000  }
0x564: {  	_ =	sfence.sel $0x180000  }
0x565: {  	[bflag:$0x0] =	sbarrier.arrive $0xFFFF  }
0x566: {  	_ =	strace $0x90000047  }
0x567: {  	s0 =	stileid.u32;
	[bflag:$0x2] =	sbarrier.arrive $0xFFFF  }
0x568: {  	p0 =	sne.s32 s0, $0x0;
	s0 =	rddreg [dreg:$0x7]  }
0x569: {  	s0 =	sadd.s32 @!p0 $0x100000, s0  }
0x56a: {  	[sflag:s0] =	ssyncadd.tile.s32 @!p0 $0x1;
	_ =	shalt  }
.Lfunc_end2:
_tile_overlayer_lowered:
.L_overlay_start_2:
0x56b: {  	(tag) =	ssettag $0x2  }
0x56c: {  	s0 =	rddreg [dreg:$0x0];
	s2 =	stileid.u32  }
0x56d: {  	s1 =	rddreg [dreg:$0x1];
	p0 =	sne.s32 s2, $0x0  }
0x56e: {  	s3 =	rddreg [dreg:$0x2];
	[bflag:$0x3] =	sbarrier.arrive $0xFFFF;
	s2 =	simm.s32 @!p0 $0x1C03  }
0x56f: {  	[timem:s3], [sflag:s2] =	dma.local @!p0 [hbm:s0], s1  }
0x570: {  	s0 =	simm.s32 @!p0 $0x3  }
0x571: {  	_ =	swait.ge @!p0 [sflag:s0], s1  }
0x572: {  	s1 =	ssub.s32 @!p0 $0x0, s1;
	[sflag:s0] =	ssyncset.done @!p0 $0x0  }
0x573: {  	[sflag:s0] =	ssyncadd.s32 @!p0 s1  }
0x574: {  	[bflag:$0x3] =	sbarrier.arrive $0xFFFF  }
0x575: {  	_ =	shalt  }

</sc_bundles>
